<compile_context>
chip_gen: v7x
topology: tpu7x:2x2x1
jax: 0.10.2.dev20260603
libtpu: 0.0.44.dev20260713+nightly
codegen_flags: <defaults>
</compile_context>

<pallas_src>
import functools
import jax
import jax.numpy as jnp
from jax import lax
from jax.experimental import pallas as pl
from jax.experimental.pallas import tpu as pltpu
from jax.experimental.pallas import tpu_sc as plsc

_K = 20
_R = 256
_T = 128
_NW = 32
_G = 4


def _pd_topk_kernel(h_ref, hr_ref, idx_ref):
    b = pl.program_id(0)
    hb = h_ref[0]
    N = hb.shape[1]
    rows = hr_ref[0]
    g = jax.lax.dot_general(rows, hb, (((0,), (0,)), ((), ())),
                            preferred_element_type=jnp.float32)
    inner = -2.0 * g
    xx = jnp.sum(hb * hb, axis=0)
    xxr = jnp.sum(rows * rows, axis=0)
    pd = (-xxr[:, None] - inner) - xx[None, :]

    col = lax.broadcasted_iota(jnp.int32, (_R, N), 1)
    cur = pd
    for kk in range(_K):
        m = jnp.max(cur, axis=1, keepdims=True)
        eq = cur == m
        cand = jnp.where(eq, col, N)
        amin = jnp.min(cand, axis=1)
        idx_ref[0, kk, :] = amin + b * N
        cur = jnp.where(col == amin[:, None], -jnp.inf, cur)


def _pd_topk(h):
    B, C, N = h.shape
    return pl.pallas_call(
        _pd_topk_kernel,
        grid=(B, N // _R),
        in_specs=[pl.BlockSpec((1, C, N), lambda b, r: (b, 0, 0)),
                  pl.BlockSpec((1, C, _R), lambda b, r: (b, 0, r))],
        out_specs=pl.BlockSpec((1, _K, _R), lambda b, r: (b, 0, r)),
        out_shape=jax.ShapeDtypeStruct((B, _K, N), jnp.int32),
        compiler_params=pltpu.CompilerParams(
            dimension_semantics=("parallel", "parallel")),
    )(h, h)


def _sc_gather(table, idx_flat):
    BN, Cp = table.shape
    ppw = BN // _NW
    mesh = plsc.VectorSubcoreMesh(core_axis_name="c", subcore_axis_name="s")

    @functools.partial(
        pl.kernel,
        mesh=mesh,
        out_type=jax.ShapeDtypeStruct((BN * _K, Cp), jnp.float32),
        scratch_types=[
            pltpu.VMEM((ppw * _K,), jnp.int32),
            pltpu.VMEM((_G * _K, Cp), jnp.float32),
            pltpu.SemaphoreType.DMA,
        ],
    )
    def sc_kernel(table_hbm, idx_hbm, feat_hbm, idxb, rows, sem):
        wid = lax.axis_index("s") * 2 + lax.axis_index("c")
        base = wid * ppw
        pltpu.sync_copy(idx_hbm.at[pl.ds(base * _K, ppw * _K)], idxb)

        def chunk(g, c):
            pltpu.async_copy(
                table_hbm.at[idxb.at[pl.ds(g * (_G * _K), _G * _K)]],
                rows, sem).wait()
            pltpu.sync_copy(
                rows, feat_hbm.at[pl.ds((base + g * _G) * _K, _G * _K)])
            return c

        lax.fori_loop(0, ppw // _G, chunk, 0)

    return sc_kernel(table, idx_flat)


def _edge_kernel(c_dim, f_ref, c_ref, w_ref, b_ref, m_ref, s1_ref, s2_ref):
    r = pl.program_id(1)
    ft = f_ref[0][:, :, :c_dim]
    ct = c_ref[0]
    T, K, C = ft.shape
    e = jnp.concatenate([ft - ct[:, None, :],
                         jnp.broadcast_to(ct[:, None, :], ft.shape)],
                        axis=-1)
    e = e.reshape(T * K, 2 * C)
    y = jax.lax.dot_general(e, w_ref[...], (((1,), (1,)), ((), ())),
                            preferred_element_type=jnp.float32)
    y = y + b_ref[...][None, :]
    H = y.shape[1]
    yk = y.reshape(T, K, H)
    m_ref[0] = jnp.max(yk, axis=1)

    p1 = jnp.sum(y, axis=0)
    p2 = jnp.sum(y * y, axis=0)

    @pl.when(r == 0)
    def _():
        s1_ref[...] = jnp.zeros_like(s1_ref)
        s2_ref[...] = jnp.zeros_like(s2_ref)

    s1_ref[0, 0, :] = s1_ref[0, 0, :] + p1
    s2_ref[0, 0, :] = s2_ref[0, 0, :] + p2


def _edge(feat, xt, W, b):
    B, N, K, Cp = feat.shape
    C = xt.shape[2]
    H = W.shape[0]
    return pl.pallas_call(
        functools.partial(_edge_kernel, C),
        grid=(B, N // _T),
        in_specs=[
            pl.BlockSpec((1, _T, K, Cp), lambda b_, r: (b_, r, 0, 0)),
            pl.BlockSpec((1, _T, C), lambda b_, r: (b_, r, 0)),
            pl.BlockSpec((H, 2 * C), lambda b_, r: (0, 0)),
            pl.BlockSpec((H,), lambda b_, r: (0,)),
        ],
        out_specs=[
            pl.BlockSpec((1, _T, H), lambda b_, r: (b_, r, 0)),
            pl.BlockSpec((1, 8, H), lambda b_, r: (b_, 0, 0)),
            pl.BlockSpec((1, 8, H), lambda b_, r: (b_, 0, 0)),
        ],
        out_shape=[
            jax.ShapeDtypeStruct((B, N, H), jnp.float32),
            jax.ShapeDtypeStruct((B, 8, H), jnp.float32),
            jax.ShapeDtypeStruct((B, 8, H), jnp.float32),
        ],
        compiler_params=pltpu.CompilerParams(
            dimension_semantics=("parallel", "arbitrary")),
    )(feat, xt, W, b)


def _final_kernel(c_ref, w_ref, b_ref, o_ref):
    B = c_ref.shape[0]
    for b in range(B):
        cb = c_ref[b]
        y = jax.lax.dot_general(w_ref[...], cb, (((1,), (0,)), ((), ())),
                                preferred_element_type=jnp.float32)
        o_ref[b] = jnp.max(y, axis=1) + b_ref[...]


def _final(cat, Wf, bf):
    B, F, N = cat.shape
    Z = Wf.shape[0]
    return pl.pallas_call(
        _final_kernel,
        out_shape=jax.ShapeDtypeStruct((B, Z), jnp.float32),
    )(cat, Wf, bf)


def kernel(x, W1, b1, W2, b2, W3, b3, W4, b4, Wf, bf):
    B, N, _ = x.shape
    h = jnp.transpose(x, (0, 2, 1))
    xs = []
    for (W, b) in [(W1, b1), (W2, b2), (W3, b3), (W4, b4)]:
        C = W.shape[1] // 2
        idx = _pd_topk(h)
        idx_flat = jnp.transpose(idx, (0, 2, 1)).reshape(B * N * _K)
        xt = jnp.transpose(h, (0, 2, 1))
        Cp = ((C + 127) // 128) * 128
        table = jnp.pad(xt, ((0, 0), (0, 0), (0, Cp - C))).reshape(B * N, Cp)
        feat = _sc_gather(table, idx_flat).reshape(B, N, _K, Cp)
        M, S1, S2 = _edge(feat, xt, W, b)
        denom = float(B * N * _K)
        mu = jnp.sum(S1[:, 0, :], axis=0) / denom
        var = jnp.sum(S2[:, 0, :], axis=0) / denom - mu * mu
        hn = (M - mu[None, None, :]) / jnp.sqrt(var + 1e-5)[None, None, :]
        hn = jnp.where(hn > 0, hn, 0.2 * hn)
        h = jnp.transpose(hn, (0, 2, 1))
        xs.append(h)
    cat = jnp.concatenate(xs, axis=1)
    return _final(cat, Wf, bf)

# --- scband reference (transcript-rebuilt; emitter-appended) ---
"""Pipeline reference for scband-dgcnn-41618233099167 (READ-ONLY COPY).

The authoritative reference and input builder live on the scoring server;
editing this copy changes nothing except your own understanding.
"""

import jax, jax.numpy as jnp
import numpy as np

B, N, CIN, K = 8, 1024, 3, 20
H = [64, 64, 128, 256]
ZOUT = 1024  # 2 * z_dim, vq=False


def setup_inputs(seed: int = 0):
    key = jax.random.key(seed)
    ks = jax.random.split(key, 12)
    inp = {"x": jax.random.normal(ks[0], (B, N, CIN), dtype=jnp.float32)}
    cins = [2 * CIN, 2 * H[0], 2 * H[1], 2 * H[2]]
    for i in range(4):
        inp[f"W{i+1}"] = jax.random.normal(ks[1 + i], (H[i], cins[i]), dtype=jnp.float32) * (1.0 / np.sqrt(cins[i]))
        inp[f"b{i+1}"] = jnp.zeros((H[i],), dtype=jnp.float32)
    inp["Wf"] = jax.random.normal(ks[9], (ZOUT, sum(H)), dtype=jnp.float32) * (1.0 / np.sqrt(sum(H)))
    inp["bf"] = jnp.zeros((ZOUT,), dtype=jnp.float32)
    return inp


def _knn(x, k):
    # x: [B, C, N] -> idx [B, N, k] of nearest neighbors (largest negative sq dist)
    inner = -2.0 * jnp.einsum('bcn,bcm->bnm', x, x)
    xx = jnp.sum(x ** 2, axis=1)  # [B, N]
    pd = -xx[:, :, None] - inner - xx[:, None, :]
    return jax.lax.top_k(pd, k)[1]


def _graph_feature(x, k):
    # x: [B, C, N] -> [B, 2C, N, k]
    idx = _knn(x, k)
    xt = jnp.transpose(x, (0, 2, 1))  # [B, N, C]
    feat = jax.vmap(lambda t, i: t[i])(xt, idx)  # [B, N, k, C]
    center = jnp.broadcast_to(xt[:, :, None, :], feat.shape)
    out = jnp.concatenate([feat - center, center], axis=-1)
    return jnp.transpose(out, (0, 3, 1, 2))


def _edge_conv(x, W, b):
    # 1x1 Conv2d + BatchNorm2d (train-mode stats, no affine) + LeakyReLU(0.2)
    y = jnp.einsum('bcnk,oc->bonk', x, W) + b[None, :, None, None]
    mu = jnp.mean(y, axis=(0, 2, 3), keepdims=True)
    var = jnp.var(y, axis=(0, 2, 3), keepdims=True)
    y = (y - mu) / jnp.sqrt(var + 1e-5)
    return jnp.where(y > 0, y, 0.2 * y)


def reference(x, W1, b1, W2, b2, W3, b3, W4, b4, Wf, bf):
    h = jnp.transpose(x, (0, 2, 1))  # [B, C, N]
    xs = []
    for (W, b) in [(W1, b1), (W2, b2), (W3, b3), (W4, b4)]:
        g = _graph_feature(h, K)
        g = _edge_conv(g, W, b)
        h = jnp.max(g, axis=3)
        xs.append(h)
    cat = jnp.concatenate(xs, axis=1)  # [B, 512, N]
    y = jnp.einsum('bcn,oc->bon', cat, Wf) + bf[None, :, None]
    return jnp.max(y, axis=2)  # [B, 1024]

if __name__ == "__main__":
    import jax
    _d = setup_inputs()
    print(jax.jit(kernel)(*tuple(_d.values())))

</pallas_src>

<mosaic_0001>
#map = affine_map<(d0, d1) -> (0, 0)>
#map1 = affine_map<(d0, d1) -> (0)>
module attributes {stable_mosaic.version = 14 : i64} {
  func.func @sc_kernel(%arg0: i32, %arg1: i32, %arg2: memref<8192x128xf32, #tpu.memory_space<hbm>>, %arg3: memref<163840xi32, #tpu.memory_space<hbm>>, %arg4: memref<163840x128xf32, #tpu.memory_space<hbm>>, %arg5: memref<5120xi32, #tpu.memory_space<vmem>>, %arg6: memref<80x128xf32, #tpu.memory_space<vmem>>, %arg7: memref<!tpu.dma_semaphore, #tpu.memory_space<semaphore_mem>>) attributes {dimension_semantics = [#tpu.dimension_semantics<core_parallel>, #tpu.dimension_semantics<subcore_parallel>], iteration_bounds = array<i64: 2, 16>, scalar_prefetch = 0 : i64, scratch_operands = 3 : i64, tpu.core_type = #tpu.core_type<sc_vector_subcore>, window_params = [{transform_indices = #map}, {transform_indices = #map1}, {transform_indices = #map}]} {
    %mul3A = arith.constant 2 : i32
    %mul3A_0 = arith.muli %arg1, %mul3A : i32
    %add3A = arith.addi %mul3A_0, %arg0 : i32
    %mul3A_1 = arith.constant 256 : i32
    %mul3A_2 = arith.muli %add3A, %mul3A_1 : i32
    %mul3A_3 = arith.constant 20 : i32
    %mul3A_4 = arith.muli %mul3A_2, %mul3A_3 : i32
    "tpu.region"() ({
      %run_scoped3A = tpu.sem_alloc : memref<!tpu.dma_semaphore, #tpu.memory_space<semaphore_mem>>
      %dma_start3A = tpu.memref_slice %arg3[%mul3A_4] : memref<163840xi32, #tpu.memory_space<hbm>> -> memref<5120xi32, #tpu.memory_space<hbm>>
      %dma_start3A_10 = tpu.memref_slice %arg3[%mul3A_4] : memref<163840xi32, #tpu.memory_space<hbm>> -> memref<5120xi32, #tpu.memory_space<hbm>>
      tpu.enqueue_dma source(%dma_start3A_10 : memref<5120xi32, #tpu.memory_space<hbm>>) target(%arg5 : memref<5120xi32, #tpu.memory_space<vmem>>) target_semaphore(%run_scoped3A : memref<!tpu.dma_semaphore, #tpu.memory_space<semaphore_mem>>)
      %dma_wait3A = tpu.memref_slice %arg3[%mul3A_4] : memref<163840xi32, #tpu.memory_space<hbm>> -> memref<5120xi32, #tpu.memory_space<hbm>>
      %dma_wait3A_11 = tpu.memref_slice %arg3[%mul3A_4] : memref<163840xi32, #tpu.memory_space<hbm>> -> memref<5120xi32, #tpu.memory_space<hbm>>
      tpu.wait_dma2 semaphore(%run_scoped3A : memref<!tpu.dma_semaphore, #tpu.memory_space<semaphore_mem>>) src(%dma_wait3A_11 : memref<5120xi32, #tpu.memory_space<hbm>>) dst(%arg5 : memref<5120xi32, #tpu.memory_space<vmem>>)
      tpu.yield
    }) : () -> ()
    %scan3A = arith.constant 0 : i32
    %scan3A_5 = arith.constant 0 : i32
    %scan3A_6 = arith.constant 64 : i32
    %scan3A_7 = arith.addi %scan3A_5, %scan3A_6 : i32
    %scan3A_8 = arith.constant 1 : i32
    scf.for %scan3A_10 = %scan3A_5 to %scan3A_7 step %scan3A_8  : i32 {
      %mul3A_11 = arith.constant 80 : i32
      %mul3A_12 = arith.muli %scan3A_10, %mul3A_11 : i32
      %dma_start3A = tpu.memref_slice %arg5[%mul3A_12] : memref<5120xi32, #tpu.memory_space<vmem>> -> memref<80xi32, #tpu.memory_space<vmem>>
      %dma_start3A_13 = arith.constant 0 : i32
      %dma_start3A_14 = arith.constant 0 : i32
      %dma_start3A_15 = tpu.memref_slice %arg2[%dma_start3A_13, %dma_start3A_14] : memref<8192x128xf32, #tpu.memory_space<hbm>> -> memref<8192x128xf32, #tpu.memory_space<hbm>>
      tpu.enqueue_indirect_dma source(%dma_start3A_15 : memref<8192x128xf32, #tpu.memory_space<hbm>>) target(%arg6 : memref<80x128xf32, #tpu.memory_space<vmem>>) offsets(%dma_start3A : memref<80xi32, #tpu.memory_space<vmem>>) semaphore(%arg7 : memref<!tpu.dma_semaphore, #tpu.memory_space<semaphore_mem>>)
      %dma_wait3A = tpu.memref_slice %arg5[%mul3A_12] : memref<5120xi32, #tpu.memory_space<vmem>> -> memref<80xi32, #tpu.memory_space<vmem>>
      %dma_wait3A_16 = arith.constant 0 : i32
      %dma_wait3A_17 = arith.constant 0 : i32
      %dma_wait3A_18 = tpu.memref_slice %arg2[%dma_wait3A_16, %dma_wait3A_17] : memref<8192x128xf32, #tpu.memory_space<hbm>> -> memref<8192x128xf32, #tpu.memory_space<hbm>>
      tpu.wait_indirect_dma semaphore(%arg7 : memref<!tpu.dma_semaphore, #tpu.memory_space<semaphore_mem>>) src(%dma_wait3A_18 : memref<8192x128xf32, #tpu.memory_space<hbm>>) dst(%arg6 : memref<80x128xf32, #tpu.memory_space<vmem>>)
      %mul3A_19 = arith.constant 4 : i32
      %mul3A_20 = arith.muli %scan3A_10, %mul3A_19 : i32
      %add3A_21 = arith.addi %mul3A_2, %mul3A_20 : i32
      %mul3A_22 = arith.constant 20 : i32
      %mul3A_23 = arith.muli %add3A_21, %mul3A_22 : i32
      "tpu.region"() ({
        %run_scoped3A = tpu.sem_alloc : memref<!tpu.dma_semaphore, #tpu.memory_space<semaphore_mem>>
        %dma_start3A_24 = arith.constant 0 : i32
        %dma_start3A_25 = tpu.memref_slice %arg4[%mul3A_23, %dma_start3A_24] : memref<163840x128xf32, #tpu.memory_space<hbm>> -> memref<80x128xf32, #tpu.memory_space<hbm>>
        %dma_start3A_26 = arith.constant 0 : i32
        %dma_start3A_27 = tpu.memref_slice %arg4[%mul3A_23, %dma_start3A_26] : memref<163840x128xf32, #tpu.memory_space<hbm>> -> memref<80x128xf32, #tpu.memory_space<hbm>>
        tpu.enqueue_dma source(%arg6 : memref<80x128xf32, #tpu.memory_space<vmem>>) target(%dma_start3A_27 : memref<80x128xf32, #tpu.memory_space<hbm>>) target_semaphore(%run_scoped3A : memref<!tpu.dma_semaphore, #tpu.memory_space<semaphore_mem>>)
        %dma_wait3A_28 = arith.constant 0 : i32
        %dma_wait3A_29 = tpu.memref_slice %arg4[%mul3A_23, %dma_wait3A_28] : memref<163840x128xf32, #tpu.memory_space<hbm>> -> memref<80x128xf32, #tpu.memory_space<hbm>>
        %dma_wait3A_30 = arith.constant 0 : i32
        %dma_wait3A_31 = tpu.memref_slice %arg4[%mul3A_23, %dma_wait3A_30] : memref<163840x128xf32, #tpu.memory_space<hbm>> -> memref<80x128xf32, #tpu.memory_space<hbm>>
        tpu.wait_dma2 semaphore(%run_scoped3A : memref<!tpu.dma_semaphore, #tpu.memory_space<semaphore_mem>>) src(%arg6 : memref<80x128xf32, #tpu.memory_space<vmem>>) dst(%dma_wait3A_31 : memref<80x128xf32, #tpu.memory_space<hbm>>)
        tpu.yield
      }) : () -> ()
    }
    %scan3A_9 = arith.constant 64 : i32
    return
  }
}

#map = affine_map<(d0, d1) -> (0, 0)>
#map1 = affine_map<(d0, d1) -> (0)>
module attributes {stable_mosaic.version = 14 : i64} {
  func.func @sc_kernel(%arg0: i32, %arg1: i32, %arg2: memref<8192x128xf32, #tpu.memory_space<hbm>>, %arg3: memref<163840xi32, #tpu.memory_space<hbm>>, %arg4: memref<163840x128xf32, #tpu.memory_space<hbm>>, %arg5: memref<5120xi32, #tpu.memory_space<vmem>>, %arg6: memref<80x128xf32, #tpu.memory_space<vmem>>, %arg7: memref<!tpu.dma_semaphore, #tpu.memory_space<semaphore_mem>>) attributes {dimension_semantics = [#tpu.dimension_semantics<core_parallel>, #tpu.dimension_semantics<subcore_parallel>], iteration_bounds = array<i64: 2, 16>, scalar_prefetch = 0 : i64, scratch_operands = 3 : i64, tpu.core_type = #tpu.core_type<sc_vector_subcore>, window_params = [{transform_indices = #map}, {transform_indices = #map1}, {transform_indices = #map}]} {
    %mul3A = arith.constant 2 : i32
    %mul3A_0 = arith.muli %arg1, %mul3A : i32
    %add3A = arith.addi %mul3A_0, %arg0 : i32
    %mul3A_1 = arith.constant 256 : i32
    %mul3A_2 = arith.muli %add3A, %mul3A_1 : i32
    %mul3A_3 = arith.constant 20 : i32
    %mul3A_4 = arith.muli %mul3A_2, %mul3A_3 : i32
    "tpu.region"() ({
      %run_scoped3A = tpu.sem_alloc : memref<!tpu.dma_semaphore, #tpu.memory_space<semaphore_mem>>
      %dma_start3A = tpu.memref_slice %arg3[%mul3A_4] : memref<163840xi32, #tpu.memory_space<hbm>> -> memref<5120xi32, #tpu.memory_space<hbm>>
      %dma_start3A_10 = tpu.memref_slice %arg3[%mul3A_4] : memref<163840xi32, #tpu.memory_space<hbm>> -> memref<5120xi32, #tpu.memory_space<hbm>>
      tpu.enqueue_dma source(%dma_start3A_10 : memref<5120xi32, #tpu.memory_space<hbm>>) target(%arg5 : memref<5120xi32, #tpu.memory_space<vmem>>) target_semaphore(%run_scoped3A : memref<!tpu.dma_semaphore, #tpu.memory_space<semaphore_mem>>)
      %dma_wait3A = tpu.memref_slice %arg3[%mul3A_4] : memref<163840xi32, #tpu.memory_space<hbm>> -> memref<5120xi32, #tpu.memory_space<hbm>>
      %dma_wait3A_11 = tpu.memref_slice %arg3[%mul3A_4] : memref<163840xi32, #tpu.memory_space<hbm>> -> memref<5120xi32, #tpu.memory_space<hbm>>
      tpu.wait_dma2 semaphore(%run_scoped3A : memref<!tpu.dma_semaphore, #tpu.memory_space<semaphore_mem>>) src(%dma_wait3A_11 : memref<5120xi32, #tpu.memory_space<hbm>>) dst(%arg5 : memref<5120xi32, #tpu.memory_space<vmem>>)
      tpu.yield
    }) : () -> ()
    %scan3A = arith.constant 0 : i32
    %scan3A_5 = arith.constant 0 : i32
    %scan3A_6 = arith.constant 64 : i32
    %scan3A_7 = arith.addi %scan3A_5, %scan3A_6 : i32
    %scan3A_8 = arith.constant 1 : i32
    scf.for %scan3A_10 = %scan3A_5 to %scan3A_7 step %scan3A_8  : i32 {
      %mul3A_11 = arith.constant 80 : i32
      %mul3A_12 = arith.muli %scan3A_10, %mul3A_11 : i32
      %dma_start3A = tpu.memref_slice %arg5[%mul3A_12] : memref<5120xi32, #tpu.memory_space<vmem>> -> memref<80xi32, #tpu.memory_space<vmem>>
      %dma_start3A_13 = arith.constant 0 : i32
      %dma_start3A_14 = arith.constant 0 : i32
      %dma_start3A_15 = tpu.memref_slice %arg2[%dma_start3A_13, %dma_start3A_14] : memref<8192x128xf32, #tpu.memory_space<hbm>> -> memref<8192x128xf32, #tpu.memory_space<hbm>>
      tpu.enqueue_indirect_dma source(%dma_start3A_15 : memref<8192x128xf32, #tpu.memory_space<hbm>>) target(%arg6 : memref<80x128xf32, #tpu.memory_space<vmem>>) offsets(%dma_start3A : memref<80xi32, #tpu.memory_space<vmem>>) semaphore(%arg7 : memref<!tpu.dma_semaphore, #tpu.memory_space<semaphore_mem>>)
      %dma_wait3A = tpu.memref_slice %arg5[%mul3A_12] : memref<5120xi32, #tpu.memory_space<vmem>> -> memref<80xi32, #tpu.memory_space<vmem>>
      %dma_wait3A_16 = arith.constant 0 : i32
      %dma_wait3A_17 = arith.constant 0 : i32
      %dma_wait3A_18 = tpu.memref_slice %arg2[%dma_wait3A_16, %dma_wait3A_17] : memref<8192x128xf32, #tpu.memory_space<hbm>> -> memref<8192x128xf32, #tpu.memory_space<hbm>>
      tpu.wait_indirect_dma semaphore(%arg7 : memref<!tpu.dma_semaphore, #tpu.memory_space<semaphore_mem>>) src(%dma_wait3A_18 : memref<8192x128xf32, #tpu.memory_space<hbm>>) dst(%arg6 : memref<80x128xf32, #tpu.memory_space<vmem>>)
      %mul3A_19 = arith.constant 4 : i32
      %mul3A_20 = arith.muli %scan3A_10, %mul3A_19 : i32
      %add3A_21 = arith.addi %mul3A_2, %mul3A_20 : i32
      %mul3A_22 = arith.constant 20 : i32
      %mul3A_23 = arith.muli %add3A_21, %mul3A_22 : i32
      "tpu.region"() ({
        %run_scoped3A = tpu.sem_alloc : memref<!tpu.dma_semaphore, #tpu.memory_space<semaphore_mem>>
        %dma_start3A_24 = arith.constant 0 : i32
        %dma_start3A_25 = tpu.memref_slice %arg4[%mul3A_23, %dma_start3A_24] : memref<163840x128xf32, #tpu.memory_space<hbm>> -> memref<80x128xf32, #tpu.memory_space<hbm>>
        %dma_start3A_26 = arith.constant 0 : i32
        %dma_start3A_27 = tpu.memref_slice %arg4[%mul3A_23, %dma_start3A_26] : memref<163840x128xf32, #tpu.memory_space<hbm>> -> memref<80x128xf32, #tpu.memory_space<hbm>>
        tpu.enqueue_dma source(%arg6 : memref<80x128xf32, #tpu.memory_space<vmem>>) target(%dma_start3A_27 : memref<80x128xf32, #tpu.memory_space<hbm>>) target_semaphore(%run_scoped3A : memref<!tpu.dma_semaphore, #tpu.memory_space<semaphore_mem>>)
        %dma_wait3A_28 = arith.constant 0 : i32
        %dma_wait3A_29 = tpu.memref_slice %arg4[%mul3A_23, %dma_wait3A_28] : memref<163840x128xf32, #tpu.memory_space<hbm>> -> memref<80x128xf32, #tpu.memory_space<hbm>>
        %dma_wait3A_30 = arith.constant 0 : i32
        %dma_wait3A_31 = tpu.memref_slice %arg4[%mul3A_23, %dma_wait3A_30] : memref<163840x128xf32, #tpu.memory_space<hbm>> -> memref<80x128xf32, #tpu.memory_space<hbm>>
        tpu.wait_dma2 semaphore(%run_scoped3A : memref<!tpu.dma_semaphore, #tpu.memory_space<semaphore_mem>>) src(%arg6 : memref<80x128xf32, #tpu.memory_space<vmem>>) dst(%dma_wait3A_31 : memref<80x128xf32, #tpu.memory_space<hbm>>)
        tpu.yield
      }) : () -> ()
    }
    %scan3A_9 = arith.constant 64 : i32
    return
  }
}

#map = affine_map<(d0, d1) -> (0, 0)>
#map1 = affine_map<(d0, d1) -> (0)>
module attributes {stable_mosaic.version = 14 : i64} {
  func.func @sc_kernel(%arg0: i32, %arg1: i32, %arg2: memref<8192x128xf32, #tpu.memory_space<hbm>>, %arg3: memref<163840xi32, #tpu.memory_space<hbm>>, %arg4: memref<163840x128xf32, #tpu.memory_space<hbm>>, %arg5: memref<5120xi32, #tpu.memory_space<vmem>>, %arg6: memref<80x128xf32, #tpu.memory_space<vmem>>, %arg7: memref<!tpu.dma_semaphore, #tpu.memory_space<semaphore_mem>>) attributes {dimension_semantics = [#tpu.dimension_semantics<core_parallel>, #tpu.dimension_semantics<subcore_parallel>], iteration_bounds = array<i64: 2, 16>, scalar_prefetch = 0 : i64, scratch_operands = 3 : i64, tpu.core_type = #tpu.core_type<sc_vector_subcore>, window_params = [{transform_indices = #map}, {transform_indices = #map1}, {transform_indices = #map}]} {
    %mul3A = arith.constant 2 : i32
    %mul3A_0 = arith.muli %arg1, %mul3A : i32
    %add3A = arith.addi %mul3A_0, %arg0 : i32
    %mul3A_1 = arith.constant 256 : i32
    %mul3A_2 = arith.muli %add3A, %mul3A_1 : i32
    %mul3A_3 = arith.constant 20 : i32
    %mul3A_4 = arith.muli %mul3A_2, %mul3A_3 : i32
    "tpu.region"() ({
      %run_scoped3A = tpu.sem_alloc : memref<!tpu.dma_semaphore, #tpu.memory_space<semaphore_mem>>
      %dma_start3A = tpu.memref_slice %arg3[%mul3A_4] : memref<163840xi32, #tpu.memory_space<hbm>> -> memref<5120xi32, #tpu.memory_space<hbm>>
      %dma_start3A_10 = tpu.memref_slice %arg3[%mul3A_4] : memref<163840xi32, #tpu.memory_space<hbm>> -> memref<5120xi32, #tpu.memory_space<hbm>>
      tpu.enqueue_dma source(%dma_start3A_10 : memref<5120xi32, #tpu.memory_space<hbm>>) target(%arg5 : memref<5120xi32, #tpu.memory_space<vmem>>) target_semaphore(%run_scoped3A : memref<!tpu.dma_semaphore, #tpu.memory_space<semaphore_mem>>)
      %dma_wait3A = tpu.memref_slice %arg3[%mul3A_4] : memref<163840xi32, #tpu.memory_space<hbm>> -> memref<5120xi32, #tpu.memory_space<hbm>>
      %dma_wait3A_11 = tpu.memref_slice %arg3[%mul3A_4] : memref<163840xi32, #tpu.memory_space<hbm>> -> memref<5120xi32, #tpu.memory_space<hbm>>
      tpu.wait_dma2 semaphore(%run_scoped3A : memref<!tpu.dma_semaphore, #tpu.memory_space<semaphore_mem>>) src(%dma_wait3A_11 : memref<5120xi32, #tpu.memory_space<hbm>>) dst(%arg5 : memref<5120xi32, #tpu.memory_space<vmem>>)
      tpu.yield
    }) : () -> ()
    %scan3A = arith.constant 0 : i32
    %scan3A_5 = arith.constant 0 : i32
    %scan3A_6 = arith.constant 64 : i32
    %scan3A_7 = arith.addi %scan3A_5, %scan3A_6 : i32
    %scan3A_8 = arith.constant 1 : i32
    scf.for %scan3A_10 = %scan3A_5 to %scan3A_7 step %scan3A_8  : i32 {
      %mul3A_11 = arith.constant 80 : i32
      %mul3A_12 = arith.muli %scan3A_10, %mul3A_11 : i32
      %dma_start3A = tpu.memref_slice %arg5[%mul3A_12] : memref<5120xi32, #tpu.memory_space<vmem>> -> memref<80xi32, #tpu.memory_space<vmem>>
      %dma_start3A_13 = arith.constant 0 : i32
      %dma_start3A_14 = arith.constant 0 : i32
      %dma_start3A_15 = tpu.memref_slice %arg2[%dma_start3A_13, %dma_start3A_14] : memref<8192x128xf32, #tpu.memory_space<hbm>> -> memref<8192x128xf32, #tpu.memory_space<hbm>>
      tpu.enqueue_indirect_dma source(%dma_start3A_15 : memref<8192x128xf32, #tpu.memory_space<hbm>>) target(%arg6 : memref<80x128xf32, #tpu.memory_space<vmem>>) offsets(%dma_start3A : memref<80xi32, #tpu.memory_space<vmem>>) semaphore(%arg7 : memref<!tpu.dma_semaphore, #tpu.memory_space<semaphore_mem>>)
      %dma_wait3A = tpu.memref_slice %arg5[%mul3A_12] : memref<5120xi32, #tpu.memory_space<vmem>> -> memref<80xi32, #tpu.memory_space<vmem>>
      %dma_wait3A_16 = arith.constant 0 : i32
      %dma_wait3A_17 = arith.constant 0 : i32
      %dma_wait3A_18 = tpu.memref_slice %arg2[%dma_wait3A_16, %dma_wait3A_17] : memref<8192x128xf32, #tpu.memory_space<hbm>> -> memref<8192x128xf32, #tpu.memory_space<hbm>>
      tpu.wait_indirect_dma semaphore(%arg7 : memref<!tpu.dma_semaphore, #tpu.memory_space<semaphore_mem>>) src(%dma_wait3A_18 : memref<8192x128xf32, #tpu.memory_space<hbm>>) dst(%arg6 : memref<80x128xf32, #tpu.memory_space<vmem>>)
      %mul3A_19 = arith.constant 4 : i32
      %mul3A_20 = arith.muli %scan3A_10, %mul3A_19 : i32
      %add3A_21 = arith.addi %mul3A_2, %mul3A_20 : i32
      %mul3A_22 = arith.constant 20 : i32
      %mul3A_23 = arith.muli %add3A_21, %mul3A_22 : i32
      "tpu.region"() ({
        %run_scoped3A = tpu.sem_alloc : memref<!tpu.dma_semaphore, #tpu.memory_space<semaphore_mem>>
        %dma_start3A_24 = arith.constant 0 : i32
        %dma_start3A_25 = tpu.memref_slice %arg4[%mul3A_23, %dma_start3A_24] : memref<163840x128xf32, #tpu.memory_space<hbm>> -> memref<80x128xf32, #tpu.memory_space<hbm>>
        %dma_start3A_26 = arith.constant 0 : i32
        %dma_start3A_27 = tpu.memref_slice %arg4[%mul3A_23, %dma_start3A_26] : memref<163840x128xf32, #tpu.memory_space<hbm>> -> memref<80x128xf32, #tpu.memory_space<hbm>>
        tpu.enqueue_dma source(%arg6 : memref<80x128xf32, #tpu.memory_space<vmem>>) target(%dma_start3A_27 : memref<80x128xf32, #tpu.memory_space<hbm>>) target_semaphore(%run_scoped3A : memref<!tpu.dma_semaphore, #tpu.memory_space<semaphore_mem>>)
        %dma_wait3A_28 = arith.constant 0 : i32
        %dma_wait3A_29 = tpu.memref_slice %arg4[%mul3A_23, %dma_wait3A_28] : memref<163840x128xf32, #tpu.memory_space<hbm>> -> memref<80x128xf32, #tpu.memory_space<hbm>>
        %dma_wait3A_30 = arith.constant 0 : i32
        %dma_wait3A_31 = tpu.memref_slice %arg4[%mul3A_23, %dma_wait3A_30] : memref<163840x128xf32, #tpu.memory_space<hbm>> -> memref<80x128xf32, #tpu.memory_space<hbm>>
        tpu.wait_dma2 semaphore(%run_scoped3A : memref<!tpu.dma_semaphore, #tpu.memory_space<semaphore_mem>>) src(%arg6 : memref<80x128xf32, #tpu.memory_space<vmem>>) dst(%dma_wait3A_31 : memref<80x128xf32, #tpu.memory_space<hbm>>)
        tpu.yield
      }) : () -> ()
    }
    %scan3A_9 = arith.constant 64 : i32
    return
  }
}

#map = affine_map<(d0, d1) -> (0, 0)>
#map1 = affine_map<(d0, d1) -> (0)>
module attributes {stable_mosaic.version = 14 : i64} {
  func.func @sc_kernel(%arg0: i32, %arg1: i32, %arg2: memref<8192x128xf32, #tpu.memory_space<hbm>>, %arg3: memref<163840xi32, #tpu.memory_space<hbm>>, %arg4: memref<163840x128xf32, #tpu.memory_space<hbm>>, %arg5: memref<5120xi32, #tpu.memory_space<vmem>>, %arg6: memref<80x128xf32, #tpu.memory_space<vmem>>, %arg7: memref<!tpu.dma_semaphore, #tpu.memory_space<semaphore_mem>>) attributes {dimension_semantics = [#tpu.dimension_semantics<core_parallel>, #tpu.dimension_semantics<subcore_parallel>], iteration_bounds = array<i64: 2, 16>, scalar_prefetch = 0 : i64, scratch_operands = 3 : i64, tpu.core_type = #tpu.core_type<sc_vector_subcore>, window_params = [{transform_indices = #map}, {transform_indices = #map1}, {transform_indices = #map}]} {
    %mul3A = arith.constant 2 : i32
    %mul3A_0 = arith.muli %arg1, %mul3A : i32
    %add3A = arith.addi %mul3A_0, %arg0 : i32
    %mul3A_1 = arith.constant 256 : i32
    %mul3A_2 = arith.muli %add3A, %mul3A_1 : i32
    %mul3A_3 = arith.constant 20 : i32
    %mul3A_4 = arith.muli %mul3A_2, %mul3A_3 : i32
    "tpu.region"() ({
      %run_scoped3A = tpu.sem_alloc : memref<!tpu.dma_semaphore, #tpu.memory_space<semaphore_mem>>
      %dma_start3A = tpu.memref_slice %arg3[%mul3A_4] : memref<163840xi32, #tpu.memory_space<hbm>> -> memref<5120xi32, #tpu.memory_space<hbm>>
      %dma_start3A_10 = tpu.memref_slice %arg3[%mul3A_4] : memref<163840xi32, #tpu.memory_space<hbm>> -> memref<5120xi32, #tpu.memory_space<hbm>>
      tpu.enqueue_dma source(%dma_start3A_10 : memref<5120xi32, #tpu.memory_space<hbm>>) target(%arg5 : memref<5120xi32, #tpu.memory_space<vmem>>) target_semaphore(%run_scoped3A : memref<!tpu.dma_semaphore, #tpu.memory_space<semaphore_mem>>)
      %dma_wait3A = tpu.memref_slice %arg3[%mul3A_4] : memref<163840xi32, #tpu.memory_space<hbm>> -> memref<5120xi32, #tpu.memory_space<hbm>>
      %dma_wait3A_11 = tpu.memref_slice %arg3[%mul3A_4] : memref<163840xi32, #tpu.memory_space<hbm>> -> memref<5120xi32, #tpu.memory_space<hbm>>
      tpu.wait_dma2 semaphore(%run_scoped3A : memref<!tpu.dma_semaphore, #tpu.memory_space<semaphore_mem>>) src(%dma_wait3A_11 : memref<5120xi32, #tpu.memory_space<hbm>>) dst(%arg5 : memref<5120xi32, #tpu.memory_space<vmem>>)
      tpu.yield
    }) : () -> ()
    %scan3A = arith.constant 0 : i32
    %scan3A_5 = arith.constant 0 : i32
    %scan3A_6 = arith.constant 64 : i32
    %scan3A_7 = arith.addi %scan3A_5, %scan3A_6 : i32
    %scan3A_8 = arith.constant 1 : i32
    scf.for %scan3A_10 = %scan3A_5 to %scan3A_7 step %scan3A_8  : i32 {
      %mul3A_11 = arith.constant 80 : i32
      %mul3A_12 = arith.muli %scan3A_10, %mul3A_11 : i32
      %dma_start3A = tpu.memref_slice %arg5[%mul3A_12] : memref<5120xi32, #tpu.memory_space<vmem>> -> memref<80xi32, #tpu.memory_space<vmem>>
      %dma_start3A_13 = arith.constant 0 : i32
      %dma_start3A_14 = arith.constant 0 : i32
      %dma_start3A_15 = tpu.memref_slice %arg2[%dma_start3A_13, %dma_start3A_14] : memref<8192x128xf32, #tpu.memory_space<hbm>> -> memref<8192x128xf32, #tpu.memory_space<hbm>>
      tpu.enqueue_indirect_dma source(%dma_start3A_15 : memref<8192x128xf32, #tpu.memory_space<hbm>>) target(%arg6 : memref<80x128xf32, #tpu.memory_space<vmem>>) offsets(%dma_start3A : memref<80xi32, #tpu.memory_space<vmem>>) semaphore(%arg7 : memref<!tpu.dma_semaphore, #tpu.memory_space<semaphore_mem>>)
      %dma_wait3A = tpu.memref_slice %arg5[%mul3A_12] : memref<5120xi32, #tpu.memory_space<vmem>> -> memref<80xi32, #tpu.memory_space<vmem>>
      %dma_wait3A_16 = arith.constant 0 : i32
      %dma_wait3A_17 = arith.constant 0 : i32
      %dma_wait3A_18 = tpu.memref_slice %arg2[%dma_wait3A_16, %dma_wait3A_17] : memref<8192x128xf32, #tpu.memory_space<hbm>> -> memref<8192x128xf32, #tpu.memory_space<hbm>>
      tpu.wait_indirect_dma semaphore(%arg7 : memref<!tpu.dma_semaphore, #tpu.memory_space<semaphore_mem>>) src(%dma_wait3A_18 : memref<8192x128xf32, #tpu.memory_space<hbm>>) dst(%arg6 : memref<80x128xf32, #tpu.memory_space<vmem>>)
      %mul3A_19 = arith.constant 4 : i32
      %mul3A_20 = arith.muli %scan3A_10, %mul3A_19 : i32
      %add3A_21 = arith.addi %mul3A_2, %mul3A_20 : i32
      %mul3A_22 = arith.constant 20 : i32
      %mul3A_23 = arith.muli %add3A_21, %mul3A_22 : i32
      "tpu.region"() ({
        %run_scoped3A = tpu.sem_alloc : memref<!tpu.dma_semaphore, #tpu.memory_space<semaphore_mem>>
        %dma_start3A_24 = arith.constant 0 : i32
        %dma_start3A_25 = tpu.memref_slice %arg4[%mul3A_23, %dma_start3A_24] : memref<163840x128xf32, #tpu.memory_space<hbm>> -> memref<80x128xf32, #tpu.memory_space<hbm>>
        %dma_start3A_26 = arith.constant 0 : i32
        %dma_start3A_27 = tpu.memref_slice %arg4[%mul3A_23, %dma_start3A_26] : memref<163840x128xf32, #tpu.memory_space<hbm>> -> memref<80x128xf32, #tpu.memory_space<hbm>>
        tpu.enqueue_dma source(%arg6 : memref<80x128xf32, #tpu.memory_space<vmem>>) target(%dma_start3A_27 : memref<80x128xf32, #tpu.memory_space<hbm>>) target_semaphore(%run_scoped3A : memref<!tpu.dma_semaphore, #tpu.memory_space<semaphore_mem>>)
        %dma_wait3A_28 = arith.constant 0 : i32
        %dma_wait3A_29 = tpu.memref_slice %arg4[%mul3A_23, %dma_wait3A_28] : memref<163840x128xf32, #tpu.memory_space<hbm>> -> memref<80x128xf32, #tpu.memory_space<hbm>>
        %dma_wait3A_30 = arith.constant 0 : i32
        %dma_wait3A_31 = tpu.memref_slice %arg4[%mul3A_23, %dma_wait3A_30] : memref<163840x128xf32, #tpu.memory_space<hbm>> -> memref<80x128xf32, #tpu.memory_space<hbm>>
        tpu.wait_dma2 semaphore(%run_scoped3A : memref<!tpu.dma_semaphore, #tpu.memory_space<semaphore_mem>>) src(%arg6 : memref<80x128xf32, #tpu.memory_space<vmem>>) dst(%dma_wait3A_31 : memref<80x128xf32, #tpu.memory_space<hbm>>)
        tpu.yield
      }) : () -> ()
    }
    %scan3A_9 = arith.constant 64 : i32
    return
  }
}

module attributes {stable_mosaic.version = 14 : i64} {
  func.func @_pd_topk_kernel(%arg0: i32, %arg1: i32, %arg2: memref<1x3x1024xf32, #tpu.memory_space<vmem>>, %arg3: memref<1x3x256xf32, #tpu.memory_space<vmem>>, %arg4: memref<1x20x256xi32, #tpu.memory_space<vmem>>) attributes {dimension_semantics = [#tpu.dimension_semantics<parallel>, #tpu.dimension_semantics<parallel>], iteration_bounds = array<i64: 8, 4>, scalar_prefetch = 0 : i64, scratch_operands = 0 : i64, tpu.core_type = #tpu.core_type<tc>, window_params = [{transform_indices = @transform_0, window_bounds = array<i64: 1, 3, 1024>}, {transform_indices = @transform_1, window_bounds = array<i64: 1, 3, 256>}, {transform_indices = @transform_2, window_bounds = array<i64: 1, 20, 256>}]} {
    %get3A = arith.constant 0 : index
    %get3A_0 = arith.constant 0 : index
    %get3A_1 = arith.constant 0 : index
    %get3A_2 = vector.load %arg2[%get3A, %get3A_0, %get3A_1] : memref<1x3x1024xf32, #tpu.memory_space<vmem>>, vector<1x3x1024xf32>
    %get3A_3 = vector.shape_cast %get3A_2 : vector<1x3x1024xf32> to vector<3x1024xf32>
    %get3A_4 = arith.constant 0 : index
    %get3A_5 = arith.constant 0 : index
    %get3A_6 = arith.constant 0 : index
    %get3A_7 = vector.load %arg3[%get3A_4, %get3A_5, %get3A_6] : memref<1x3x256xf32, #tpu.memory_space<vmem>>, vector<1x3x256xf32>
    %get3A_8 = vector.shape_cast %get3A_7 : vector<1x3x256xf32> to vector<3x256xf32>
    %dot_general3A = arith.constant dense<0.000000e+00> : vector<256x1024xf32>
    %dot_general3A_9 = tpu.matmul %get3A_8, %get3A_3, %dot_general3A {dimension_numbers = #tpu.dot_dimension_numbers<[0], [0], [1], [1], [0, 1, 1, 1], [], []>, transpose_lhs_hint = false} : vector<3x256xf32>, vector<3x1024xf32>, vector<256x1024xf32> -> vector<256x1024xf32>
    %mul3A = arith.constant -2.000000e+00 : f32
    %mul3A_10 = vector.broadcast %mul3A : f32 to vector<256x1024xf32>
    %mul3A_11 = arith.mulf %mul3A_10, %dot_general3A_9 : vector<256x1024xf32>
    %mul3A_12 = arith.mulf %get3A_3, %get3A_3 : vector<3x1024xf32>
    %reduce_sum3A = arith.constant dense<0.000000e+00> : vector<1024xf32>
    %reduce_sum3A_13 = vector.multi_reduction <add>, %mul3A_12, %reduce_sum3A [0] : vector<3x1024xf32> to vector<1024xf32>
    %mul3A_14 = arith.mulf %get3A_8, %get3A_8 : vector<3x256xf32>
    %reduce_sum3A_15 = arith.constant dense<0.000000e+00> : vector<256xf32>
    %reduce_sum3A_16 = vector.multi_reduction <add>, %mul3A_14, %reduce_sum3A_15 [0] : vector<3x256xf32> to vector<256xf32>
    %broadcast_in_dim3A = vector.shape_cast %reduce_sum3A_16 : vector<256xf32> to vector<256x1xf32>
    %neg3A = arith.constant 0.000000e+00 : f32
    %neg3A_17 = vector.broadcast %neg3A : f32 to vector<256x1xf32>
    %neg3A_18 = arith.subf %neg3A_17, %broadcast_in_dim3A : vector<256x1xf32>
    %sub3A = vector.broadcast %neg3A_18 : vector<256x1xf32> to vector<256x1024xf32>
    %sub3A_19 = arith.subf %sub3A, %mul3A_11 : vector<256x1024xf32>
    %broadcast_in_dim3A_20 = vector.shape_cast %reduce_sum3A_13 : vector<1024xf32> to vector<1x1024xf32>
    %sub3A_21 = vector.broadcast %broadcast_in_dim3A_20 : vector<1x1024xf32> to vector<256x1024xf32>
    %sub3A_22 = arith.subf %sub3A_19, %sub3A_21 : vector<256x1024xf32>
    %iota3A = tpu.iota {dimensions = array<i32: 1>} : vector<256x1024xi32>
    %reduce_max3A = arith.constant dense<0xFF800000> : vector<256xf32>
    %reduce_max3A_23 = vector.multi_reduction <maximumf>, %sub3A_22, %reduce_max3A [1] : vector<256x1024xf32> to vector<256xf32>
    %broadcast_in_dim3A_24 = vector.shape_cast %reduce_max3A_23 : vector<256xf32> to vector<256x1xf32>
    %eq3A = vector.broadcast %broadcast_in_dim3A_24 : vector<256x1xf32> to vector<256x1024xf32>
    %eq3A_25 = arith.cmpf oeq, %sub3A_22, %eq3A : vector<256x1024xf32>
    %jit3A = arith.constant 1024 : i32
    %broadcast_in_dim3A_26 = vector.broadcast %jit3A : i32 to vector<256x1024xi32>
    %select_n3A = arith.select %eq3A_25, %iota3A, %broadcast_in_dim3A_26 : vector<256x1024xi1>, vector<256x1024xi32>
    %reduce_min3A = arith.constant dense<2147483647> : vector<256xi32>
    %reduce_min3A_27 = vector.multi_reduction <minsi>, %select_n3A, %reduce_min3A [1] : vector<256x1024xi32> to vector<256xi32>
    %mul3A_28 = arith.constant 1024 : i32
    %mul3A_29 = arith.muli %arg0, %mul3A_28 : i32
    %add3A = vector.broadcast %mul3A_29 : i32 to vector<256xi32>
    %add3A_30 = arith.addi %reduce_min3A_27, %add3A : vector<256xi32>
    %swap3A = arith.constant 0 : index
    %swap3A_31 = arith.constant 0 : index
    %swap3A_32 = arith.constant 0 : index
    %swap3A_33 = vector.load %arg4[%swap3A, %swap3A_31, %swap3A_32] : memref<1x20x256xi32, #tpu.memory_space<vmem>>, vector<1x1x256xi32>
    %swap3A_34 = vector.shape_cast %swap3A_33 : vector<1x1x256xi32> to vector<256xi32>
    %swap3A_35 = vector.shape_cast %add3A_30 : vector<256xi32> to vector<1x1x256xi32>
    tpu.vector_store %arg4[%swap3A, %swap3A_31, %swap3A_32], %swap3A_35 {strides = array<i32>} : memref<1x20x256xi32, #tpu.memory_space<vmem>>, vector<1x1x256xi32>,
    %broadcast_in_dim3A_36 = vector.shape_cast %reduce_min3A_27 : vector<256xi32> to vector<256x1xi32>
    %eq3A_37 = vector.broadcast %broadcast_in_dim3A_36 : vector<256x1xi32> to vector<256x1024xi32>
    %eq3A_38 = arith.cmpi eq, %iota3A, %eq3A_37 : vector<256x1024xi32>
    %jit3A_39 = arith.constant 0xFF800000 : f32
    %broadcast_in_dim3A_40 = vector.broadcast %jit3A_39 : f32 to vector<256x1024xf32>
    %select_n3A_41 = arith.select %eq3A_38, %broadcast_in_dim3A_40, %sub3A_22 : vector<256x1024xi1>, vector<256x1024xf32>
    %reduce_max3A_42 = arith.constant dense<0xFF800000> : vector<256xf32>
    %reduce_max3A_43 = vector.multi_reduction <maximumf>, %select_n3A_41, %reduce_max3A_42 [1] : vector<256x1024xf32> to vector<256xf32>
    %broadcast_in_dim3A_44 = vector.shape_cast %reduce_max3A_43 : vector<256xf32> to vector<256x1xf32>
    %eq3A_45 = vector.broadcast %broadcast_in_dim3A_44 : vector<256x1xf32> to vector<256x1024xf32>
    %eq3A_46 = arith.cmpf oeq, %select_n3A_41, %eq3A_45 : vector<256x1024xf32>
    %jit3A_47 = arith.constant 1024 : i32
    %broadcast_in_dim3A_48 = vector.broadcast %jit3A_47 : i32 to vector<256x1024xi32>
    %select_n3A_49 = arith.select %eq3A_46, %iota3A, %broadcast_in_dim3A_48 : vector<256x1024xi1>, vector<256x1024xi32>
    %reduce_min3A_50 = arith.constant dense<2147483647> : vector<256xi32>
    %reduce_min3A_51 = vector.multi_reduction <minsi>, %select_n3A_49, %reduce_min3A_50 [1] : vector<256x1024xi32> to vector<256xi32>
    %mul3A_52 = arith.constant 1024 : i32
    %mul3A_53 = arith.muli %arg0, %mul3A_52 : i32
    %add3A_54 = vector.broadcast %mul3A_53 : i32 to vector<256xi32>
    %add3A_55 = arith.addi %reduce_min3A_51, %add3A_54 : vector<256xi32>
    %swap3A_56 = arith.constant 0 : index
    %swap3A_57 = arith.constant 1 : index
    %swap3A_58 = arith.constant 0 : index
    %swap3A_59 = vector.load %arg4[%swap3A_56, %swap3A_57, %swap3A_58] : memref<1x20x256xi32, #tpu.memory_space<vmem>>, vector<1x1x256xi32>
    %swap3A_60 = vector.shape_cast %swap3A_59 : vector<1x1x256xi32> to vector<256xi32>
    %swap3A_61 = vector.shape_cast %add3A_55 : vector<256xi32> to vector<1x1x256xi32>
    tpu.vector_store %arg4[%swap3A_56, %swap3A_57, %swap3A_58], %swap3A_61 {strides = array<i32>} : memref<1x20x256xi32, #tpu.memory_space<vmem>>, vector<1x1x256xi32>,
    %broadcast_in_dim3A_62 = vector.shape_cast %reduce_min3A_51 : vector<256xi32> to vector<256x1xi32>
    %eq3A_63 = vector.broadcast %broadcast_in_dim3A_62 : vector<256x1xi32> to vector<256x1024xi32>
    %eq3A_64 = arith.cmpi eq, %iota3A, %eq3A_63 : vector<256x1024xi32>
    %jit3A_65 = arith.constant 0xFF800000 : f32
    %broadcast_in_dim3A_66 = vector.broadcast %jit3A_65 : f32 to vector<256x1024xf32>
    %select_n3A_67 = arith.select %eq3A_64, %broadcast_in_dim3A_66, %select_n3A_41 : vector<256x1024xi1>, vector<256x1024xf32>
    %reduce_max3A_68 = arith.constant dense<0xFF800000> : vector<256xf32>
    %reduce_max3A_69 = vector.multi_reduction <maximumf>, %select_n3A_67, %reduce_max3A_68 [1] : vector<256x1024xf32> to vector<256xf32>
    %broadcast_in_dim3A_70 = vector.shape_cast %reduce_max3A_69 : vector<256xf32> to vector<256x1xf32>
    %eq3A_71 = vector.broadcast %broadcast_in_dim3A_70 : vector<256x1xf32> to vector<256x1024xf32>
    %eq3A_72 = arith.cmpf oeq, %select_n3A_67, %eq3A_71 : vector<256x1024xf32>
    %jit3A_73 = arith.constant 1024 : i32
    %broadcast_in_dim3A_74 = vector.broadcast %jit3A_73 : i32 to vector<256x1024xi32>
    %select_n3A_75 = arith.select %eq3A_72, %iota3A, %broadcast_in_dim3A_74 : vector<256x1024xi1>, vector<256x1024xi32>
    %reduce_min3A_76 = arith.constant dense<2147483647> : vector<256xi32>
    %reduce_min3A_77 = vector.multi_reduction <minsi>, %select_n3A_75, %reduce_min3A_76 [1] : vector<256x1024xi32> to vector<256xi32>
    %mul3A_78 = arith.constant 1024 : i32
    %mul3A_79 = arith.muli %arg0, %mul3A_78 : i32
    %add3A_80 = vector.broadcast %mul3A_79 : i32 to vector<256xi32>
    %add3A_81 = arith.addi %reduce_min3A_77, %add3A_80 : vector<256xi32>
    %swap3A_82 = arith.constant 0 : index
    %swap3A_83 = arith.constant 2 : index
    %swap3A_84 = arith.constant 0 : index
    %swap3A_85 = vector.load %arg4[%swap3A_82, %swap3A_83, %swap3A_84] : memref<1x20x256xi32, #tpu.memory_space<vmem>>, vector<1x1x256xi32>
    %swap3A_86 = vector.shape_cast %swap3A_85 : vector<1x1x256xi32> to vector<256xi32>
    %swap3A_87 = vector.shape_cast %add3A_81 : vector<256xi32> to vector<1x1x256xi32>
    tpu.vector_store %arg4[%swap3A_82, %swap3A_83, %swap3A_84], %swap3A_87 {strides = array<i32>} : memref<1x20x256xi32, #tpu.memory_space<vmem>>, vector<1x1x256xi32>,
    %broadcast_in_dim3A_88 = vector.shape_cast %reduce_min3A_77 : vector<256xi32> to vector<256x1xi32>
    %eq3A_89 = vector.broadcast %broadcast_in_dim3A_88 : vector<256x1xi32> to vector<256x1024xi32>
    %eq3A_90 = arith.cmpi eq, %iota3A, %eq3A_89 : vector<256x1024xi32>
    %jit3A_91 = arith.constant 0xFF800000 : f32
    %broadcast_in_dim3A_92 = vector.broadcast %jit3A_91 : f32 to vector<256x1024xf32>
    %select_n3A_93 = arith.select %eq3A_90, %broadcast_in_dim3A_92, %select_n3A_67 : vector<256x1024xi1>, vector<256x1024xf32>
    %reduce_max3A_94 = arith.constant dense<0xFF800000> : vector<256xf32>
    %reduce_max3A_95 = vector.multi_reduction <maximumf>, %select_n3A_93, %reduce_max3A_94 [1] : vector<256x1024xf32> to vector<256xf32>
    %broadcast_in_dim3A_96 = vector.shape_cast %reduce_max3A_95 : vector<256xf32> to vector<256x1xf32>
    %eq3A_97 = vector.broadcast %broadcast_in_dim3A_96 : vector<256x1xf32> to vector<256x1024xf32>
    %eq3A_98 = arith.cmpf oeq, %select_n3A_93, %eq3A_97 : vector<256x1024xf32>
    %jit3A_99 = arith.constant 1024 : i32
    %broadcast_in_dim3A_100 = vector.broadcast %jit3A_99 : i32 to vector<256x1024xi32>
    %select_n3A_101 = arith.select %eq3A_98, %iota3A, %broadcast_in_dim3A_100 : vector<256x1024xi1>, vector<256x1024xi32>
    %reduce_min3A_102 = arith.constant dense<2147483647> : vector<256xi32>
    %reduce_min3A_103 = vector.multi_reduction <minsi>, %select_n3A_101, %reduce_min3A_102 [1] : vector<256x1024xi32> to vector<256xi32>
    %mul3A_104 = arith.constant 1024 : i32
    %mul3A_105 = arith.muli %arg0, %mul3A_104 : i32
    %add3A_106 = vector.broadcast %mul3A_105 : i32 to vector<256xi32>
    %add3A_107 = arith.addi %reduce_min3A_103, %add3A_106 : vector<256xi32>
    %swap3A_108 = arith.constant 0 : index
    %swap3A_109 = arith.constant 3 : index
    %swap3A_110 = arith.constant 0 : index
    %swap3A_111 = vector.load %arg4[%swap3A_108, %swap3A_109, %swap3A_110] : memref<1x20x256xi32, #tpu.memory_space<vmem>>, vector<1x1x256xi32>
    %swap3A_112 = vector.shape_cast %swap3A_111 : vector<1x1x256xi32> to vector<256xi32>
    %swap3A_113 = vector.shape_cast %add3A_107 : vector<256xi32> to vector<1x1x256xi32>
    tpu.vector_store %arg4[%swap3A_108, %swap3A_109, %swap3A_110], %swap3A_113 {strides = array<i32>} : memref<1x20x256xi32, #tpu.memory_space<vmem>>, vector<1x1x256xi32>,
    %broadcast_in_dim3A_114 = vector.shape_cast %reduce_min3A_103 : vector<256xi32> to vector<256x1xi32>
    %eq3A_115 = vector.broadcast %broadcast_in_dim3A_114 : vector<256x1xi32> to vector<256x1024xi32>
    %eq3A_116 = arith.cmpi eq, %iota3A, %eq3A_115 : vector<256x1024xi32>
    %jit3A_117 = arith.constant 0xFF800000 : f32
    %broadcast_in_dim3A_118 = vector.broadcast %jit3A_117 : f32 to vector<256x1024xf32>
    %select_n3A_119 = arith.select %eq3A_116, %broadcast_in_dim3A_118, %select_n3A_93 : vector<256x1024xi1>, vector<256x1024xf32>
    %reduce_max3A_120 = arith.constant dense<0xFF800000> : vector<256xf32>
    %reduce_max3A_121 = vector.multi_reduction <maximumf>, %select_n3A_119, %reduce_max3A_120 [1] : vector<256x1024xf32> to vector<256xf32>
    %broadcast_in_dim3A_122 = vector.shape_cast %reduce_max3A_121 : vector<256xf32> to vector<256x1xf32>
    %eq3A_123 = vector.broadcast %broadcast_in_dim3A_122 : vector<256x1xf32> to vector<256x1024xf32>
    %eq3A_124 = arith.cmpf oeq, %select_n3A_119, %eq3A_123 : vector<256x1024xf32>
    %jit3A_125 = arith.constant 1024 : i32
    %broadcast_in_dim3A_126 = vector.broadcast %jit3A_125 : i32 to vector<256x1024xi32>
    %select_n3A_127 = arith.select %eq3A_124, %iota3A, %broadcast_in_dim3A_126 : vector<256x1024xi1>, vector<256x1024xi32>
    %reduce_min3A_128 = arith.constant dense<2147483647> : vector<256xi32>
    %reduce_min3A_129 = vector.multi_reduction <minsi>, %select_n3A_127, %reduce_min3A_128 [1] : vector<256x1024xi32> to vector<256xi32>
    %mul3A_130 = arith.constant 1024 : i32
    %mul3A_131 = arith.muli %arg0, %mul3A_130 : i32
    %add3A_132 = vector.broadcast %mul3A_131 : i32 to vector<256xi32>
    %add3A_133 = arith.addi %reduce_min3A_129, %add3A_132 : vector<256xi32>
    %swap3A_134 = arith.constant 0 : index
    %swap3A_135 = arith.constant 4 : index
    %swap3A_136 = arith.constant 0 : index
    %swap3A_137 = vector.load %arg4[%swap3A_134, %swap3A_135, %swap3A_136] : memref<1x20x256xi32, #tpu.memory_space<vmem>>, vector<1x1x256xi32>
    %swap3A_138 = vector.shape_cast %swap3A_137 : vector<1x1x256xi32> to vector<256xi32>
    %swap3A_139 = vector.shape_cast %add3A_133 : vector<256xi32> to vector<1x1x256xi32>
    tpu.vector_store %arg4[%swap3A_134, %swap3A_135, %swap3A_136], %swap3A_139 {strides = array<i32>} : memref<1x20x256xi32, #tpu.memory_space<vmem>>, vector<1x1x256xi32>,
    %broadcast_in_dim3A_140 = vector.shape_cast %reduce_min3A_129 : vector<256xi32> to vector<256x1xi32>
    %eq3A_141 = vector.broadcast %broadcast_in_dim3A_140 : vector<256x1xi32> to vector<256x1024xi32>
    %eq3A_142 = arith.cmpi eq, %iota3A, %eq3A_141 : vector<256x1024xi32>
    %jit3A_143 = arith.constant 0xFF800000 : f32
    %broadcast_in_dim3A_144 = vector.broadcast %jit3A_143 : f32 to vector<256x1024xf32>
    %select_n3A_145 = arith.select %eq3A_142, %broadcast_in_dim3A_144, %select_n3A_119 : vector<256x1024xi1>, vector<256x1024xf32>
    %reduce_max3A_146 = arith.constant dense<0xFF800000> : vector<256xf32>
    %reduce_max3A_147 = vector.multi_reduction <maximumf>, %select_n3A_145, %reduce_max3A_146 [1] : vector<256x1024xf32> to vector<256xf32>
    %broadcast_in_dim3A_148 = vector.shape_cast %reduce_max3A_147 : vector<256xf32> to vector<256x1xf32>
    %eq3A_149 = vector.broadcast %broadcast_in_dim3A_148 : vector<256x1xf32> to vector<256x1024xf32>
    %eq3A_150 = arith.cmpf oeq, %select_n3A_145, %eq3A_149 : vector<256x1024xf32>
    %jit3A_151 = arith.constant 1024 : i32
    %broadcast_in_dim3A_152 = vector.broadcast %jit3A_151 : i32 to vector<256x1024xi32>
    %select_n3A_153 = arith.select %eq3A_150, %iota3A, %broadcast_in_dim3A_152 : vector<256x1024xi1>, vector<256x1024xi32>
    %reduce_min3A_154 = arith.constant dense<2147483647> : vector<256xi32>
    %reduce_min3A_155 = vector.multi_reduction <minsi>, %select_n3A_153, %reduce_min3A_154 [1] : vector<256x1024xi32> to vector<256xi32>
    %mul3A_156 = arith.constant 1024 : i32
    %mul3A_157 = arith.muli %arg0, %mul3A_156 : i32
    %add3A_158 = vector.broadcast %mul3A_157 : i32 to vector<256xi32>
    %add3A_159 = arith.addi %reduce_min3A_155, %add3A_158 : vector<256xi32>
    %swap3A_160 = arith.constant 0 : index
    %swap3A_161 = arith.constant 5 : index
    %swap3A_162 = arith.constant 0 : index
    %swap3A_163 = vector.load %arg4[%swap3A_160, %swap3A_161, %swap3A_162] : memref<1x20x256xi32, #tpu.memory_space<vmem>>, vector<1x1x256xi32>
    %swap3A_164 = vector.shape_cast %swap3A_163 : vector<1x1x256xi32> to vector<256xi32>
    %swap3A_165 = vector.shape_cast %add3A_159 : vector<256xi32> to vector<1x1x256xi32>
    tpu.vector_store %arg4[%swap3A_160, %swap3A_161, %swap3A_162], %swap3A_165 {strides = array<i32>} : memref<1x20x256xi32, #tpu.memory_space<vmem>>, vector<1x1x256xi32>,
    %broadcast_in_dim3A_166 = vector.shape_cast %reduce_min3A_155 : vector<256xi32> to vector<256x1xi32>
    %eq3A_167 = vector.broadcast %broadcast_in_dim3A_166 : vector<256x1xi32> to vector<256x1024xi32>
    %eq3A_168 = arith.cmpi eq, %iota3A, %eq3A_167 : vector<256x1024xi32>
    %jit3A_169 = arith.constant 0xFF800000 : f32
    %broadcast_in_dim3A_170 = vector.broadcast %jit3A_169 : f32 to vector<256x1024xf32>
    %select_n3A_171 = arith.select %eq3A_168, %broadcast_in_dim3A_170, %select_n3A_145 : vector<256x1024xi1>, vector<256x1024xf32>
    %reduce_max3A_172 = arith.constant dense<0xFF800000> : vector<256xf32>
    %reduce_max3A_173 = vector.multi_reduction <maximumf>, %select_n3A_171, %reduce_max3A_172 [1] : vector<256x1024xf32> to vector<256xf32>
    %broadcast_in_dim3A_174 = vector.shape_cast %reduce_max3A_173 : vector<256xf32> to vector<256x1xf32>
    %eq3A_175 = vector.broadcast %broadcast_in_dim3A_174 : vector<256x1xf32> to vector<256x1024xf32>
    %eq3A_176 = arith.cmpf oeq, %select_n3A_171, %eq3A_175 : vector<256x1024xf32>
    %jit3A_177 = arith.constant 1024 : i32
    %broadcast_in_dim3A_178 = vector.broadcast %jit3A_177 : i32 to vector<256x1024xi32>
    %select_n3A_179 = arith.select %eq3A_176, %iota3A, %broadcast_in_dim3A_178 : vector<256x1024xi1>, vector<256x1024xi32>
    %reduce_min3A_180 = arith.constant dense<2147483647> : vector<256xi32>
    %reduce_min3A_181 = vector.multi_reduction <minsi>, %select_n3A_179, %reduce_min3A_180 [1] : vector<256x1024xi32> to vector<256xi32>
    %mul3A_182 = arith.constant 1024 : i32
    %mul3A_183 = arith.muli %arg0, %mul3A_182 : i32
    %add3A_184 = vector.broadcast %mul3A_183 : i32 to vector<256xi32>
    %add3A_185 = arith.addi %reduce_min3A_181, %add3A_184 : vector<256xi32>
    %swap3A_186 = arith.constant 0 : index
    %swap3A_187 = arith.constant 6 : index
    %swap3A_188 = arith.constant 0 : index
    %swap3A_189 = vector.load %arg4[%swap3A_186, %swap3A_187, %swap3A_188] : memref<1x20x256xi32, #tpu.memory_space<vmem>>, vector<1x1x256xi32>
    %swap3A_190 = vector.shape_cast %swap3A_189 : vector<1x1x256xi32> to vector<256xi32>
    %swap3A_191 = vector.shape_cast %add3A_185 : vector<256xi32> to vector<1x1x256xi32>
    tpu.vector_store %arg4[%swap3A_186, %swap3A_187, %swap3A_188], %swap3A_191 {strides = array<i32>} : memref<1x20x256xi32, #tpu.memory_space<vmem>>, vector<1x1x256xi32>,
    %broadcast_in_dim3A_192 = vector.shape_cast %reduce_min3A_181 : vector<256xi32> to vector<256x1xi32>
    %eq3A_193 = vector.broadcast %broadcast_in_dim3A_192 : vector<256x1xi32> to vector<256x1024xi32>
    %eq3A_194 = arith.cmpi eq, %iota3A, %eq3A_193 : vector<256x1024xi32>
    %jit3A_195 = arith.constant 0xFF800000 : f32
    %broadcast_in_dim3A_196 = vector.broadcast %jit3A_195 : f32 to vector<256x1024xf32>
    %select_n3A_197 = arith.select %eq3A_194, %broadcast_in_dim3A_196, %select_n3A_171 : vector<256x1024xi1>, vector<256x1024xf32>
    %reduce_max3A_198 = arith.constant dense<0xFF800000> : vector<256xf32>
    %reduce_max3A_199 = vector.multi_reduction <maximumf>, %select_n3A_197, %reduce_max3A_198 [1] : vector<256x1024xf32> to vector<256xf32>
    %broadcast_in_dim3A_200 = vector.shape_cast %reduce_max3A_199 : vector<256xf32> to vector<256x1xf32>
    %eq3A_201 = vector.broadcast %broadcast_in_dim3A_200 : vector<256x1xf32> to vector<256x1024xf32>
    %eq3A_202 = arith.cmpf oeq, %select_n3A_197, %eq3A_201 : vector<256x1024xf32>
    %jit3A_203 = arith.constant 1024 : i32
    %broadcast_in_dim3A_204 = vector.broadcast %jit3A_203 : i32 to vector<256x1024xi32>
    %select_n3A_205 = arith.select %eq3A_202, %iota3A, %broadcast_in_dim3A_204 : vector<256x1024xi1>, vector<256x1024xi32>
    %reduce_min3A_206 = arith.constant dense<2147483647> : vector<256xi32>
    %reduce_min3A_207 = vector.multi_reduction <minsi>, %select_n3A_205, %reduce_min3A_206 [1] : vector<256x1024xi32> to vector<256xi32>
    %mul3A_208 = arith.constant 1024 : i32
    %mul3A_209 = arith.muli %arg0, %mul3A_208 : i32
    %add3A_210 = vector.broadcast %mul3A_209 : i32 to vector<256xi32>
    %add3A_211 = arith.addi %reduce_min3A_207, %add3A_210 : vector<256xi32>
    %swap3A_212 = arith.constant 0 : index
    %swap3A_213 = arith.constant 7 : index
    %swap3A_214 = arith.constant 0 : index
    %swap3A_215 = vector.load %arg4[%swap3A_212, %swap3A_213, %swap3A_214] : memref<1x20x256xi32, #tpu.memory_space<vmem>>, vector<1x1x256xi32>
    %swap3A_216 = vector.shape_cast %swap3A_215 : vector<1x1x256xi32> to vector<256xi32>
    %swap3A_217 = vector.shape_cast %add3A_211 : vector<256xi32> to vector<1x1x256xi32>
    tpu.vector_store %arg4[%swap3A_212, %swap3A_213, %swap3A_214], %swap3A_217 {strides = array<i32>} : memref<1x20x256xi32, #tpu.memory_space<vmem>>, vector<1x1x256xi32>,
    %broadcast_in_dim3A_218 = vector.shape_cast %reduce_min3A_207 : vector<256xi32> to vector<256x1xi32>
    %eq3A_219 = vector.broadcast %broadcast_in_dim3A_218 : vector<256x1xi32> to vector<256x1024xi32>
    %eq3A_220 = arith.cmpi eq, %iota3A, %eq3A_219 : vector<256x1024xi32>
    %jit3A_221 = arith.constant 0xFF800000 : f32
    %broadcast_in_dim3A_222 = vector.broadcast %jit3A_221 : f32 to vector<256x1024xf32>
    %select_n3A_223 = arith.select %eq3A_220, %broadcast_in_dim3A_222, %select_n3A_197 : vector<256x1024xi1>, vector<256x1024xf32>
    %reduce_max3A_224 = arith.constant dense<0xFF800000> : vector<256xf32>
    %reduce_max3A_225 = vector.multi_reduction <maximumf>, %select_n3A_223, %reduce_max3A_224 [1] : vector<256x1024xf32> to vector<256xf32>
    %broadcast_in_dim3A_226 = vector.shape_cast %reduce_max3A_225 : vector<256xf32> to vector<256x1xf32>
    %eq3A_227 = vector.broadcast %broadcast_in_dim3A_226 : vector<256x1xf32> to vector<256x1024xf32>
    %eq3A_228 = arith.cmpf oeq, %select_n3A_223, %eq3A_227 : vector<256x1024xf32>
    %jit3A_229 = arith.constant 1024 : i32
    %broadcast_in_dim3A_230 = vector.broadcast %jit3A_229 : i32 to vector<256x1024xi32>
    %select_n3A_231 = arith.select %eq3A_228, %iota3A, %broadcast_in_dim3A_230 : vector<256x1024xi1>, vector<256x1024xi32>
    %reduce_min3A_232 = arith.constant dense<2147483647> : vector<256xi32>
    %reduce_min3A_233 = vector.multi_reduction <minsi>, %select_n3A_231, %reduce_min3A_232 [1] : vector<256x1024xi32> to vector<256xi32>
    %mul3A_234 = arith.constant 1024 : i32
    %mul3A_235 = arith.muli %arg0, %mul3A_234 : i32
    %add3A_236 = vector.broadcast %mul3A_235 : i32 to vector<256xi32>
    %add3A_237 = arith.addi %reduce_min3A_233, %add3A_236 : vector<256xi32>
    %swap3A_238 = arith.constant 0 : index
    %swap3A_239 = arith.constant 8 : index
    %swap3A_240 = arith.constant 0 : index
    %swap3A_241 = vector.load %arg4[%swap3A_238, %swap3A_239, %swap3A_240] : memref<1x20x256xi32, #tpu.memory_space<vmem>>, vector<1x1x256xi32>
    %swap3A_242 = vector.shape_cast %swap3A_241 : vector<1x1x256xi32> to vector<256xi32>
    %swap3A_243 = vector.shape_cast %add3A_237 : vector<256xi32> to vector<1x1x256xi32>
    tpu.vector_store %arg4[%swap3A_238, %swap3A_239, %swap3A_240], %swap3A_243 {strides = array<i32>} : memref<1x20x256xi32, #tpu.memory_space<vmem>>, vector<1x1x256xi32>,
    %broadcast_in_dim3A_244 = vector.shape_cast %reduce_min3A_233 : vector<256xi32> to vector<256x1xi32>
    %eq3A_245 = vector.broadcast %broadcast_in_dim3A_244 : vector<256x1xi32> to vector<256x1024xi32>
    %eq3A_246 = arith.cmpi eq, %iota3A, %eq3A_245 : vector<256x1024xi32>
    %jit3A_247 = arith.constant 0xFF800000 : f32
    %broadcast_in_dim3A_248 = vector.broadcast %jit3A_247 : f32 to vector<256x1024xf32>
    %select_n3A_249 = arith.select %eq3A_246, %broadcast_in_dim3A_248, %select_n3A_223 : vector<256x1024xi1>, vector<256x1024xf32>
    %reduce_max3A_250 = arith.constant dense<0xFF800000> : vector<256xf32>
    %reduce_max3A_251 = vector.multi_reduction <maximumf>, %select_n3A_249, %reduce_max3A_250 [1] : vector<256x1024xf32> to vector<256xf32>
    %broadcast_in_dim3A_252 = vector.shape_cast %reduce_max3A_251 : vector<256xf32> to vector<256x1xf32>
    %eq3A_253 = vector.broadcast %broadcast_in_dim3A_252 : vector<256x1xf32> to vector<256x1024xf32>
    %eq3A_254 = arith.cmpf oeq, %select_n3A_249, %eq3A_253 : vector<256x1024xf32>
    %jit3A_255 = arith.constant 1024 : i32
    %broadcast_in_dim3A_256 = vector.broadcast %jit3A_255 : i32 to vector<256x1024xi32>
    %select_n3A_257 = arith.select %eq3A_254, %iota3A, %broadcast_in_dim3A_256 : vector<256x1024xi1>, vector<256x1024xi32>
    %reduce_min3A_258 = arith.constant dense<2147483647> : vector<256xi32>
    %reduce_min3A_259 = vector.multi_reduction <minsi>, %select_n3A_257, %reduce_min3A_258 [1] : vector<256x1024xi32> to vector<256xi32>
    %mul3A_260 = arith.constant 1024 : i32
    %mul3A_261 = arith.muli %arg0, %mul3A_260 : i32
    %add3A_262 = vector.broadcast %mul3A_261 : i32 to vector<256xi32>
    %add3A_263 = arith.addi %reduce_min3A_259, %add3A_262 : vector<256xi32>
    %swap3A_264 = arith.constant 0 : index
    %swap3A_265 = arith.constant 9 : index
    %swap3A_266 = arith.constant 0 : index
    %swap3A_267 = vector.load %arg4[%swap3A_264, %swap3A_265, %swap3A_266] : memref<1x20x256xi32, #tpu.memory_space<vmem>>, vector<1x1x256xi32>
    %swap3A_268 = vector.shape_cast %swap3A_267 : vector<1x1x256xi32> to vector<256xi32>
    %swap3A_269 = vector.shape_cast %add3A_263 : vector<256xi32> to vector<1x1x256xi32>
    tpu.vector_store %arg4[%swap3A_264, %swap3A_265, %swap3A_266], %swap3A_269 {strides = array<i32>} : memref<1x20x256xi32, #tpu.memory_space<vmem>>, vector<1x1x256xi32>,
    %broadcast_in_dim3A_270 = vector.shape_cast %reduce_min3A_259 : vector<256xi32> to vector<256x1xi32>
    %eq3A_271 = vector.broadcast %broadcast_in_dim3A_270 : vector<256x1xi32> to vector<256x1024xi32>
    %eq3A_272 = arith.cmpi eq, %iota3A, %eq3A_271 : vector<256x1024xi32>
    %jit3A_273 = arith.constant 0xFF800000 : f32
    %broadcast_in_dim3A_274 = vector.broadcast %jit3A_273 : f32 to vector<256x1024xf32>
    %select_n3A_275 = arith.select %eq3A_272, %broadcast_in_dim3A_274, %select_n3A_249 : vector<256x1024xi1>, vector<256x1024xf32>
    %reduce_max3A_276 = arith.constant dense<0xFF800000> : vector<256xf32>
    %reduce_max3A_277 = vector.multi_reduction <maximumf>, %select_n3A_275, %reduce_max3A_276 [1] : vector<256x1024xf32> to vector<256xf32>
    %broadcast_in_dim3A_278 = vector.shape_cast %reduce_max3A_277 : vector<256xf32> to vector<256x1xf32>
    %eq3A_279 = vector.broadcast %broadcast_in_dim3A_278 : vector<256x1xf32> to vector<256x1024xf32>
    %eq3A_280 = arith.cmpf oeq, %select_n3A_275, %eq3A_279 : vector<256x1024xf32>
    %jit3A_281 = arith.constant 1024 : i32
    %broadcast_in_dim3A_282 = vector.broadcast %jit3A_281 : i32 to vector<256x1024xi32>
    %select_n3A_283 = arith.select %eq3A_280, %iota3A, %broadcast_in_dim3A_282 : vector<256x1024xi1>, vector<256x1024xi32>
    %reduce_min3A_284 = arith.constant dense<2147483647> : vector<256xi32>
    %reduce_min3A_285 = vector.multi_reduction <minsi>, %select_n3A_283, %reduce_min3A_284 [1] : vector<256x1024xi32> to vector<256xi32>
    %mul3A_286 = arith.constant 1024 : i32
    %mul3A_287 = arith.muli %arg0, %mul3A_286 : i32
    %add3A_288 = vector.broadcast %mul3A_287 : i32 to vector<256xi32>
    %add3A_289 = arith.addi %reduce_min3A_285, %add3A_288 : vector<256xi32>
    %swap3A_290 = arith.constant 0 : index
    %swap3A_291 = arith.constant 10 : index
    %swap3A_292 = arith.constant 0 : index
    %swap3A_293 = vector.load %arg4[%swap3A_290, %swap3A_291, %swap3A_292] : memref<1x20x256xi32, #tpu.memory_space<vmem>>, vector<1x1x256xi32>
    %swap3A_294 = vector.shape_cast %swap3A_293 : vector<1x1x256xi32> to vector<256xi32>
    %swap3A_295 = vector.shape_cast %add3A_289 : vector<256xi32> to vector<1x1x256xi32>
    tpu.vector_store %arg4[%swap3A_290, %swap3A_291, %swap3A_292], %swap3A_295 {strides = array<i32>} : memref<1x20x256xi32, #tpu.memory_space<vmem>>, vector<1x1x256xi32>,
    %broadcast_in_dim3A_296 = vector.shape_cast %reduce_min3A_285 : vector<256xi32> to vector<256x1xi32>
    %eq3A_297 = vector.broadcast %broadcast_in_dim3A_296 : vector<256x1xi32> to vector<256x1024xi32>
    %eq3A_298 = arith.cmpi eq, %iota3A, %eq3A_297 : vector<256x1024xi32>
    %jit3A_299 = arith.constant 0xFF800000 : f32
    %broadcast_in_dim3A_300 = vector.broadcast %jit3A_299 : f32 to vector<256x1024xf32>
    %select_n3A_301 = arith.select %eq3A_298, %broadcast_in_dim3A_300, %select_n3A_275 : vector<256x1024xi1>, vector<256x1024xf32>
    %reduce_max3A_302 = arith.constant dense<0xFF800000> : vector<256xf32>
    %reduce_max3A_303 = vector.multi_reduction <maximumf>, %select_n3A_301, %reduce_max3A_302 [1] : vector<256x1024xf32> to vector<256xf32>
    %broadcast_in_dim3A_304 = vector.shape_cast %reduce_max3A_303 : vector<256xf32> to vector<256x1xf32>
    %eq3A_305 = vector.broadcast %broadcast_in_dim3A_304 : vector<256x1xf32> to vector<256x1024xf32>
    %eq3A_306 = arith.cmpf oeq, %select_n3A_301, %eq3A_305 : vector<256x1024xf32>
    %jit3A_307 = arith.constant 1024 : i32
    %broadcast_in_dim3A_308 = vector.broadcast %jit3A_307 : i32 to vector<256x1024xi32>
    %select_n3A_309 = arith.select %eq3A_306, %iota3A, %broadcast_in_dim3A_308 : vector<256x1024xi1>, vector<256x1024xi32>
    %reduce_min3A_310 = arith.constant dense<2147483647> : vector<256xi32>
    %reduce_min3A_311 = vector.multi_reduction <minsi>, %select_n3A_309, %reduce_min3A_310 [1] : vector<256x1024xi32> to vector<256xi32>
    %mul3A_312 = arith.constant 1024 : i32
    %mul3A_313 = arith.muli %arg0, %mul3A_312 : i32
    %add3A_314 = vector.broadcast %mul3A_313 : i32 to vector<256xi32>
    %add3A_315 = arith.addi %reduce_min3A_311, %add3A_314 : vector<256xi32>
    %swap3A_316 = arith.constant 0 : index
    %swap3A_317 = arith.constant 11 : index
    %swap3A_318 = arith.constant 0 : index
    %swap3A_319 = vector.load %arg4[%swap3A_316, %swap3A_317, %swap3A_318] : memref<1x20x256xi32, #tpu.memory_space<vmem>>, vector<1x1x256xi32>
    %swap3A_320 = vector.shape_cast %swap3A_319 : vector<1x1x256xi32> to vector<256xi32>
    %swap3A_321 = vector.shape_cast %add3A_315 : vector<256xi32> to vector<1x1x256xi32>
    tpu.vector_store %arg4[%swap3A_316, %swap3A_317, %swap3A_318], %swap3A_321 {strides = array<i32>} : memref<1x20x256xi32, #tpu.memory_space<vmem>>, vector<1x1x256xi32>,
    %broadcast_in_dim3A_322 = vector.shape_cast %reduce_min3A_311 : vector<256xi32> to vector<256x1xi32>
    %eq3A_323 = vector.broadcast %broadcast_in_dim3A_322 : vector<256x1xi32> to vector<256x1024xi32>
    %eq3A_324 = arith.cmpi eq, %iota3A, %eq3A_323 : vector<256x1024xi32>
    %jit3A_325 = arith.constant 0xFF800000 : f32
    %broadcast_in_dim3A_326 = vector.broadcast %jit3A_325 : f32 to vector<256x1024xf32>
    %select_n3A_327 = arith.select %eq3A_324, %broadcast_in_dim3A_326, %select_n3A_301 : vector<256x1024xi1>, vector<256x1024xf32>
    %reduce_max3A_328 = arith.constant dense<0xFF800000> : vector<256xf32>
    %reduce_max3A_329 = vector.multi_reduction <maximumf>, %select_n3A_327, %reduce_max3A_328 [1] : vector<256x1024xf32> to vector<256xf32>
    %broadcast_in_dim3A_330 = vector.shape_cast %reduce_max3A_329 : vector<256xf32> to vector<256x1xf32>
    %eq3A_331 = vector.broadcast %broadcast_in_dim3A_330 : vector<256x1xf32> to vector<256x1024xf32>
    %eq3A_332 = arith.cmpf oeq, %select_n3A_327, %eq3A_331 : vector<256x1024xf32>
    %jit3A_333 = arith.constant 1024 : i32
    %broadcast_in_dim3A_334 = vector.broadcast %jit3A_333 : i32 to vector<256x1024xi32>
    %select_n3A_335 = arith.select %eq3A_332, %iota3A, %broadcast_in_dim3A_334 : vector<256x1024xi1>, vector<256x1024xi32>
    %reduce_min3A_336 = arith.constant dense<2147483647> : vector<256xi32>
    %reduce_min3A_337 = vector.multi_reduction <minsi>, %select_n3A_335, %reduce_min3A_336 [1] : vector<256x1024xi32> to vector<256xi32>
    %mul3A_338 = arith.constant 1024 : i32
    %mul3A_339 = arith.muli %arg0, %mul3A_338 : i32
    %add3A_340 = vector.broadcast %mul3A_339 : i32 to vector<256xi32>
    %add3A_341 = arith.addi %reduce_min3A_337, %add3A_340 : vector<256xi32>
    %swap3A_342 = arith.constant 0 : index
    %swap3A_343 = arith.constant 12 : index
    %swap3A_344 = arith.constant 0 : index
    %swap3A_345 = vector.load %arg4[%swap3A_342, %swap3A_343, %swap3A_344] : memref<1x20x256xi32, #tpu.memory_space<vmem>>, vector<1x1x256xi32>
    %swap3A_346 = vector.shape_cast %swap3A_345 : vector<1x1x256xi32> to vector<256xi32>
    %swap3A_347 = vector.shape_cast %add3A_341 : vector<256xi32> to vector<1x1x256xi32>
    tpu.vector_store %arg4[%swap3A_342, %swap3A_343, %swap3A_344], %swap3A_347 {strides = array<i32>} : memref<1x20x256xi32, #tpu.memory_space<vmem>>, vector<1x1x256xi32>,
    %broadcast_in_dim3A_348 = vector.shape_cast %reduce_min3A_337 : vector<256xi32> to vector<256x1xi32>
    %eq3A_349 = vector.broadcast %broadcast_in_dim3A_348 : vector<256x1xi32> to vector<256x1024xi32>
    %eq3A_350 = arith.cmpi eq, %iota3A, %eq3A_349 : vector<256x1024xi32>
    %jit3A_351 = arith.constant 0xFF800000 : f32
    %broadcast_in_dim3A_352 = vector.broadcast %jit3A_351 : f32 to vector<256x1024xf32>
    %select_n3A_353 = arith.select %eq3A_350, %broadcast_in_dim3A_352, %select_n3A_327 : vector<256x1024xi1>, vector<256x1024xf32>
    %reduce_max3A_354 = arith.constant dense<0xFF800000> : vector<256xf32>
    %reduce_max3A_355 = vector.multi_reduction <maximumf>, %select_n3A_353, %reduce_max3A_354 [1] : vector<256x1024xf32> to vector<256xf32>
    %broadcast_in_dim3A_356 = vector.shape_cast %reduce_max3A_355 : vector<256xf32> to vector<256x1xf32>
    %eq3A_357 = vector.broadcast %broadcast_in_dim3A_356 : vector<256x1xf32> to vector<256x1024xf32>
    %eq3A_358 = arith.cmpf oeq, %select_n3A_353, %eq3A_357 : vector<256x1024xf32>
    %jit3A_359 = arith.constant 1024 : i32
    %broadcast_in_dim3A_360 = vector.broadcast %jit3A_359 : i32 to vector<256x1024xi32>
    %select_n3A_361 = arith.select %eq3A_358, %iota3A, %broadcast_in_dim3A_360 : vector<256x1024xi1>, vector<256x1024xi32>
    %reduce_min3A_362 = arith.constant dense<2147483647> : vector<256xi32>
    %reduce_min3A_363 = vector.multi_reduction <minsi>, %select_n3A_361, %reduce_min3A_362 [1] : vector<256x1024xi32> to vector<256xi32>
    %mul3A_364 = arith.constant 1024 : i32
    %mul3A_365 = arith.muli %arg0, %mul3A_364 : i32
    %add3A_366 = vector.broadcast %mul3A_365 : i32 to vector<256xi32>
    %add3A_367 = arith.addi %reduce_min3A_363, %add3A_366 : vector<256xi32>
    %swap3A_368 = arith.constant 0 : index
    %swap3A_369 = arith.constant 13 : index
    %swap3A_370 = arith.constant 0 : index
    %swap3A_371 = vector.load %arg4[%swap3A_368, %swap3A_369, %swap3A_370] : memref<1x20x256xi32, #tpu.memory_space<vmem>>, vector<1x1x256xi32>
    %swap3A_372 = vector.shape_cast %swap3A_371 : vector<1x1x256xi32> to vector<256xi32>
    %swap3A_373 = vector.shape_cast %add3A_367 : vector<256xi32> to vector<1x1x256xi32>
    tpu.vector_store %arg4[%swap3A_368, %swap3A_369, %swap3A_370], %swap3A_373 {strides = array<i32>} : memref<1x20x256xi32, #tpu.memory_space<vmem>>, vector<1x1x256xi32>,
    %broadcast_in_dim3A_374 = vector.shape_cast %reduce_min3A_363 : vector<256xi32> to vector<256x1xi32>
    %eq3A_375 = vector.broadcast %broadcast_in_dim3A_374 : vector<256x1xi32> to vector<256x1024xi32>
    %eq3A_376 = arith.cmpi eq, %iota3A, %eq3A_375 : vector<256x1024xi32>
    %jit3A_377 = arith.constant 0xFF800000 : f32
    %broadcast_in_dim3A_378 = vector.broadcast %jit3A_377 : f32 to vector<256x1024xf32>
    %select_n3A_379 = arith.select %eq3A_376, %broadcast_in_dim3A_378, %select_n3A_353 : vector<256x1024xi1>, vector<256x1024xf32>
    %reduce_max3A_380 = arith.constant dense<0xFF800000> : vector<256xf32>
    %reduce_max3A_381 = vector.multi_reduction <maximumf>, %select_n3A_379, %reduce_max3A_380 [1] : vector<256x1024xf32> to vector<256xf32>
    %broadcast_in_dim3A_382 = vector.shape_cast %reduce_max3A_381 : vector<256xf32> to vector<256x1xf32>
    %eq3A_383 = vector.broadcast %broadcast_in_dim3A_382 : vector<256x1xf32> to vector<256x1024xf32>
    %eq3A_384 = arith.cmpf oeq, %select_n3A_379, %eq3A_383 : vector<256x1024xf32>
    %jit3A_385 = arith.constant 1024 : i32
    %broadcast_in_dim3A_386 = vector.broadcast %jit3A_385 : i32 to vector<256x1024xi32>
    %select_n3A_387 = arith.select %eq3A_384, %iota3A, %broadcast_in_dim3A_386 : vector<256x1024xi1>, vector<256x1024xi32>
    %reduce_min3A_388 = arith.constant dense<2147483647> : vector<256xi32>
    %reduce_min3A_389 = vector.multi_reduction <minsi>, %select_n3A_387, %reduce_min3A_388 [1] : vector<256x1024xi32> to vector<256xi32>
    %mul3A_390 = arith.constant 1024 : i32
    %mul3A_391 = arith.muli %arg0, %mul3A_390 : i32
    %add3A_392 = vector.broadcast %mul3A_391 : i32 to vector<256xi32>
    %add3A_393 = arith.addi %reduce_min3A_389, %add3A_392 : vector<256xi32>
    %swap3A_394 = arith.constant 0 : index
    %swap3A_395 = arith.constant 14 : index
    %swap3A_396 = arith.constant 0 : index
    %swap3A_397 = vector.load %arg4[%swap3A_394, %swap3A_395, %swap3A_396] : memref<1x20x256xi32, #tpu.memory_space<vmem>>, vector<1x1x256xi32>
    %swap3A_398 = vector.shape_cast %swap3A_397 : vector<1x1x256xi32> to vector<256xi32>
    %swap3A_399 = vector.shape_cast %add3A_393 : vector<256xi32> to vector<1x1x256xi32>
    tpu.vector_store %arg4[%swap3A_394, %swap3A_395, %swap3A_396], %swap3A_399 {strides = array<i32>} : memref<1x20x256xi32, #tpu.memory_space<vmem>>, vector<1x1x256xi32>,
    %broadcast_in_dim3A_400 = vector.shape_cast %reduce_min3A_389 : vector<256xi32> to vector<256x1xi32>
    %eq3A_401 = vector.broadcast %broadcast_in_dim3A_400 : vector<256x1xi32> to vector<256x1024xi32>
    %eq3A_402 = arith.cmpi eq, %iota3A, %eq3A_401 : vector<256x1024xi32>
    %jit3A_403 = arith.constant 0xFF800000 : f32
    %broadcast_in_dim3A_404 = vector.broadcast %jit3A_403 : f32 to vector<256x1024xf32>
    %select_n3A_405 = arith.select %eq3A_402, %broadcast_in_dim3A_404, %select_n3A_379 : vector<256x1024xi1>, vector<256x1024xf32>
    %reduce_max3A_406 = arith.constant dense<0xFF800000> : vector<256xf32>
    %reduce_max3A_407 = vector.multi_reduction <maximumf>, %select_n3A_405, %reduce_max3A_406 [1] : vector<256x1024xf32> to vector<256xf32>
    %broadcast_in_dim3A_408 = vector.shape_cast %reduce_max3A_407 : vector<256xf32> to vector<256x1xf32>
    %eq3A_409 = vector.broadcast %broadcast_in_dim3A_408 : vector<256x1xf32> to vector<256x1024xf32>
    %eq3A_410 = arith.cmpf oeq, %select_n3A_405, %eq3A_409 : vector<256x1024xf32>
    %jit3A_411 = arith.constant 1024 : i32
    %broadcast_in_dim3A_412 = vector.broadcast %jit3A_411 : i32 to vector<256x1024xi32>
    %select_n3A_413 = arith.select %eq3A_410, %iota3A, %broadcast_in_dim3A_412 : vector<256x1024xi1>, vector<256x1024xi32>
    %reduce_min3A_414 = arith.constant dense<2147483647> : vector<256xi32>
    %reduce_min3A_415 = vector.multi_reduction <minsi>, %select_n3A_413, %reduce_min3A_414 [1] : vector<256x1024xi32> to vector<256xi32>
    %mul3A_416 = arith.constant 1024 : i32
    %mul3A_417 = arith.muli %arg0, %mul3A_416 : i32
    %add3A_418 = vector.broadcast %mul3A_417 : i32 to vector<256xi32>
    %add3A_419 = arith.addi %reduce_min3A_415, %add3A_418 : vector<256xi32>
    %swap3A_420 = arith.constant 0 : index
    %swap3A_421 = arith.constant 15 : index
    %swap3A_422 = arith.constant 0 : index
    %swap3A_423 = vector.load %arg4[%swap3A_420, %swap3A_421, %swap3A_422] : memref<1x20x256xi32, #tpu.memory_space<vmem>>, vector<1x1x256xi32>
    %swap3A_424 = vector.shape_cast %swap3A_423 : vector<1x1x256xi32> to vector<256xi32>
    %swap3A_425 = vector.shape_cast %add3A_419 : vector<256xi32> to vector<1x1x256xi32>
    tpu.vector_store %arg4[%swap3A_420, %swap3A_421, %swap3A_422], %swap3A_425 {strides = array<i32>} : memref<1x20x256xi32, #tpu.memory_space<vmem>>, vector<1x1x256xi32>,
    %broadcast_in_dim3A_426 = vector.shape_cast %reduce_min3A_415 : vector<256xi32> to vector<256x1xi32>
    %eq3A_427 = vector.broadcast %broadcast_in_dim3A_426 : vector<256x1xi32> to vector<256x1024xi32>
    %eq3A_428 = arith.cmpi eq, %iota3A, %eq3A_427 : vector<256x1024xi32>
    %jit3A_429 = arith.constant 0xFF800000 : f32
    %broadcast_in_dim3A_430 = vector.broadcast %jit3A_429 : f32 to vector<256x1024xf32>
    %select_n3A_431 = arith.select %eq3A_428, %broadcast_in_dim3A_430, %select_n3A_405 : vector<256x1024xi1>, vector<256x1024xf32>
    %reduce_max3A_432 = arith.constant dense<0xFF800000> : vector<256xf32>
    %reduce_max3A_433 = vector.multi_reduction <maximumf>, %select_n3A_431, %reduce_max3A_432 [1] : vector<256x1024xf32> to vector<256xf32>
    %broadcast_in_dim3A_434 = vector.shape_cast %reduce_max3A_433 : vector<256xf32> to vector<256x1xf32>
    %eq3A_435 = vector.broadcast %broadcast_in_dim3A_434 : vector<256x1xf32> to vector<256x1024xf32>
    %eq3A_436 = arith.cmpf oeq, %select_n3A_431, %eq3A_435 : vector<256x1024xf32>
    %jit3A_437 = arith.constant 1024 : i32
    %broadcast_in_dim3A_438 = vector.broadcast %jit3A_437 : i32 to vector<256x1024xi32>
    %select_n3A_439 = arith.select %eq3A_436, %iota3A, %broadcast_in_dim3A_438 : vector<256x1024xi1>, vector<256x1024xi32>
    %reduce_min3A_440 = arith.constant dense<2147483647> : vector<256xi32>
    %reduce_min3A_441 = vector.multi_reduction <minsi>, %select_n3A_439, %reduce_min3A_440 [1] : vector<256x1024xi32> to vector<256xi32>
    %mul3A_442 = arith.constant 1024 : i32
    %mul3A_443 = arith.muli %arg0, %mul3A_442 : i32
    %add3A_444 = vector.broadcast %mul3A_443 : i32 to vector<256xi32>
    %add3A_445 = arith.addi %reduce_min3A_441, %add3A_444 : vector<256xi32>
    %swap3A_446 = arith.constant 0 : index
    %swap3A_447 = arith.constant 16 : index
    %swap3A_448 = arith.constant 0 : index
    %swap3A_449 = vector.load %arg4[%swap3A_446, %swap3A_447, %swap3A_448] : memref<1x20x256xi32, #tpu.memory_space<vmem>>, vector<1x1x256xi32>
    %swap3A_450 = vector.shape_cast %swap3A_449 : vector<1x1x256xi32> to vector<256xi32>
    %swap3A_451 = vector.shape_cast %add3A_445 : vector<256xi32> to vector<1x1x256xi32>
    tpu.vector_store %arg4[%swap3A_446, %swap3A_447, %swap3A_448], %swap3A_451 {strides = array<i32>} : memref<1x20x256xi32, #tpu.memory_space<vmem>>, vector<1x1x256xi32>,
    %broadcast_in_dim3A_452 = vector.shape_cast %reduce_min3A_441 : vector<256xi32> to vector<256x1xi32>
    %eq3A_453 = vector.broadcast %broadcast_in_dim3A_452 : vector<256x1xi32> to vector<256x1024xi32>
    %eq3A_454 = arith.cmpi eq, %iota3A, %eq3A_453 : vector<256x1024xi32>
    %jit3A_455 = arith.constant 0xFF800000 : f32
    %broadcast_in_dim3A_456 = vector.broadcast %jit3A_455 : f32 to vector<256x1024xf32>
    %select_n3A_457 = arith.select %eq3A_454, %broadcast_in_dim3A_456, %select_n3A_431 : vector<256x1024xi1>, vector<256x1024xf32>
    %reduce_max3A_458 = arith.constant dense<0xFF800000> : vector<256xf32>
    %reduce_max3A_459 = vector.multi_reduction <maximumf>, %select_n3A_457, %reduce_max3A_458 [1] : vector<256x1024xf32> to vector<256xf32>
    %broadcast_in_dim3A_460 = vector.shape_cast %reduce_max3A_459 : vector<256xf32> to vector<256x1xf32>
    %eq3A_461 = vector.broadcast %broadcast_in_dim3A_460 : vector<256x1xf32> to vector<256x1024xf32>
    %eq3A_462 = arith.cmpf oeq, %select_n3A_457, %eq3A_461 : vector<256x1024xf32>
    %jit3A_463 = arith.constant 1024 : i32
    %broadcast_in_dim3A_464 = vector.broadcast %jit3A_463 : i32 to vector<256x1024xi32>
    %select_n3A_465 = arith.select %eq3A_462, %iota3A, %broadcast_in_dim3A_464 : vector<256x1024xi1>, vector<256x1024xi32>
    %reduce_min3A_466 = arith.constant dense<2147483647> : vector<256xi32>
    %reduce_min3A_467 = vector.multi_reduction <minsi>, %select_n3A_465, %reduce_min3A_466 [1] : vector<256x1024xi32> to vector<256xi32>
    %mul3A_468 = arith.constant 1024 : i32
    %mul3A_469 = arith.muli %arg0, %mul3A_468 : i32
    %add3A_470 = vector.broadcast %mul3A_469 : i32 to vector<256xi32>
    %add3A_471 = arith.addi %reduce_min3A_467, %add3A_470 : vector<256xi32>
    %swap3A_472 = arith.constant 0 : index
    %swap3A_473 = arith.constant 17 : index
    %swap3A_474 = arith.constant 0 : index
    %swap3A_475 = vector.load %arg4[%swap3A_472, %swap3A_473, %swap3A_474] : memref<1x20x256xi32, #tpu.memory_space<vmem>>, vector<1x1x256xi32>
    %swap3A_476 = vector.shape_cast %swap3A_475 : vector<1x1x256xi32> to vector<256xi32>
    %swap3A_477 = vector.shape_cast %add3A_471 : vector<256xi32> to vector<1x1x256xi32>
    tpu.vector_store %arg4[%swap3A_472, %swap3A_473, %swap3A_474], %swap3A_477 {strides = array<i32>} : memref<1x20x256xi32, #tpu.memory_space<vmem>>, vector<1x1x256xi32>,
    %broadcast_in_dim3A_478 = vector.shape_cast %reduce_min3A_467 : vector<256xi32> to vector<256x1xi32>
    %eq3A_479 = vector.broadcast %broadcast_in_dim3A_478 : vector<256x1xi32> to vector<256x1024xi32>
    %eq3A_480 = arith.cmpi eq, %iota3A, %eq3A_479 : vector<256x1024xi32>
    %jit3A_481 = arith.constant 0xFF800000 : f32
    %broadcast_in_dim3A_482 = vector.broadcast %jit3A_481 : f32 to vector<256x1024xf32>
    %select_n3A_483 = arith.select %eq3A_480, %broadcast_in_dim3A_482, %select_n3A_457 : vector<256x1024xi1>, vector<256x1024xf32>
    %reduce_max3A_484 = arith.constant dense<0xFF800000> : vector<256xf32>
    %reduce_max3A_485 = vector.multi_reduction <maximumf>, %select_n3A_483, %reduce_max3A_484 [1] : vector<256x1024xf32> to vector<256xf32>
    %broadcast_in_dim3A_486 = vector.shape_cast %reduce_max3A_485 : vector<256xf32> to vector<256x1xf32>
    %eq3A_487 = vector.broadcast %broadcast_in_dim3A_486 : vector<256x1xf32> to vector<256x1024xf32>
    %eq3A_488 = arith.cmpf oeq, %select_n3A_483, %eq3A_487 : vector<256x1024xf32>
    %jit3A_489 = arith.constant 1024 : i32
    %broadcast_in_dim3A_490 = vector.broadcast %jit3A_489 : i32 to vector<256x1024xi32>
    %select_n3A_491 = arith.select %eq3A_488, %iota3A, %broadcast_in_dim3A_490 : vector<256x1024xi1>, vector<256x1024xi32>
    %reduce_min3A_492 = arith.constant dense<2147483647> : vector<256xi32>
    %reduce_min3A_493 = vector.multi_reduction <minsi>, %select_n3A_491, %reduce_min3A_492 [1] : vector<256x1024xi32> to vector<256xi32>
    %mul3A_494 = arith.constant 1024 : i32
    %mul3A_495 = arith.muli %arg0, %mul3A_494 : i32
    %add3A_496 = vector.broadcast %mul3A_495 : i32 to vector<256xi32>
    %add3A_497 = arith.addi %reduce_min3A_493, %add3A_496 : vector<256xi32>
    %swap3A_498 = arith.constant 0 : index
    %swap3A_499 = arith.constant 18 : index
    %swap3A_500 = arith.constant 0 : index
    %swap3A_501 = vector.load %arg4[%swap3A_498, %swap3A_499, %swap3A_500] : memref<1x20x256xi32, #tpu.memory_space<vmem>>, vector<1x1x256xi32>
    %swap3A_502 = vector.shape_cast %swap3A_501 : vector<1x1x256xi32> to vector<256xi32>
    %swap3A_503 = vector.shape_cast %add3A_497 : vector<256xi32> to vector<1x1x256xi32>
    tpu.vector_store %arg4[%swap3A_498, %swap3A_499, %swap3A_500], %swap3A_503 {strides = array<i32>} : memref<1x20x256xi32, #tpu.memory_space<vmem>>, vector<1x1x256xi32>,
    %broadcast_in_dim3A_504 = vector.shape_cast %reduce_min3A_493 : vector<256xi32> to vector<256x1xi32>
    %eq3A_505 = vector.broadcast %broadcast_in_dim3A_504 : vector<256x1xi32> to vector<256x1024xi32>
    %eq3A_506 = arith.cmpi eq, %iota3A, %eq3A_505 : vector<256x1024xi32>
    %jit3A_507 = arith.constant 0xFF800000 : f32
    %broadcast_in_dim3A_508 = vector.broadcast %jit3A_507 : f32 to vector<256x1024xf32>
    %select_n3A_509 = arith.select %eq3A_506, %broadcast_in_dim3A_508, %select_n3A_483 : vector<256x1024xi1>, vector<256x1024xf32>
    %reduce_max3A_510 = arith.constant dense<0xFF800000> : vector<256xf32>
    %reduce_max3A_511 = vector.multi_reduction <maximumf>, %select_n3A_509, %reduce_max3A_510 [1] : vector<256x1024xf32> to vector<256xf32>
    %broadcast_in_dim3A_512 = vector.shape_cast %reduce_max3A_511 : vector<256xf32> to vector<256x1xf32>
    %eq3A_513 = vector.broadcast %broadcast_in_dim3A_512 : vector<256x1xf32> to vector<256x1024xf32>
    %eq3A_514 = arith.cmpf oeq, %select_n3A_509, %eq3A_513 : vector<256x1024xf32>
    %jit3A_515 = arith.constant 1024 : i32
    %broadcast_in_dim3A_516 = vector.broadcast %jit3A_515 : i32 to vector<256x1024xi32>
    %select_n3A_517 = arith.select %eq3A_514, %iota3A, %broadcast_in_dim3A_516 : vector<256x1024xi1>, vector<256x1024xi32>
    %reduce_min3A_518 = arith.constant dense<2147483647> : vector<256xi32>
    %reduce_min3A_519 = vector.multi_reduction <minsi>, %select_n3A_517, %reduce_min3A_518 [1] : vector<256x1024xi32> to vector<256xi32>
    %mul3A_520 = arith.constant 1024 : i32
    %mul3A_521 = arith.muli %arg0, %mul3A_520 : i32
    %add3A_522 = vector.broadcast %mul3A_521 : i32 to vector<256xi32>
    %add3A_523 = arith.addi %reduce_min3A_519, %add3A_522 : vector<256xi32>
    %swap3A_524 = arith.constant 0 : index
    %swap3A_525 = arith.constant 19 : index
    %swap3A_526 = arith.constant 0 : index
    %swap3A_527 = vector.load %arg4[%swap3A_524, %swap3A_525, %swap3A_526] : memref<1x20x256xi32, #tpu.memory_space<vmem>>, vector<1x1x256xi32>
    %swap3A_528 = vector.shape_cast %swap3A_527 : vector<1x1x256xi32> to vector<256xi32>
    %swap3A_529 = vector.shape_cast %add3A_523 : vector<256xi32> to vector<1x1x256xi32>
    tpu.vector_store %arg4[%swap3A_524, %swap3A_525, %swap3A_526], %swap3A_529 {strides = array<i32>} : memref<1x20x256xi32, #tpu.memory_space<vmem>>, vector<1x1x256xi32>,
    return
  }
  func.func @transform_0(%arg0: i32, %arg1: i32) -> (i32, i32, i32) {
    %c0_i32 = arith.constant 0 : i32
    %c0_i32_0 = arith.constant 0 : i32
    %c0_i32_1 = arith.constant 0 : i32
    return %arg0, %c0_i32, %c0_i32_0 : i32, i32, i32
  }
  func.func @transform_1(%arg0: i32, %arg1: i32) -> (i32, i32, i32) {
    %c0_i32 = arith.constant 0 : i32
    %c0_i32_0 = arith.constant 0 : i32
    return %arg0, %c0_i32, %arg1 : i32, i32, i32
  }
  func.func @transform_2(%arg0: i32, %arg1: i32) -> (i32, i32, i32) {
    %c0_i32 = arith.constant 0 : i32
    %c0_i32_0 = arith.constant 0 : i32
    return %arg0, %c0_i32, %arg1 : i32, i32, i32
  }
}

module attributes {stable_mosaic.version = 14 : i64} {
  func.func @_edge_kernel(%arg0: i32, %arg1: i32, %arg2: memref<1x128x20x128xf32, #tpu.memory_space<vmem>>, %arg3: memref<1x128x3xf32, #tpu.memory_space<vmem>>, %arg4: memref<64x6xf32, #tpu.memory_space<vmem>>, %arg5: memref<64xf32, #tpu.memory_space<vmem>>, %arg6: memref<1x128x64xf32, #tpu.memory_space<vmem>>, %arg7: memref<1x8x64xf32, #tpu.memory_space<vmem>>, %arg8: memref<1x8x64xf32, #tpu.memory_space<vmem>>) attributes {dimension_semantics = [#tpu.dimension_semantics<parallel>, #tpu.dimension_semantics<arbitrary>], iteration_bounds = array<i64: 8, 8>, scalar_prefetch = 0 : i64, scratch_operands = 0 : i64, tpu.core_type = #tpu.core_type<tc>, window_params = [{transform_indices = @transform_0, window_bounds = array<i64: 1, 128, 20, 128>}, {transform_indices = @transform_1, window_bounds = array<i64: 1, 128, 3>}, {pipeline_mode = #tpu.pipeline_mode<synchronous>, transform_indices = @transform_2, window_bounds = array<i64: 64, 6>}, {pipeline_mode = #tpu.pipeline_mode<synchronous>, transform_indices = @transform_3, window_bounds = array<i64: 64>}, {transform_indices = @transform_4, window_bounds = array<i64: 1, 128, 64>}, {transform_indices = @transform_5, window_bounds = array<i64: 1, 8, 64>}, {transform_indices = @transform_6, window_bounds = array<i64: 1, 8, 64>}]} {
    %get3A = arith.constant 0 : index
    %get3A_0 = arith.constant 0 : index
    %get3A_1 = arith.constant 0 : index
    %get3A_2 = arith.constant 0 : index
    %get3A_3 = vector.load %arg2[%get3A, %get3A_0, %get3A_1, %get3A_2] : memref<1x128x20x128xf32, #tpu.memory_space<vmem>>, vector<1x128x20x128xf32>
    %get3A_4 = vector.shape_cast %get3A_3 : vector<1x128x20x128xf32> to vector<128x20x128xf32>
    %slice3A = vector.extract_strided_slice %get3A_4 {offsets = [0, 0, 0], sizes = [128, 20, 3], strides = [1, 1, 1]} : vector<128x20x128xf32> to vector<128x20x3xf32>
    %get3A_5 = arith.constant 0 : index
    %get3A_6 = arith.constant 0 : index
    %get3A_7 = arith.constant 0 : index
    %get3A_8 = vector.load %arg3[%get3A_5, %get3A_6, %get3A_7] : memref<1x128x3xf32, #tpu.memory_space<vmem>>, vector<1x128x3xf32>
    %get3A_9 = vector.shape_cast %get3A_8 : vector<1x128x3xf32> to vector<128x3xf32>
    %broadcast_in_dim3A = vector.shape_cast %get3A_9 : vector<128x3xf32> to vector<128x1x3xf32>
    %sub3A = vector.broadcast %broadcast_in_dim3A : vector<128x1x3xf32> to vector<128x20x3xf32>
    %sub3A_10 = arith.subf %slice3A, %sub3A : vector<128x20x3xf32>
    %broadcast_in_dim3A_11 = vector.shape_cast %get3A_9 : vector<128x3xf32> to vector<128x1x3xf32>
    %broadcast_in_dim3A_12 = vector.shape_cast %broadcast_in_dim3A_11 : vector<128x1x3xf32> to vector<128x1x3xf32>
    %broadcast_in_dim3A_13 = vector.broadcast %broadcast_in_dim3A_12 : vector<128x1x3xf32> to vector<128x20x3xf32>
    %concatenate3A = tpu.concatenate %sub3A_10, %broadcast_in_dim3A_13 in 2 : vector<128x20x3xf32>, vector<128x20x3xf32> -> vector<128x20x6xf32>
    %reshape3A = vector.shape_cast %concatenate3A : vector<128x20x6xf32> to vector<2560x6xf32>
    %get3A_14 = arith.constant 0 : index
    %get3A_15 = arith.constant 0 : index
    %get3A_16 = vector.load %arg4[%get3A_14, %get3A_15] : memref<64x6xf32, #tpu.memory_space<vmem>>, vector<64x6xf32>
    %dot_general3A = arith.constant dense<0.000000e+00> : vector<2560x64xf32>
    %dot_general3A_17 = tpu.matmul %reshape3A, %get3A_16, %dot_general3A {dimension_numbers = #tpu.dot_dimension_numbers<[1], [1], [0], [0], [0, 0, 1, 0], [], []>, transpose_lhs_hint = false} : vector<2560x6xf32>, vector<64x6xf32>, vector<2560x64xf32> -> vector<2560x64xf32>
    %get3A_18 = arith.constant 0 : index
    %get3A_19 = vector.load %arg5[%get3A_18] : memref<64xf32, #tpu.memory_space<vmem>>, vector<64xf32>
    %broadcast_in_dim3A_20 = vector.shape_cast %get3A_19 : vector<64xf32> to vector<1x64xf32>
    %add3A = vector.broadcast %broadcast_in_dim3A_20 : vector<1x64xf32> to vector<2560x64xf32>
    %add3A_21 = arith.addf %dot_general3A_17, %add3A : vector<2560x64xf32>
    %reshape3A_22 = vector.shape_cast %add3A_21 : vector<2560x64xf32> to vector<128x20x64xf32>
    %reduce_max3A = arith.constant dense<0xFF800000> : vector<128x64xf32>
    %reduce_max3A_23 = vector.multi_reduction <maximumf>, %reshape3A_22, %reduce_max3A [1] : vector<128x20x64xf32> to vector<128x64xf32>
    %swap3A = arith.constant 0 : index
    %swap3A_24 = arith.constant 0 : index
    %swap3A_25 = arith.constant 0 : index
    %swap3A_26 = vector.load %arg6[%swap3A, %swap3A_24, %swap3A_25] : memref<1x128x64xf32, #tpu.memory_space<vmem>>, vector<1x128x64xf32>
    %swap3A_27 = vector.shape_cast %swap3A_26 : vector<1x128x64xf32> to vector<128x64xf32>
    %swap3A_28 = vector.shape_cast %reduce_max3A_23 : vector<128x64xf32> to vector<1x128x64xf32>
    tpu.vector_store %arg6[%swap3A, %swap3A_24, %swap3A_25], %swap3A_28 {strides = array<i32>} : memref<1x128x64xf32, #tpu.memory_space<vmem>>, vector<1x128x64xf32>,
    %reduce_sum3A = arith.constant dense<0.000000e+00> : vector<64xf32>
    %reduce_sum3A_29 = vector.multi_reduction <add>, %add3A_21, %reduce_sum3A [0] : vector<2560x64xf32> to vector<64xf32>
    %mul3A = arith.mulf %add3A_21, %add3A_21 : vector<2560x64xf32>
    %reduce_sum3A_30 = arith.constant dense<0.000000e+00> : vector<64xf32>
    %reduce_sum3A_31 = vector.multi_reduction <add>, %mul3A, %reduce_sum3A_30 [0] : vector<2560x64xf32> to vector<64xf32>
    %eq3A = arith.constant 0 : i32
    %eq3A_32 = arith.cmpi eq, %arg1, %eq3A : i32
    %convert_element_type3A = arith.extui %eq3A_32 : i1 to i32
    %cond3A = arith.constant 0 : i32
    %cond3A_33 = arith.cmpi ne, %convert_element_type3A, %cond3A : i32
    scf.if %cond3A_33 {
      %broadcast_in_dim3A_58 = arith.constant 0.000000e+00 : f32
      %broadcast_in_dim3A_59 = vector.broadcast %broadcast_in_dim3A_58 : f32 to vector<1x8x64xf32>
      %swap3A_60 = arith.constant 0 : index
      %swap3A_61 = arith.constant 0 : index
      %swap3A_62 = arith.constant 0 : index
      %swap3A_63 = vector.load %arg7[%swap3A_60, %swap3A_61, %swap3A_62] : memref<1x8x64xf32, #tpu.memory_space<vmem>>, vector<1x8x64xf32>
      tpu.vector_store %arg7[%swap3A_60, %swap3A_61, %swap3A_62], %broadcast_in_dim3A_59 {strides = array<i32>} : memref<1x8x64xf32, #tpu.memory_space<vmem>>, vector<1x8x64xf32>,
      %broadcast_in_dim3A_64 = arith.constant 0.000000e+00 : f32
      %broadcast_in_dim3A_65 = vector.broadcast %broadcast_in_dim3A_64 : f32 to vector<1x8x64xf32>
      %swap3A_66 = arith.constant 0 : index
      %swap3A_67 = arith.constant 0 : index
      %swap3A_68 = arith.constant 0 : index
      %swap3A_69 = vector.load %arg8[%swap3A_66, %swap3A_67, %swap3A_68] : memref<1x8x64xf32, #tpu.memory_space<vmem>>, vector<1x8x64xf32>
      tpu.vector_store %arg8[%swap3A_66, %swap3A_67, %swap3A_68], %broadcast_in_dim3A_65 {strides = array<i32>} : memref<1x8x64xf32, #tpu.memory_space<vmem>>, vector<1x8x64xf32>,
    } else {
    }
    %get3A_34 = arith.constant 0 : index
    %get3A_35 = arith.constant 0 : index
    %get3A_36 = arith.constant 0 : index
    %get3A_37 = vector.load %arg7[%get3A_34, %get3A_35, %get3A_36] : memref<1x8x64xf32, #tpu.memory_space<vmem>>, vector<1x1x64xf32>
    %get3A_38 = vector.shape_cast %get3A_37 : vector<1x1x64xf32> to vector<64xf32>
    %add3A_39 = arith.addf %get3A_38, %reduce_sum3A_29 : vector<64xf32>
    %swap3A_40 = arith.constant 0 : index
    %swap3A_41 = arith.constant 0 : index
    %swap3A_42 = arith.constant 0 : index
    %swap3A_43 = vector.load %arg7[%swap3A_40, %swap3A_41, %swap3A_42] : memref<1x8x64xf32, #tpu.memory_space<vmem>>, vector<1x1x64xf32>
    %swap3A_44 = vector.shape_cast %swap3A_43 : vector<1x1x64xf32> to vector<64xf32>
    %swap3A_45 = vector.shape_cast %add3A_39 : vector<64xf32> to vector<1x1x64xf32>
    tpu.vector_store %arg7[%swap3A_40, %swap3A_41, %swap3A_42], %swap3A_45 {strides = array<i32>} : memref<1x8x64xf32, #tpu.memory_space<vmem>>, vector<1x1x64xf32>,
    %get3A_46 = arith.constant 0 : index
    %get3A_47 = arith.constant 0 : index
    %get3A_48 = arith.constant 0 : index
    %get3A_49 = vector.load %arg8[%get3A_46, %get3A_47, %get3A_48] : memref<1x8x64xf32, #tpu.memory_space<vmem>>, vector<1x1x64xf32>
    %get3A_50 = vector.shape_cast %get3A_49 : vector<1x1x64xf32> to vector<64xf32>
    %add3A_51 = arith.addf %get3A_50, %reduce_sum3A_31 : vector<64xf32>
    %swap3A_52 = arith.constant 0 : index
    %swap3A_53 = arith.constant 0 : index
    %swap3A_54 = arith.constant 0 : index
    %swap3A_55 = vector.load %arg8[%swap3A_52, %swap3A_53, %swap3A_54] : memref<1x8x64xf32, #tpu.memory_space<vmem>>, vector<1x1x64xf32>
    %swap3A_56 = vector.shape_cast %swap3A_55 : vector<1x1x64xf32> to vector<64xf32>
    %swap3A_57 = vector.shape_cast %add3A_51 : vector<64xf32> to vector<1x1x64xf32>
    tpu.vector_store %arg8[%swap3A_52, %swap3A_53, %swap3A_54], %swap3A_57 {strides = array<i32>} : memref<1x8x64xf32, #tpu.memory_space<vmem>>, vector<1x1x64xf32>,
    return
  }
  func.func @transform_0(%arg0: i32, %arg1: i32) -> (i32, i32, i32, i32) {
    %c0_i32 = arith.constant 0 : i32
    %c0_i32_0 = arith.constant 0 : i32
    %c0_i32_1 = arith.constant 0 : i32
    return %arg0, %arg1, %c0_i32, %c0_i32_0 : i32, i32, i32, i32
  }
  func.func @transform_1(%arg0: i32, %arg1: i32) -> (i32, i32, i32) {
    %c0_i32 = arith.constant 0 : i32
    %c0_i32_0 = arith.constant 0 : i32
    return %arg0, %arg1, %c0_i32 : i32, i32, i32
  }
  func.func @transform_2(%arg0: i32, %arg1: i32) -> (i32, i32) {
    %c0_i32 = arith.constant 0 : i32
    %c0_i32_0 = arith.constant 0 : i32
    %c0_i32_1 = arith.constant 0 : i32
    return %c0_i32, %c0_i32_0 : i32, i32
  }
  func.func @transform_3(%arg0: i32, %arg1: i32) -> i32 {
    %c0_i32 = arith.constant 0 : i32
    %c0_i32_0 = arith.constant 0 : i32
    return %c0_i32 : i32
  }
  func.func @transform_4(%arg0: i32, %arg1: i32) -> (i32, i32, i32) {
    %c0_i32 = arith.constant 0 : i32
    %c0_i32_0 = arith.constant 0 : i32
    return %arg0, %arg1, %c0_i32 : i32, i32, i32
  }
  func.func @transform_5(%arg0: i32, %arg1: i32) -> (i32, i32, i32) {
    %c0_i32 = arith.constant 0 : i32
    %c0_i32_0 = arith.constant 0 : i32
    %c0_i32_1 = arith.constant 0 : i32
    return %arg0, %c0_i32, %c0_i32_0 : i32, i32, i32
  }
  func.func @transform_6(%arg0: i32, %arg1: i32) -> (i32, i32, i32) {
    %c0_i32 = arith.constant 0 : i32
    %c0_i32_0 = arith.constant 0 : i32
    %c0_i32_1 = arith.constant 0 : i32
    return %arg0, %c0_i32, %c0_i32_0 : i32, i32, i32
  }
}

module attributes {stable_mosaic.version = 14 : i64} {
  func.func @_pd_topk_kernel(%arg0: i32, %arg1: i32, %arg2: memref<1x64x1024xf32, #tpu.memory_space<vmem>>, %arg3: memref<1x64x256xf32, #tpu.memory_space<vmem>>, %arg4: memref<1x20x256xi32, #tpu.memory_space<vmem>>) attributes {dimension_semantics = [#tpu.dimension_semantics<parallel>, #tpu.dimension_semantics<parallel>], iteration_bounds = array<i64: 8, 4>, scalar_prefetch = 0 : i64, scratch_operands = 0 : i64, tpu.core_type = #tpu.core_type<tc>, window_params = [{transform_indices = @transform_0, window_bounds = array<i64: 1, 64, 1024>}, {transform_indices = @transform_1, window_bounds = array<i64: 1, 64, 256>}, {transform_indices = @transform_2, window_bounds = array<i64: 1, 20, 256>}]} {
    %get3A = arith.constant 0 : index
    %get3A_0 = arith.constant 0 : index
    %get3A_1 = arith.constant 0 : index
    %get3A_2 = vector.load %arg2[%get3A, %get3A_0, %get3A_1] : memref<1x64x1024xf32, #tpu.memory_space<vmem>>, vector<1x64x1024xf32>
    %get3A_3 = vector.shape_cast %get3A_2 : vector<1x64x1024xf32> to vector<64x1024xf32>
    %get3A_4 = arith.constant 0 : index
    %get3A_5 = arith.constant 0 : index
    %get3A_6 = arith.constant 0 : index
    %get3A_7 = vector.load %arg3[%get3A_4, %get3A_5, %get3A_6] : memref<1x64x256xf32, #tpu.memory_space<vmem>>, vector<1x64x256xf32>
    %get3A_8 = vector.shape_cast %get3A_7 : vector<1x64x256xf32> to vector<64x256xf32>
    %dot_general3A = arith.constant dense<0.000000e+00> : vector<256x1024xf32>
    %dot_general3A_9 = tpu.matmul %get3A_8, %get3A_3, %dot_general3A {dimension_numbers = #tpu.dot_dimension_numbers<[0], [0], [1], [1], [0, 1, 1, 1], [], []>, transpose_lhs_hint = false} : vector<64x256xf32>, vector<64x1024xf32>, vector<256x1024xf32> -> vector<256x1024xf32>
    %mul3A = arith.constant -2.000000e+00 : f32
    %mul3A_10 = vector.broadcast %mul3A : f32 to vector<256x1024xf32>
    %mul3A_11 = arith.mulf %mul3A_10, %dot_general3A_9 : vector<256x1024xf32>
    %mul3A_12 = arith.mulf %get3A_3, %get3A_3 : vector<64x1024xf32>
    %reduce_sum3A = arith.constant dense<0.000000e+00> : vector<1024xf32>
    %reduce_sum3A_13 = vector.multi_reduction <add>, %mul3A_12, %reduce_sum3A [0] : vector<64x1024xf32> to vector<1024xf32>
    %mul3A_14 = arith.mulf %get3A_8, %get3A_8 : vector<64x256xf32>
    %reduce_sum3A_15 = arith.constant dense<0.000000e+00> : vector<256xf32>
    %reduce_sum3A_16 = vector.multi_reduction <add>, %mul3A_14, %reduce_sum3A_15 [0] : vector<64x256xf32> to vector<256xf32>
    %broadcast_in_dim3A = vector.shape_cast %reduce_sum3A_16 : vector<256xf32> to vector<256x1xf32>
    %neg3A = arith.constant 0.000000e+00 : f32
    %neg3A_17 = vector.broadcast %neg3A : f32 to vector<256x1xf32>
    %neg3A_18 = arith.subf %neg3A_17, %broadcast_in_dim3A : vector<256x1xf32>
    %sub3A = vector.broadcast %neg3A_18 : vector<256x1xf32> to vector<256x1024xf32>
    %sub3A_19 = arith.subf %sub3A, %mul3A_11 : vector<256x1024xf32>
    %broadcast_in_dim3A_20 = vector.shape_cast %reduce_sum3A_13 : vector<1024xf32> to vector<1x1024xf32>
    %sub3A_21 = vector.broadcast %broadcast_in_dim3A_20 : vector<1x1024xf32> to vector<256x1024xf32>
    %sub3A_22 = arith.subf %sub3A_19, %sub3A_21 : vector<256x1024xf32>
    %iota3A = tpu.iota {dimensions = array<i32: 1>} : vector<256x1024xi32>
    %reduce_max3A = arith.constant dense<0xFF800000> : vector<256xf32>
    %reduce_max3A_23 = vector.multi_reduction <maximumf>, %sub3A_22, %reduce_max3A [1] : vector<256x1024xf32> to vector<256xf32>
    %broadcast_in_dim3A_24 = vector.shape_cast %reduce_max3A_23 : vector<256xf32> to vector<256x1xf32>
    %eq3A = vector.broadcast %broadcast_in_dim3A_24 : vector<256x1xf32> to vector<256x1024xf32>
    %eq3A_25 = arith.cmpf oeq, %sub3A_22, %eq3A : vector<256x1024xf32>
    %jit3A = arith.constant 1024 : i32
    %broadcast_in_dim3A_26 = vector.broadcast %jit3A : i32 to vector<256x1024xi32>
    %select_n3A = arith.select %eq3A_25, %iota3A, %broadcast_in_dim3A_26 : vector<256x1024xi1>, vector<256x1024xi32>
    %reduce_min3A = arith.constant dense<2147483647> : vector<256xi32>
    %reduce_min3A_27 = vector.multi_reduction <minsi>, %select_n3A, %reduce_min3A [1] : vector<256x1024xi32> to vector<256xi32>
    %mul3A_28 = arith.constant 1024 : i32
    %mul3A_29 = arith.muli %arg0, %mul3A_28 : i32
    %add3A = vector.broadcast %mul3A_29 : i32 to vector<256xi32>
    %add3A_30 = arith.addi %reduce_min3A_27, %add3A : vector<256xi32>
    %swap3A = arith.constant 0 : index
    %swap3A_31 = arith.constant 0 : index
    %swap3A_32 = arith.constant 0 : index
    %swap3A_33 = vector.load %arg4[%swap3A, %swap3A_31, %swap3A_32] : memref<1x20x256xi32, #tpu.memory_space<vmem>>, vector<1x1x256xi32>
    %swap3A_34 = vector.shape_cast %swap3A_33 : vector<1x1x256xi32> to vector<256xi32>
    %swap3A_35 = vector.shape_cast %add3A_30 : vector<256xi32> to vector<1x1x256xi32>
    tpu.vector_store %arg4[%swap3A, %swap3A_31, %swap3A_32], %swap3A_35 {strides = array<i32>} : memref<1x20x256xi32, #tpu.memory_space<vmem>>, vector<1x1x256xi32>,
    %broadcast_in_dim3A_36 = vector.shape_cast %reduce_min3A_27 : vector<256xi32> to vector<256x1xi32>
    %eq3A_37 = vector.broadcast %broadcast_in_dim3A_36 : vector<256x1xi32> to vector<256x1024xi32>
    %eq3A_38 = arith.cmpi eq, %iota3A, %eq3A_37 : vector<256x1024xi32>
    %jit3A_39 = arith.constant 0xFF800000 : f32
    %broadcast_in_dim3A_40 = vector.broadcast %jit3A_39 : f32 to vector<256x1024xf32>
    %select_n3A_41 = arith.select %eq3A_38, %broadcast_in_dim3A_40, %sub3A_22 : vector<256x1024xi1>, vector<256x1024xf32>
    %reduce_max3A_42 = arith.constant dense<0xFF800000> : vector<256xf32>
    %reduce_max3A_43 = vector.multi_reduction <maximumf>, %select_n3A_41, %reduce_max3A_42 [1] : vector<256x1024xf32> to vector<256xf32>
    %broadcast_in_dim3A_44 = vector.shape_cast %reduce_max3A_43 : vector<256xf32> to vector<256x1xf32>
    %eq3A_45 = vector.broadcast %broadcast_in_dim3A_44 : vector<256x1xf32> to vector<256x1024xf32>
    %eq3A_46 = arith.cmpf oeq, %select_n3A_41, %eq3A_45 : vector<256x1024xf32>
    %jit3A_47 = arith.constant 1024 : i32
    %broadcast_in_dim3A_48 = vector.broadcast %jit3A_47 : i32 to vector<256x1024xi32>
    %select_n3A_49 = arith.select %eq3A_46, %iota3A, %broadcast_in_dim3A_48 : vector<256x1024xi1>, vector<256x1024xi32>
    %reduce_min3A_50 = arith.constant dense<2147483647> : vector<256xi32>
    %reduce_min3A_51 = vector.multi_reduction <minsi>, %select_n3A_49, %reduce_min3A_50 [1] : vector<256x1024xi32> to vector<256xi32>
    %mul3A_52 = arith.constant 1024 : i32
    %mul3A_53 = arith.muli %arg0, %mul3A_52 : i32
    %add3A_54 = vector.broadcast %mul3A_53 : i32 to vector<256xi32>
    %add3A_55 = arith.addi %reduce_min3A_51, %add3A_54 : vector<256xi32>
    %swap3A_56 = arith.constant 0 : index
    %swap3A_57 = arith.constant 1 : index
    %swap3A_58 = arith.constant 0 : index
    %swap3A_59 = vector.load %arg4[%swap3A_56, %swap3A_57, %swap3A_58] : memref<1x20x256xi32, #tpu.memory_space<vmem>>, vector<1x1x256xi32>
    %swap3A_60 = vector.shape_cast %swap3A_59 : vector<1x1x256xi32> to vector<256xi32>
    %swap3A_61 = vector.shape_cast %add3A_55 : vector<256xi32> to vector<1x1x256xi32>
    tpu.vector_store %arg4[%swap3A_56, %swap3A_57, %swap3A_58], %swap3A_61 {strides = array<i32>} : memref<1x20x256xi32, #tpu.memory_space<vmem>>, vector<1x1x256xi32>,
    %broadcast_in_dim3A_62 = vector.shape_cast %reduce_min3A_51 : vector<256xi32> to vector<256x1xi32>
    %eq3A_63 = vector.broadcast %broadcast_in_dim3A_62 : vector<256x1xi32> to vector<256x1024xi32>
    %eq3A_64 = arith.cmpi eq, %iota3A, %eq3A_63 : vector<256x1024xi32>
    %jit3A_65 = arith.constant 0xFF800000 : f32
    %broadcast_in_dim3A_66 = vector.broadcast %jit3A_65 : f32 to vector<256x1024xf32>
    %select_n3A_67 = arith.select %eq3A_64, %broadcast_in_dim3A_66, %select_n3A_41 : vector<256x1024xi1>, vector<256x1024xf32>
    %reduce_max3A_68 = arith.constant dense<0xFF800000> : vector<256xf32>
    %reduce_max3A_69 = vector.multi_reduction <maximumf>, %select_n3A_67, %reduce_max3A_68 [1] : vector<256x1024xf32> to vector<256xf32>
    %broadcast_in_dim3A_70 = vector.shape_cast %reduce_max3A_69 : vector<256xf32> to vector<256x1xf32>
    %eq3A_71 = vector.broadcast %broadcast_in_dim3A_70 : vector<256x1xf32> to vector<256x1024xf32>
    %eq3A_72 = arith.cmpf oeq, %select_n3A_67, %eq3A_71 : vector<256x1024xf32>
    %jit3A_73 = arith.constant 1024 : i32
    %broadcast_in_dim3A_74 = vector.broadcast %jit3A_73 : i32 to vector<256x1024xi32>
    %select_n3A_75 = arith.select %eq3A_72, %iota3A, %broadcast_in_dim3A_74 : vector<256x1024xi1>, vector<256x1024xi32>
    %reduce_min3A_76 = arith.constant dense<2147483647> : vector<256xi32>
    %reduce_min3A_77 = vector.multi_reduction <minsi>, %select_n3A_75, %reduce_min3A_76 [1] : vector<256x1024xi32> to vector<256xi32>
    %mul3A_78 = arith.constant 1024 : i32
    %mul3A_79 = arith.muli %arg0, %mul3A_78 : i32
    %add3A_80 = vector.broadcast %mul3A_79 : i32 to vector<256xi32>
    %add3A_81 = arith.addi %reduce_min3A_77, %add3A_80 : vector<256xi32>
    %swap3A_82 = arith.constant 0 : index
    %swap3A_83 = arith.constant 2 : index
    %swap3A_84 = arith.constant 0 : index
    %swap3A_85 = vector.load %arg4[%swap3A_82, %swap3A_83, %swap3A_84] : memref<1x20x256xi32, #tpu.memory_space<vmem>>, vector<1x1x256xi32>
    %swap3A_86 = vector.shape_cast %swap3A_85 : vector<1x1x256xi32> to vector<256xi32>
    %swap3A_87 = vector.shape_cast %add3A_81 : vector<256xi32> to vector<1x1x256xi32>
    tpu.vector_store %arg4[%swap3A_82, %swap3A_83, %swap3A_84], %swap3A_87 {strides = array<i32>} : memref<1x20x256xi32, #tpu.memory_space<vmem>>, vector<1x1x256xi32>,
    %broadcast_in_dim3A_88 = vector.shape_cast %reduce_min3A_77 : vector<256xi32> to vector<256x1xi32>
    %eq3A_89 = vector.broadcast %broadcast_in_dim3A_88 : vector<256x1xi32> to vector<256x1024xi32>
    %eq3A_90 = arith.cmpi eq, %iota3A, %eq3A_89 : vector<256x1024xi32>
    %jit3A_91 = arith.constant 0xFF800000 : f32
    %broadcast_in_dim3A_92 = vector.broadcast %jit3A_91 : f32 to vector<256x1024xf32>
    %select_n3A_93 = arith.select %eq3A_90, %broadcast_in_dim3A_92, %select_n3A_67 : vector<256x1024xi1>, vector<256x1024xf32>
    %reduce_max3A_94 = arith.constant dense<0xFF800000> : vector<256xf32>
    %reduce_max3A_95 = vector.multi_reduction <maximumf>, %select_n3A_93, %reduce_max3A_94 [1] : vector<256x1024xf32> to vector<256xf32>
    %broadcast_in_dim3A_96 = vector.shape_cast %reduce_max3A_95 : vector<256xf32> to vector<256x1xf32>
    %eq3A_97 = vector.broadcast %broadcast_in_dim3A_96 : vector<256x1xf32> to vector<256x1024xf32>
    %eq3A_98 = arith.cmpf oeq, %select_n3A_93, %eq3A_97 : vector<256x1024xf32>
    %jit3A_99 = arith.constant 1024 : i32
    %broadcast_in_dim3A_100 = vector.broadcast %jit3A_99 : i32 to vector<256x1024xi32>
    %select_n3A_101 = arith.select %eq3A_98, %iota3A, %broadcast_in_dim3A_100 : vector<256x1024xi1>, vector<256x1024xi32>
    %reduce_min3A_102 = arith.constant dense<2147483647> : vector<256xi32>
    %reduce_min3A_103 = vector.multi_reduction <minsi>, %select_n3A_101, %reduce_min3A_102 [1] : vector<256x1024xi32> to vector<256xi32>
    %mul3A_104 = arith.constant 1024 : i32
    %mul3A_105 = arith.muli %arg0, %mul3A_104 : i32
    %add3A_106 = vector.broadcast %mul3A_105 : i32 to vector<256xi32>
    %add3A_107 = arith.addi %reduce_min3A_103, %add3A_106 : vector<256xi32>
    %swap3A_108 = arith.constant 0 : index
    %swap3A_109 = arith.constant 3 : index
    %swap3A_110 = arith.constant 0 : index
    %swap3A_111 = vector.load %arg4[%swap3A_108, %swap3A_109, %swap3A_110] : memref<1x20x256xi32, #tpu.memory_space<vmem>>, vector<1x1x256xi32>
    %swap3A_112 = vector.shape_cast %swap3A_111 : vector<1x1x256xi32> to vector<256xi32>
    %swap3A_113 = vector.shape_cast %add3A_107 : vector<256xi32> to vector<1x1x256xi32>
    tpu.vector_store %arg4[%swap3A_108, %swap3A_109, %swap3A_110], %swap3A_113 {strides = array<i32>} : memref<1x20x256xi32, #tpu.memory_space<vmem>>, vector<1x1x256xi32>,
    %broadcast_in_dim3A_114 = vector.shape_cast %reduce_min3A_103 : vector<256xi32> to vector<256x1xi32>
    %eq3A_115 = vector.broadcast %broadcast_in_dim3A_114 : vector<256x1xi32> to vector<256x1024xi32>
    %eq3A_116 = arith.cmpi eq, %iota3A, %eq3A_115 : vector<256x1024xi32>
    %jit3A_117 = arith.constant 0xFF800000 : f32
    %broadcast_in_dim3A_118 = vector.broadcast %jit3A_117 : f32 to vector<256x1024xf32>
    %select_n3A_119 = arith.select %eq3A_116, %broadcast_in_dim3A_118, %select_n3A_93 : vector<256x1024xi1>, vector<256x1024xf32>
    %reduce_max3A_120 = arith.constant dense<0xFF800000> : vector<256xf32>
    %reduce_max3A_121 = vector.multi_reduction <maximumf>, %select_n3A_119, %reduce_max3A_120 [1] : vector<256x1024xf32> to vector<256xf32>
    %broadcast_in_dim3A_122 = vector.shape_cast %reduce_max3A_121 : vector<256xf32> to vector<256x1xf32>
    %eq3A_123 = vector.broadcast %broadcast_in_dim3A_122 : vector<256x1xf32> to vector<256x1024xf32>
    %eq3A_124 = arith.cmpf oeq, %select_n3A_119, %eq3A_123 : vector<256x1024xf32>
    %jit3A_125 = arith.constant 1024 : i32
    %broadcast_in_dim3A_126 = vector.broadcast %jit3A_125 : i32 to vector<256x1024xi32>
    %select_n3A_127 = arith.select %eq3A_124, %iota3A, %broadcast_in_dim3A_126 : vector<256x1024xi1>, vector<256x1024xi32>
    %reduce_min3A_128 = arith.constant dense<2147483647> : vector<256xi32>
    %reduce_min3A_129 = vector.multi_reduction <minsi>, %select_n3A_127, %reduce_min3A_128 [1] : vector<256x1024xi32> to vector<256xi32>
    %mul3A_130 = arith.constant 1024 : i32
    %mul3A_131 = arith.muli %arg0, %mul3A_130 : i32
    %add3A_132 = vector.broadcast %mul3A_131 : i32 to vector<256xi32>
    %add3A_133 = arith.addi %reduce_min3A_129, %add3A_132 : vector<256xi32>
    %swap3A_134 = arith.constant 0 : index
    %swap3A_135 = arith.constant 4 : index
    %swap3A_136 = arith.constant 0 : index
    %swap3A_137 = vector.load %arg4[%swap3A_134, %swap3A_135, %swap3A_136] : memref<1x20x256xi32, #tpu.memory_space<vmem>>, vector<1x1x256xi32>
    %swap3A_138 = vector.shape_cast %swap3A_137 : vector<1x1x256xi32> to vector<256xi32>
    %swap3A_139 = vector.shape_cast %add3A_133 : vector<256xi32> to vector<1x1x256xi32>
    tpu.vector_store %arg4[%swap3A_134, %swap3A_135, %swap3A_136], %swap3A_139 {strides = array<i32>} : memref<1x20x256xi32, #tpu.memory_space<vmem>>, vector<1x1x256xi32>,
    %broadcast_in_dim3A_140 = vector.shape_cast %reduce_min3A_129 : vector<256xi32> to vector<256x1xi32>
    %eq3A_141 = vector.broadcast %broadcast_in_dim3A_140 : vector<256x1xi32> to vector<256x1024xi32>
    %eq3A_142 = arith.cmpi eq, %iota3A, %eq3A_141 : vector<256x1024xi32>
    %jit3A_143 = arith.constant 0xFF800000 : f32
    %broadcast_in_dim3A_144 = vector.broadcast %jit3A_143 : f32 to vector<256x1024xf32>
    %select_n3A_145 = arith.select %eq3A_142, %broadcast_in_dim3A_144, %select_n3A_119 : vector<256x1024xi1>, vector<256x1024xf32>
    %reduce_max3A_146 = arith.constant dense<0xFF800000> : vector<256xf32>
    %reduce_max3A_147 = vector.multi_reduction <maximumf>, %select_n3A_145, %reduce_max3A_146 [1] : vector<256x1024xf32> to vector<256xf32>
    %broadcast_in_dim3A_148 = vector.shape_cast %reduce_max3A_147 : vector<256xf32> to vector<256x1xf32>
    %eq3A_149 = vector.broadcast %broadcast_in_dim3A_148 : vector<256x1xf32> to vector<256x1024xf32>
    %eq3A_150 = arith.cmpf oeq, %select_n3A_145, %eq3A_149 : vector<256x1024xf32>
    %jit3A_151 = arith.constant 1024 : i32
    %broadcast_in_dim3A_152 = vector.broadcast %jit3A_151 : i32 to vector<256x1024xi32>
    %select_n3A_153 = arith.select %eq3A_150, %iota3A, %broadcast_in_dim3A_152 : vector<256x1024xi1>, vector<256x1024xi32>
    %reduce_min3A_154 = arith.constant dense<2147483647> : vector<256xi32>
    %reduce_min3A_155 = vector.multi_reduction <minsi>, %select_n3A_153, %reduce_min3A_154 [1] : vector<256x1024xi32> to vector<256xi32>
    %mul3A_156 = arith.constant 1024 : i32
    %mul3A_157 = arith.muli %arg0, %mul3A_156 : i32
    %add3A_158 = vector.broadcast %mul3A_157 : i32 to vector<256xi32>
    %add3A_159 = arith.addi %reduce_min3A_155, %add3A_158 : vector<256xi32>
    %swap3A_160 = arith.constant 0 : index
    %swap3A_161 = arith.constant 5 : index
    %swap3A_162 = arith.constant 0 : index
    %swap3A_163 = vector.load %arg4[%swap3A_160, %swap3A_161, %swap3A_162] : memref<1x20x256xi32, #tpu.memory_space<vmem>>, vector<1x1x256xi32>
    %swap3A_164 = vector.shape_cast %swap3A_163 : vector<1x1x256xi32> to vector<256xi32>
    %swap3A_165 = vector.shape_cast %add3A_159 : vector<256xi32> to vector<1x1x256xi32>
    tpu.vector_store %arg4[%swap3A_160, %swap3A_161, %swap3A_162], %swap3A_165 {strides = array<i32>} : memref<1x20x256xi32, #tpu.memory_space<vmem>>, vector<1x1x256xi32>,
    %broadcast_in_dim3A_166 = vector.shape_cast %reduce_min3A_155 : vector<256xi32> to vector<256x1xi32>
    %eq3A_167 = vector.broadcast %broadcast_in_dim3A_166 : vector<256x1xi32> to vector<256x1024xi32>
    %eq3A_168 = arith.cmpi eq, %iota3A, %eq3A_167 : vector<256x1024xi32>
    %jit3A_169 = arith.constant 0xFF800000 : f32
    %broadcast_in_dim3A_170 = vector.broadcast %jit3A_169 : f32 to vector<256x1024xf32>
    %select_n3A_171 = arith.select %eq3A_168, %broadcast_in_dim3A_170, %select_n3A_145 : vector<256x1024xi1>, vector<256x1024xf32>
    %reduce_max3A_172 = arith.constant dense<0xFF800000> : vector<256xf32>
    %reduce_max3A_173 = vector.multi_reduction <maximumf>, %select_n3A_171, %reduce_max3A_172 [1] : vector<256x1024xf32> to vector<256xf32>
    %broadcast_in_dim3A_174 = vector.shape_cast %reduce_max3A_173 : vector<256xf32> to vector<256x1xf32>
    %eq3A_175 = vector.broadcast %broadcast_in_dim3A_174 : vector<256x1xf32> to vector<256x1024xf32>
    %eq3A_176 = arith.cmpf oeq, %select_n3A_171, %eq3A_175 : vector<256x1024xf32>
    %jit3A_177 = arith.constant 1024 : i32
    %broadcast_in_dim3A_178 = vector.broadcast %jit3A_177 : i32 to vector<256x1024xi32>
    %select_n3A_179 = arith.select %eq3A_176, %iota3A, %broadcast_in_dim3A_178 : vector<256x1024xi1>, vector<256x1024xi32>
    %reduce_min3A_180 = arith.constant dense<2147483647> : vector<256xi32>
    %reduce_min3A_181 = vector.multi_reduction <minsi>, %select_n3A_179, %reduce_min3A_180 [1] : vector<256x1024xi32> to vector<256xi32>
    %mul3A_182 = arith.constant 1024 : i32
    %mul3A_183 = arith.muli %arg0, %mul3A_182 : i32
    %add3A_184 = vector.broadcast %mul3A_183 : i32 to vector<256xi32>
    %add3A_185 = arith.addi %reduce_min3A_181, %add3A_184 : vector<256xi32>
    %swap3A_186 = arith.constant 0 : index
    %swap3A_187 = arith.constant 6 : index
    %swap3A_188 = arith.constant 0 : index
    %swap3A_189 = vector.load %arg4[%swap3A_186, %swap3A_187, %swap3A_188] : memref<1x20x256xi32, #tpu.memory_space<vmem>>, vector<1x1x256xi32>
    %swap3A_190 = vector.shape_cast %swap3A_189 : vector<1x1x256xi32> to vector<256xi32>
    %swap3A_191 = vector.shape_cast %add3A_185 : vector<256xi32> to vector<1x1x256xi32>
    tpu.vector_store %arg4[%swap3A_186, %swap3A_187, %swap3A_188], %swap3A_191 {strides = array<i32>} : memref<1x20x256xi32, #tpu.memory_space<vmem>>, vector<1x1x256xi32>,
    %broadcast_in_dim3A_192 = vector.shape_cast %reduce_min3A_181 : vector<256xi32> to vector<256x1xi32>
    %eq3A_193 = vector.broadcast %broadcast_in_dim3A_192 : vector<256x1xi32> to vector<256x1024xi32>
    %eq3A_194 = arith.cmpi eq, %iota3A, %eq3A_193 : vector<256x1024xi32>
    %jit3A_195 = arith.constant 0xFF800000 : f32
    %broadcast_in_dim3A_196 = vector.broadcast %jit3A_195 : f32 to vector<256x1024xf32>
    %select_n3A_197 = arith.select %eq3A_194, %broadcast_in_dim3A_196, %select_n3A_171 : vector<256x1024xi1>, vector<256x1024xf32>
    %reduce_max3A_198 = arith.constant dense<0xFF800000> : vector<256xf32>
    %reduce_max3A_199 = vector.multi_reduction <maximumf>, %select_n3A_197, %reduce_max3A_198 [1] : vector<256x1024xf32> to vector<256xf32>
    %broadcast_in_dim3A_200 = vector.shape_cast %reduce_max3A_199 : vector<256xf32> to vector<256x1xf32>
    %eq3A_201 = vector.broadcast %broadcast_in_dim3A_200 : vector<256x1xf32> to vector<256x1024xf32>
    %eq3A_202 = arith.cmpf oeq, %select_n3A_197, %eq3A_201 : vector<256x1024xf32>
    %jit3A_203 = arith.constant 1024 : i32
    %broadcast_in_dim3A_204 = vector.broadcast %jit3A_203 : i32 to vector<256x1024xi32>
    %select_n3A_205 = arith.select %eq3A_202, %iota3A, %broadcast_in_dim3A_204 : vector<256x1024xi1>, vector<256x1024xi32>
    %reduce_min3A_206 = arith.constant dense<2147483647> : vector<256xi32>
    %reduce_min3A_207 = vector.multi_reduction <minsi>, %select_n3A_205, %reduce_min3A_206 [1] : vector<256x1024xi32> to vector<256xi32>
    %mul3A_208 = arith.constant 1024 : i32
    %mul3A_209 = arith.muli %arg0, %mul3A_208 : i32
    %add3A_210 = vector.broadcast %mul3A_209 : i32 to vector<256xi32>
    %add3A_211 = arith.addi %reduce_min3A_207, %add3A_210 : vector<256xi32>
    %swap3A_212 = arith.constant 0 : index
    %swap3A_213 = arith.constant 7 : index
    %swap3A_214 = arith.constant 0 : index
    %swap3A_215 = vector.load %arg4[%swap3A_212, %swap3A_213, %swap3A_214] : memref<1x20x256xi32, #tpu.memory_space<vmem>>, vector<1x1x256xi32>
    %swap3A_216 = vector.shape_cast %swap3A_215 : vector<1x1x256xi32> to vector<256xi32>
    %swap3A_217 = vector.shape_cast %add3A_211 : vector<256xi32> to vector<1x1x256xi32>
    tpu.vector_store %arg4[%swap3A_212, %swap3A_213, %swap3A_214], %swap3A_217 {strides = array<i32>} : memref<1x20x256xi32, #tpu.memory_space<vmem>>, vector<1x1x256xi32>,
    %broadcast_in_dim3A_218 = vector.shape_cast %reduce_min3A_207 : vector<256xi32> to vector<256x1xi32>
    %eq3A_219 = vector.broadcast %broadcast_in_dim3A_218 : vector<256x1xi32> to vector<256x1024xi32>
    %eq3A_220 = arith.cmpi eq, %iota3A, %eq3A_219 : vector<256x1024xi32>
    %jit3A_221 = arith.constant 0xFF800000 : f32
    %broadcast_in_dim3A_222 = vector.broadcast %jit3A_221 : f32 to vector<256x1024xf32>
    %select_n3A_223 = arith.select %eq3A_220, %broadcast_in_dim3A_222, %select_n3A_197 : vector<256x1024xi1>, vector<256x1024xf32>
    %reduce_max3A_224 = arith.constant dense<0xFF800000> : vector<256xf32>
    %reduce_max3A_225 = vector.multi_reduction <maximumf>, %select_n3A_223, %reduce_max3A_224 [1] : vector<256x1024xf32> to vector<256xf32>
    %broadcast_in_dim3A_226 = vector.shape_cast %reduce_max3A_225 : vector<256xf32> to vector<256x1xf32>
    %eq3A_227 = vector.broadcast %broadcast_in_dim3A_226 : vector<256x1xf32> to vector<256x1024xf32>
    %eq3A_228 = arith.cmpf oeq, %select_n3A_223, %eq3A_227 : vector<256x1024xf32>
    %jit3A_229 = arith.constant 1024 : i32
    %broadcast_in_dim3A_230 = vector.broadcast %jit3A_229 : i32 to vector<256x1024xi32>
    %select_n3A_231 = arith.select %eq3A_228, %iota3A, %broadcast_in_dim3A_230 : vector<256x1024xi1>, vector<256x1024xi32>
    %reduce_min3A_232 = arith.constant dense<2147483647> : vector<256xi32>
    %reduce_min3A_233 = vector.multi_reduction <minsi>, %select_n3A_231, %reduce_min3A_232 [1] : vector<256x1024xi32> to vector<256xi32>
    %mul3A_234 = arith.constant 1024 : i32
    %mul3A_235 = arith.muli %arg0, %mul3A_234 : i32
    %add3A_236 = vector.broadcast %mul3A_235 : i32 to vector<256xi32>
    %add3A_237 = arith.addi %reduce_min3A_233, %add3A_236 : vector<256xi32>
    %swap3A_238 = arith.constant 0 : index
    %swap3A_239 = arith.constant 8 : index
    %swap3A_240 = arith.constant 0 : index
    %swap3A_241 = vector.load %arg4[%swap3A_238, %swap3A_239, %swap3A_240] : memref<1x20x256xi32, #tpu.memory_space<vmem>>, vector<1x1x256xi32>
    %swap3A_242 = vector.shape_cast %swap3A_241 : vector<1x1x256xi32> to vector<256xi32>
    %swap3A_243 = vector.shape_cast %add3A_237 : vector<256xi32> to vector<1x1x256xi32>
    tpu.vector_store %arg4[%swap3A_238, %swap3A_239, %swap3A_240], %swap3A_243 {strides = array<i32>} : memref<1x20x256xi32, #tpu.memory_space<vmem>>, vector<1x1x256xi32>,
    %broadcast_in_dim3A_244 = vector.shape_cast %reduce_min3A_233 : vector<256xi32> to vector<256x1xi32>
    %eq3A_245 = vector.broadcast %broadcast_in_dim3A_244 : vector<256x1xi32> to vector<256x1024xi32>
    %eq3A_246 = arith.cmpi eq, %iota3A, %eq3A_245 : vector<256x1024xi32>
    %jit3A_247 = arith.constant 0xFF800000 : f32
    %broadcast_in_dim3A_248 = vector.broadcast %jit3A_247 : f32 to vector<256x1024xf32>
    %select_n3A_249 = arith.select %eq3A_246, %broadcast_in_dim3A_248, %select_n3A_223 : vector<256x1024xi1>, vector<256x1024xf32>
    %reduce_max3A_250 = arith.constant dense<0xFF800000> : vector<256xf32>
    %reduce_max3A_251 = vector.multi_reduction <maximumf>, %select_n3A_249, %reduce_max3A_250 [1] : vector<256x1024xf32> to vector<256xf32>
    %broadcast_in_dim3A_252 = vector.shape_cast %reduce_max3A_251 : vector<256xf32> to vector<256x1xf32>
    %eq3A_253 = vector.broadcast %broadcast_in_dim3A_252 : vector<256x1xf32> to vector<256x1024xf32>
    %eq3A_254 = arith.cmpf oeq, %select_n3A_249, %eq3A_253 : vector<256x1024xf32>
    %jit3A_255 = arith.constant 1024 : i32
    %broadcast_in_dim3A_256 = vector.broadcast %jit3A_255 : i32 to vector<256x1024xi32>
    %select_n3A_257 = arith.select %eq3A_254, %iota3A, %broadcast_in_dim3A_256 : vector<256x1024xi1>, vector<256x1024xi32>
    %reduce_min3A_258 = arith.constant dense<2147483647> : vector<256xi32>
    %reduce_min3A_259 = vector.multi_reduction <minsi>, %select_n3A_257, %reduce_min3A_258 [1] : vector<256x1024xi32> to vector<256xi32>
    %mul3A_260 = arith.constant 1024 : i32
    %mul3A_261 = arith.muli %arg0, %mul3A_260 : i32
    %add3A_262 = vector.broadcast %mul3A_261 : i32 to vector<256xi32>
    %add3A_263 = arith.addi %reduce_min3A_259, %add3A_262 : vector<256xi32>
    %swap3A_264 = arith.constant 0 : index
    %swap3A_265 = arith.constant 9 : index
    %swap3A_266 = arith.constant 0 : index
    %swap3A_267 = vector.load %arg4[%swap3A_264, %swap3A_265, %swap3A_266] : memref<1x20x256xi32, #tpu.memory_space<vmem>>, vector<1x1x256xi32>
    %swap3A_268 = vector.shape_cast %swap3A_267 : vector<1x1x256xi32> to vector<256xi32>
    %swap3A_269 = vector.shape_cast %add3A_263 : vector<256xi32> to vector<1x1x256xi32>
    tpu.vector_store %arg4[%swap3A_264, %swap3A_265, %swap3A_266], %swap3A_269 {strides = array<i32>} : memref<1x20x256xi32, #tpu.memory_space<vmem>>, vector<1x1x256xi32>,
    %broadcast_in_dim3A_270 = vector.shape_cast %reduce_min3A_259 : vector<256xi32> to vector<256x1xi32>
    %eq3A_271 = vector.broadcast %broadcast_in_dim3A_270 : vector<256x1xi32> to vector<256x1024xi32>
    %eq3A_272 = arith.cmpi eq, %iota3A, %eq3A_271 : vector<256x1024xi32>
    %jit3A_273 = arith.constant 0xFF800000 : f32
    %broadcast_in_dim3A_274 = vector.broadcast %jit3A_273 : f32 to vector<256x1024xf32>
    %select_n3A_275 = arith.select %eq3A_272, %broadcast_in_dim3A_274, %select_n3A_249 : vector<256x1024xi1>, vector<256x1024xf32>
    %reduce_max3A_276 = arith.constant dense<0xFF800000> : vector<256xf32>
    %reduce_max3A_277 = vector.multi_reduction <maximumf>, %select_n3A_275, %reduce_max3A_276 [1] : vector<256x1024xf32> to vector<256xf32>
    %broadcast_in_dim3A_278 = vector.shape_cast %reduce_max3A_277 : vector<256xf32> to vector<256x1xf32>
    %eq3A_279 = vector.broadcast %broadcast_in_dim3A_278 : vector<256x1xf32> to vector<256x1024xf32>
    %eq3A_280 = arith.cmpf oeq, %select_n3A_275, %eq3A_279 : vector<256x1024xf32>
    %jit3A_281 = arith.constant 1024 : i32
    %broadcast_in_dim3A_282 = vector.broadcast %jit3A_281 : i32 to vector<256x1024xi32>
    %select_n3A_283 = arith.select %eq3A_280, %iota3A, %broadcast_in_dim3A_282 : vector<256x1024xi1>, vector<256x1024xi32>
    %reduce_min3A_284 = arith.constant dense<2147483647> : vector<256xi32>
    %reduce_min3A_285 = vector.multi_reduction <minsi>, %select_n3A_283, %reduce_min3A_284 [1] : vector<256x1024xi32> to vector<256xi32>
    %mul3A_286 = arith.constant 1024 : i32
    %mul3A_287 = arith.muli %arg0, %mul3A_286 : i32
    %add3A_288 = vector.broadcast %mul3A_287 : i32 to vector<256xi32>
    %add3A_289 = arith.addi %reduce_min3A_285, %add3A_288 : vector<256xi32>
    %swap3A_290 = arith.constant 0 : index
    %swap3A_291 = arith.constant 10 : index
    %swap3A_292 = arith.constant 0 : index
    %swap3A_293 = vector.load %arg4[%swap3A_290, %swap3A_291, %swap3A_292] : memref<1x20x256xi32, #tpu.memory_space<vmem>>, vector<1x1x256xi32>
    %swap3A_294 = vector.shape_cast %swap3A_293 : vector<1x1x256xi32> to vector<256xi32>
    %swap3A_295 = vector.shape_cast %add3A_289 : vector<256xi32> to vector<1x1x256xi32>
    tpu.vector_store %arg4[%swap3A_290, %swap3A_291, %swap3A_292], %swap3A_295 {strides = array<i32>} : memref<1x20x256xi32, #tpu.memory_space<vmem>>, vector<1x1x256xi32>,
    %broadcast_in_dim3A_296 = vector.shape_cast %reduce_min3A_285 : vector<256xi32> to vector<256x1xi32>
    %eq3A_297 = vector.broadcast %broadcast_in_dim3A_296 : vector<256x1xi32> to vector<256x1024xi32>
    %eq3A_298 = arith.cmpi eq, %iota3A, %eq3A_297 : vector<256x1024xi32>
    %jit3A_299 = arith.constant 0xFF800000 : f32
    %broadcast_in_dim3A_300 = vector.broadcast %jit3A_299 : f32 to vector<256x1024xf32>
    %select_n3A_301 = arith.select %eq3A_298, %broadcast_in_dim3A_300, %select_n3A_275 : vector<256x1024xi1>, vector<256x1024xf32>
    %reduce_max3A_302 = arith.constant dense<0xFF800000> : vector<256xf32>
    %reduce_max3A_303 = vector.multi_reduction <maximumf>, %select_n3A_301, %reduce_max3A_302 [1] : vector<256x1024xf32> to vector<256xf32>
    %broadcast_in_dim3A_304 = vector.shape_cast %reduce_max3A_303 : vector<256xf32> to vector<256x1xf32>
    %eq3A_305 = vector.broadcast %broadcast_in_dim3A_304 : vector<256x1xf32> to vector<256x1024xf32>
    %eq3A_306 = arith.cmpf oeq, %select_n3A_301, %eq3A_305 : vector<256x1024xf32>
    %jit3A_307 = arith.constant 1024 : i32
    %broadcast_in_dim3A_308 = vector.broadcast %jit3A_307 : i32 to vector<256x1024xi32>
    %select_n3A_309 = arith.select %eq3A_306, %iota3A, %broadcast_in_dim3A_308 : vector<256x1024xi1>, vector<256x1024xi32>
    %reduce_min3A_310 = arith.constant dense<2147483647> : vector<256xi32>
    %reduce_min3A_311 = vector.multi_reduction <minsi>, %select_n3A_309, %reduce_min3A_310 [1] : vector<256x1024xi32> to vector<256xi32>
    %mul3A_312 = arith.constant 1024 : i32
    %mul3A_313 = arith.muli %arg0, %mul3A_312 : i32
    %add3A_314 = vector.broadcast %mul3A_313 : i32 to vector<256xi32>
    %add3A_315 = arith.addi %reduce_min3A_311, %add3A_314 : vector<256xi32>
    %swap3A_316 = arith.constant 0 : index
    %swap3A_317 = arith.constant 11 : index
    %swap3A_318 = arith.constant 0 : index
    %swap3A_319 = vector.load %arg4[%swap3A_316, %swap3A_317, %swap3A_318] : memref<1x20x256xi32, #tpu.memory_space<vmem>>, vector<1x1x256xi32>
    %swap3A_320 = vector.shape_cast %swap3A_319 : vector<1x1x256xi32> to vector<256xi32>
    %swap3A_321 = vector.shape_cast %add3A_315 : vector<256xi32> to vector<1x1x256xi32>
    tpu.vector_store %arg4[%swap3A_316, %swap3A_317, %swap3A_318], %swap3A_321 {strides = array<i32>} : memref<1x20x256xi32, #tpu.memory_space<vmem>>, vector<1x1x256xi32>,
    %broadcast_in_dim3A_322 = vector.shape_cast %reduce_min3A_311 : vector<256xi32> to vector<256x1xi32>
    %eq3A_323 = vector.broadcast %broadcast_in_dim3A_322 : vector<256x1xi32> to vector<256x1024xi32>
    %eq3A_324 = arith.cmpi eq, %iota3A, %eq3A_323 : vector<256x1024xi32>
    %jit3A_325 = arith.constant 0xFF800000 : f32
    %broadcast_in_dim3A_326 = vector.broadcast %jit3A_325 : f32 to vector<256x1024xf32>
    %select_n3A_327 = arith.select %eq3A_324, %broadcast_in_dim3A_326, %select_n3A_301 : vector<256x1024xi1>, vector<256x1024xf32>
    %reduce_max3A_328 = arith.constant dense<0xFF800000> : vector<256xf32>
    %reduce_max3A_329 = vector.multi_reduction <maximumf>, %select_n3A_327, %reduce_max3A_328 [1] : vector<256x1024xf32> to vector<256xf32>
    %broadcast_in_dim3A_330 = vector.shape_cast %reduce_max3A_329 : vector<256xf32> to vector<256x1xf32>
    %eq3A_331 = vector.broadcast %broadcast_in_dim3A_330 : vector<256x1xf32> to vector<256x1024xf32>
    %eq3A_332 = arith.cmpf oeq, %select_n3A_327, %eq3A_331 : vector<256x1024xf32>
    %jit3A_333 = arith.constant 1024 : i32
    %broadcast_in_dim3A_334 = vector.broadcast %jit3A_333 : i32 to vector<256x1024xi32>
    %select_n3A_335 = arith.select %eq3A_332, %iota3A, %broadcast_in_dim3A_334 : vector<256x1024xi1>, vector<256x1024xi32>
    %reduce_min3A_336 = arith.constant dense<2147483647> : vector<256xi32>
    %reduce_min3A_337 = vector.multi_reduction <minsi>, %select_n3A_335, %reduce_min3A_336 [1] : vector<256x1024xi32> to vector<256xi32>
    %mul3A_338 = arith.constant 1024 : i32
    %mul3A_339 = arith.muli %arg0, %mul3A_338 : i32
    %add3A_340 = vector.broadcast %mul3A_339 : i32 to vector<256xi32>
    %add3A_341 = arith.addi %reduce_min3A_337, %add3A_340 : vector<256xi32>
    %swap3A_342 = arith.constant 0 : index
    %swap3A_343 = arith.constant 12 : index
    %swap3A_344 = arith.constant 0 : index
    %swap3A_345 = vector.load %arg4[%swap3A_342, %swap3A_343, %swap3A_344] : memref<1x20x256xi32, #tpu.memory_space<vmem>>, vector<1x1x256xi32>
    %swap3A_346 = vector.shape_cast %swap3A_345 : vector<1x1x256xi32> to vector<256xi32>
    %swap3A_347 = vector.shape_cast %add3A_341 : vector<256xi32> to vector<1x1x256xi32>
    tpu.vector_store %arg4[%swap3A_342, %swap3A_343, %swap3A_344], %swap3A_347 {strides = array<i32>} : memref<1x20x256xi32, #tpu.memory_space<vmem>>, vector<1x1x256xi32>,
    %broadcast_in_dim3A_348 = vector.shape_cast %reduce_min3A_337 : vector<256xi32> to vector<256x1xi32>
    %eq3A_349 = vector.broadcast %broadcast_in_dim3A_348 : vector<256x1xi32> to vector<256x1024xi32>
    %eq3A_350 = arith.cmpi eq, %iota3A, %eq3A_349 : vector<256x1024xi32>
    %jit3A_351 = arith.constant 0xFF800000 : f32
    %broadcast_in_dim3A_352 = vector.broadcast %jit3A_351 : f32 to vector<256x1024xf32>
    %select_n3A_353 = arith.select %eq3A_350, %broadcast_in_dim3A_352, %select_n3A_327 : vector<256x1024xi1>, vector<256x1024xf32>
    %reduce_max3A_354 = arith.constant dense<0xFF800000> : vector<256xf32>
    %reduce_max3A_355 = vector.multi_reduction <maximumf>, %select_n3A_353, %reduce_max3A_354 [1] : vector<256x1024xf32> to vector<256xf32>
    %broadcast_in_dim3A_356 = vector.shape_cast %reduce_max3A_355 : vector<256xf32> to vector<256x1xf32>
    %eq3A_357 = vector.broadcast %broadcast_in_dim3A_356 : vector<256x1xf32> to vector<256x1024xf32>
    %eq3A_358 = arith.cmpf oeq, %select_n3A_353, %eq3A_357 : vector<256x1024xf32>
    %jit3A_359 = arith.constant 1024 : i32
    %broadcast_in_dim3A_360 = vector.broadcast %jit3A_359 : i32 to vector<256x1024xi32>
    %select_n3A_361 = arith.select %eq3A_358, %iota3A, %broadcast_in_dim3A_360 : vector<256x1024xi1>, vector<256x1024xi32>
    %reduce_min3A_362 = arith.constant dense<2147483647> : vector<256xi32>
    %reduce_min3A_363 = vector.multi_reduction <minsi>, %select_n3A_361, %reduce_min3A_362 [1] : vector<256x1024xi32> to vector<256xi32>
    %mul3A_364 = arith.constant 1024 : i32
    %mul3A_365 = arith.muli %arg0, %mul3A_364 : i32
    %add3A_366 = vector.broadcast %mul3A_365 : i32 to vector<256xi32>
    %add3A_367 = arith.addi %reduce_min3A_363, %add3A_366 : vector<256xi32>
    %swap3A_368 = arith.constant 0 : index
    %swap3A_369 = arith.constant 13 : index
    %swap3A_370 = arith.constant 0 : index
    %swap3A_371 = vector.load %arg4[%swap3A_368, %swap3A_369, %swap3A_370] : memref<1x20x256xi32, #tpu.memory_space<vmem>>, vector<1x1x256xi32>
    %swap3A_372 = vector.shape_cast %swap3A_371 : vector<1x1x256xi32> to vector<256xi32>
    %swap3A_373 = vector.shape_cast %add3A_367 : vector<256xi32> to vector<1x1x256xi32>
    tpu.vector_store %arg4[%swap3A_368, %swap3A_369, %swap3A_370], %swap3A_373 {strides = array<i32>} : memref<1x20x256xi32, #tpu.memory_space<vmem>>, vector<1x1x256xi32>,
    %broadcast_in_dim3A_374 = vector.shape_cast %reduce_min3A_363 : vector<256xi32> to vector<256x1xi32>
    %eq3A_375 = vector.broadcast %broadcast_in_dim3A_374 : vector<256x1xi32> to vector<256x1024xi32>
    %eq3A_376 = arith.cmpi eq, %iota3A, %eq3A_375 : vector<256x1024xi32>
    %jit3A_377 = arith.constant 0xFF800000 : f32
    %broadcast_in_dim3A_378 = vector.broadcast %jit3A_377 : f32 to vector<256x1024xf32>
    %select_n3A_379 = arith.select %eq3A_376, %broadcast_in_dim3A_378, %select_n3A_353 : vector<256x1024xi1>, vector<256x1024xf32>
    %reduce_max3A_380 = arith.constant dense<0xFF800000> : vector<256xf32>
    %reduce_max3A_381 = vector.multi_reduction <maximumf>, %select_n3A_379, %reduce_max3A_380 [1] : vector<256x1024xf32> to vector<256xf32>
    %broadcast_in_dim3A_382 = vector.shape_cast %reduce_max3A_381 : vector<256xf32> to vector<256x1xf32>
    %eq3A_383 = vector.broadcast %broadcast_in_dim3A_382 : vector<256x1xf32> to vector<256x1024xf32>
    %eq3A_384 = arith.cmpf oeq, %select_n3A_379, %eq3A_383 : vector<256x1024xf32>
    %jit3A_385 = arith.constant 1024 : i32
    %broadcast_in_dim3A_386 = vector.broadcast %jit3A_385 : i32 to vector<256x1024xi32>
    %select_n3A_387 = arith.select %eq3A_384, %iota3A, %broadcast_in_dim3A_386 : vector<256x1024xi1>, vector<256x1024xi32>
    %reduce_min3A_388 = arith.constant dense<2147483647> : vector<256xi32>
    %reduce_min3A_389 = vector.multi_reduction <minsi>, %select_n3A_387, %reduce_min3A_388 [1] : vector<256x1024xi32> to vector<256xi32>
    %mul3A_390 = arith.constant 1024 : i32
    %mul3A_391 = arith.muli %arg0, %mul3A_390 : i32
    %add3A_392 = vector.broadcast %mul3A_391 : i32 to vector<256xi32>
    %add3A_393 = arith.addi %reduce_min3A_389, %add3A_392 : vector<256xi32>
    %swap3A_394 = arith.constant 0 : index
    %swap3A_395 = arith.constant 14 : index
    %swap3A_396 = arith.constant 0 : index
    %swap3A_397 = vector.load %arg4[%swap3A_394, %swap3A_395, %swap3A_396] : memref<1x20x256xi32, #tpu.memory_space<vmem>>, vector<1x1x256xi32>
    %swap3A_398 = vector.shape_cast %swap3A_397 : vector<1x1x256xi32> to vector<256xi32>
    %swap3A_399 = vector.shape_cast %add3A_393 : vector<256xi32> to vector<1x1x256xi32>
    tpu.vector_store %arg4[%swap3A_394, %swap3A_395, %swap3A_396], %swap3A_399 {strides = array<i32>} : memref<1x20x256xi32, #tpu.memory_space<vmem>>, vector<1x1x256xi32>,
    %broadcast_in_dim3A_400 = vector.shape_cast %reduce_min3A_389 : vector<256xi32> to vector<256x1xi32>
    %eq3A_401 = vector.broadcast %broadcast_in_dim3A_400 : vector<256x1xi32> to vector<256x1024xi32>
    %eq3A_402 = arith.cmpi eq, %iota3A, %eq3A_401 : vector<256x1024xi32>
    %jit3A_403 = arith.constant 0xFF800000 : f32
    %broadcast_in_dim3A_404 = vector.broadcast %jit3A_403 : f32 to vector<256x1024xf32>
    %select_n3A_405 = arith.select %eq3A_402, %broadcast_in_dim3A_404, %select_n3A_379 : vector<256x1024xi1>, vector<256x1024xf32>
    %reduce_max3A_406 = arith.constant dense<0xFF800000> : vector<256xf32>
    %reduce_max3A_407 = vector.multi_reduction <maximumf>, %select_n3A_405, %reduce_max3A_406 [1] : vector<256x1024xf32> to vector<256xf32>
    %broadcast_in_dim3A_408 = vector.shape_cast %reduce_max3A_407 : vector<256xf32> to vector<256x1xf32>
    %eq3A_409 = vector.broadcast %broadcast_in_dim3A_408 : vector<256x1xf32> to vector<256x1024xf32>
    %eq3A_410 = arith.cmpf oeq, %select_n3A_405, %eq3A_409 : vector<256x1024xf32>
    %jit3A_411 = arith.constant 1024 : i32
    %broadcast_in_dim3A_412 = vector.broadcast %jit3A_411 : i32 to vector<256x1024xi32>
    %select_n3A_413 = arith.select %eq3A_410, %iota3A, %broadcast_in_dim3A_412 : vector<256x1024xi1>, vector<256x1024xi32>
    %reduce_min3A_414 = arith.constant dense<2147483647> : vector<256xi32>
    %reduce_min3A_415 = vector.multi_reduction <minsi>, %select_n3A_413, %reduce_min3A_414 [1] : vector<256x1024xi32> to vector<256xi32>
    %mul3A_416 = arith.constant 1024 : i32
    %mul3A_417 = arith.muli %arg0, %mul3A_416 : i32
    %add3A_418 = vector.broadcast %mul3A_417 : i32 to vector<256xi32>
    %add3A_419 = arith.addi %reduce_min3A_415, %add3A_418 : vector<256xi32>
    %swap3A_420 = arith.constant 0 : index
    %swap3A_421 = arith.constant 15 : index
    %swap3A_422 = arith.constant 0 : index
    %swap3A_423 = vector.load %arg4[%swap3A_420, %swap3A_421, %swap3A_422] : memref<1x20x256xi32, #tpu.memory_space<vmem>>, vector<1x1x256xi32>
    %swap3A_424 = vector.shape_cast %swap3A_423 : vector<1x1x256xi32> to vector<256xi32>
    %swap3A_425 = vector.shape_cast %add3A_419 : vector<256xi32> to vector<1x1x256xi32>
    tpu.vector_store %arg4[%swap3A_420, %swap3A_421, %swap3A_422], %swap3A_425 {strides = array<i32>} : memref<1x20x256xi32, #tpu.memory_space<vmem>>, vector<1x1x256xi32>,
    %broadcast_in_dim3A_426 = vector.shape_cast %reduce_min3A_415 : vector<256xi32> to vector<256x1xi32>
    %eq3A_427 = vector.broadcast %broadcast_in_dim3A_426 : vector<256x1xi32> to vector<256x1024xi32>
    %eq3A_428 = arith.cmpi eq, %iota3A, %eq3A_427 : vector<256x1024xi32>
    %jit3A_429 = arith.constant 0xFF800000 : f32
    %broadcast_in_dim3A_430 = vector.broadcast %jit3A_429 : f32 to vector<256x1024xf32>
    %select_n3A_431 = arith.select %eq3A_428, %broadcast_in_dim3A_430, %select_n3A_405 : vector<256x1024xi1>, vector<256x1024xf32>
    %reduce_max3A_432 = arith.constant dense<0xFF800000> : vector<256xf32>
    %reduce_max3A_433 = vector.multi_reduction <maximumf>, %select_n3A_431, %reduce_max3A_432 [1] : vector<256x1024xf32> to vector<256xf32>
    %broadcast_in_dim3A_434 = vector.shape_cast %reduce_max3A_433 : vector<256xf32> to vector<256x1xf32>
    %eq3A_435 = vector.broadcast %broadcast_in_dim3A_434 : vector<256x1xf32> to vector<256x1024xf32>
    %eq3A_436 = arith.cmpf oeq, %select_n3A_431, %eq3A_435 : vector<256x1024xf32>
    %jit3A_437 = arith.constant 1024 : i32
    %broadcast_in_dim3A_438 = vector.broadcast %jit3A_437 : i32 to vector<256x1024xi32>
    %select_n3A_439 = arith.select %eq3A_436, %iota3A, %broadcast_in_dim3A_438 : vector<256x1024xi1>, vector<256x1024xi32>
    %reduce_min3A_440 = arith.constant dense<2147483647> : vector<256xi32>
    %reduce_min3A_441 = vector.multi_reduction <minsi>, %select_n3A_439, %reduce_min3A_440 [1] : vector<256x1024xi32> to vector<256xi32>
    %mul3A_442 = arith.constant 1024 : i32
    %mul3A_443 = arith.muli %arg0, %mul3A_442 : i32
    %add3A_444 = vector.broadcast %mul3A_443 : i32 to vector<256xi32>
    %add3A_445 = arith.addi %reduce_min3A_441, %add3A_444 : vector<256xi32>
    %swap3A_446 = arith.constant 0 : index
    %swap3A_447 = arith.constant 16 : index
    %swap3A_448 = arith.constant 0 : index
    %swap3A_449 = vector.load %arg4[%swap3A_446, %swap3A_447, %swap3A_448] : memref<1x20x256xi32, #tpu.memory_space<vmem>>, vector<1x1x256xi32>
    %swap3A_450 = vector.shape_cast %swap3A_449 : vector<1x1x256xi32> to vector<256xi32>
    %swap3A_451 = vector.shape_cast %add3A_445 : vector<256xi32> to vector<1x1x256xi32>
    tpu.vector_store %arg4[%swap3A_446, %swap3A_447, %swap3A_448], %swap3A_451 {strides = array<i32>} : memref<1x20x256xi32, #tpu.memory_space<vmem>>, vector<1x1x256xi32>,
    %broadcast_in_dim3A_452 = vector.shape_cast %reduce_min3A_441 : vector<256xi32> to vector<256x1xi32>
    %eq3A_453 = vector.broadcast %broadcast_in_dim3A_452 : vector<256x1xi32> to vector<256x1024xi32>
    %eq3A_454 = arith.cmpi eq, %iota3A, %eq3A_453 : vector<256x1024xi32>
    %jit3A_455 = arith.constant 0xFF800000 : f32
    %broadcast_in_dim3A_456 = vector.broadcast %jit3A_455 : f32 to vector<256x1024xf32>
    %select_n3A_457 = arith.select %eq3A_454, %broadcast_in_dim3A_456, %select_n3A_431 : vector<256x1024xi1>, vector<256x1024xf32>
    %reduce_max3A_458 = arith.constant dense<0xFF800000> : vector<256xf32>
    %reduce_max3A_459 = vector.multi_reduction <maximumf>, %select_n3A_457, %reduce_max3A_458 [1] : vector<256x1024xf32> to vector<256xf32>
    %broadcast_in_dim3A_460 = vector.shape_cast %reduce_max3A_459 : vector<256xf32> to vector<256x1xf32>
    %eq3A_461 = vector.broadcast %broadcast_in_dim3A_460 : vector<256x1xf32> to vector<256x1024xf32>
    %eq3A_462 = arith.cmpf oeq, %select_n3A_457, %eq3A_461 : vector<256x1024xf32>
    %jit3A_463 = arith.constant 1024 : i32
    %broadcast_in_dim3A_464 = vector.broadcast %jit3A_463 : i32 to vector<256x1024xi32>
    %select_n3A_465 = arith.select %eq3A_462, %iota3A, %broadcast_in_dim3A_464 : vector<256x1024xi1>, vector<256x1024xi32>
    %reduce_min3A_466 = arith.constant dense<2147483647> : vector<256xi32>
    %reduce_min3A_467 = vector.multi_reduction <minsi>, %select_n3A_465, %reduce_min3A_466 [1] : vector<256x1024xi32> to vector<256xi32>
    %mul3A_468 = arith.constant 1024 : i32
    %mul3A_469 = arith.muli %arg0, %mul3A_468 : i32
    %add3A_470 = vector.broadcast %mul3A_469 : i32 to vector<256xi32>
    %add3A_471 = arith.addi %reduce_min3A_467, %add3A_470 : vector<256xi32>
    %swap3A_472 = arith.constant 0 : index
    %swap3A_473 = arith.constant 17 : index
    %swap3A_474 = arith.constant 0 : index
    %swap3A_475 = vector.load %arg4[%swap3A_472, %swap3A_473, %swap3A_474] : memref<1x20x256xi32, #tpu.memory_space<vmem>>, vector<1x1x256xi32>
    %swap3A_476 = vector.shape_cast %swap3A_475 : vector<1x1x256xi32> to vector<256xi32>
    %swap3A_477 = vector.shape_cast %add3A_471 : vector<256xi32> to vector<1x1x256xi32>
    tpu.vector_store %arg4[%swap3A_472, %swap3A_473, %swap3A_474], %swap3A_477 {strides = array<i32>} : memref<1x20x256xi32, #tpu.memory_space<vmem>>, vector<1x1x256xi32>,
    %broadcast_in_dim3A_478 = vector.shape_cast %reduce_min3A_467 : vector<256xi32> to vector<256x1xi32>
    %eq3A_479 = vector.broadcast %broadcast_in_dim3A_478 : vector<256x1xi32> to vector<256x1024xi32>
    %eq3A_480 = arith.cmpi eq, %iota3A, %eq3A_479 : vector<256x1024xi32>
    %jit3A_481 = arith.constant 0xFF800000 : f32
    %broadcast_in_dim3A_482 = vector.broadcast %jit3A_481 : f32 to vector<256x1024xf32>
    %select_n3A_483 = arith.select %eq3A_480, %broadcast_in_dim3A_482, %select_n3A_457 : vector<256x1024xi1>, vector<256x1024xf32>
    %reduce_max3A_484 = arith.constant dense<0xFF800000> : vector<256xf32>
    %reduce_max3A_485 = vector.multi_reduction <maximumf>, %select_n3A_483, %reduce_max3A_484 [1] : vector<256x1024xf32> to vector<256xf32>
    %broadcast_in_dim3A_486 = vector.shape_cast %reduce_max3A_485 : vector<256xf32> to vector<256x1xf32>
    %eq3A_487 = vector.broadcast %broadcast_in_dim3A_486 : vector<256x1xf32> to vector<256x1024xf32>
    %eq3A_488 = arith.cmpf oeq, %select_n3A_483, %eq3A_487 : vector<256x1024xf32>
    %jit3A_489 = arith.constant 1024 : i32
    %broadcast_in_dim3A_490 = vector.broadcast %jit3A_489 : i32 to vector<256x1024xi32>
    %select_n3A_491 = arith.select %eq3A_488, %iota3A, %broadcast_in_dim3A_490 : vector<256x1024xi1>, vector<256x1024xi32>
    %reduce_min3A_492 = arith.constant dense<2147483647> : vector<256xi32>
    %reduce_min3A_493 = vector.multi_reduction <minsi>, %select_n3A_491, %reduce_min3A_492 [1] : vector<256x1024xi32> to vector<256xi32>
    %mul3A_494 = arith.constant 1024 : i32
    %mul3A_495 = arith.muli %arg0, %mul3A_494 : i32
    %add3A_496 = vector.broadcast %mul3A_495 : i32 to vector<256xi32>
    %add3A_497 = arith.addi %reduce_min3A_493, %add3A_496 : vector<256xi32>
    %swap3A_498 = arith.constant 0 : index
    %swap3A_499 = arith.constant 18 : index
    %swap3A_500 = arith.constant 0 : index
    %swap3A_501 = vector.load %arg4[%swap3A_498, %swap3A_499, %swap3A_500] : memref<1x20x256xi32, #tpu.memory_space<vmem>>, vector<1x1x256xi32>
    %swap3A_502 = vector.shape_cast %swap3A_501 : vector<1x1x256xi32> to vector<256xi32>
    %swap3A_503 = vector.shape_cast %add3A_497 : vector<256xi32> to vector<1x1x256xi32>
    tpu.vector_store %arg4[%swap3A_498, %swap3A_499, %swap3A_500], %swap3A_503 {strides = array<i32>} : memref<1x20x256xi32, #tpu.memory_space<vmem>>, vector<1x1x256xi32>,
    %broadcast_in_dim3A_504 = vector.shape_cast %reduce_min3A_493 : vector<256xi32> to vector<256x1xi32>
    %eq3A_505 = vector.broadcast %broadcast_in_dim3A_504 : vector<256x1xi32> to vector<256x1024xi32>
    %eq3A_506 = arith.cmpi eq, %iota3A, %eq3A_505 : vector<256x1024xi32>
    %jit3A_507 = arith.constant 0xFF800000 : f32
    %broadcast_in_dim3A_508 = vector.broadcast %jit3A_507 : f32 to vector<256x1024xf32>
    %select_n3A_509 = arith.select %eq3A_506, %broadcast_in_dim3A_508, %select_n3A_483 : vector<256x1024xi1>, vector<256x1024xf32>
    %reduce_max3A_510 = arith.constant dense<0xFF800000> : vector<256xf32>
    %reduce_max3A_511 = vector.multi_reduction <maximumf>, %select_n3A_509, %reduce_max3A_510 [1] : vector<256x1024xf32> to vector<256xf32>
    %broadcast_in_dim3A_512 = vector.shape_cast %reduce_max3A_511 : vector<256xf32> to vector<256x1xf32>
    %eq3A_513 = vector.broadcast %broadcast_in_dim3A_512 : vector<256x1xf32> to vector<256x1024xf32>
    %eq3A_514 = arith.cmpf oeq, %select_n3A_509, %eq3A_513 : vector<256x1024xf32>
    %jit3A_515 = arith.constant 1024 : i32
    %broadcast_in_dim3A_516 = vector.broadcast %jit3A_515 : i32 to vector<256x1024xi32>
    %select_n3A_517 = arith.select %eq3A_514, %iota3A, %broadcast_in_dim3A_516 : vector<256x1024xi1>, vector<256x1024xi32>
    %reduce_min3A_518 = arith.constant dense<2147483647> : vector<256xi32>
    %reduce_min3A_519 = vector.multi_reduction <minsi>, %select_n3A_517, %reduce_min3A_518 [1] : vector<256x1024xi32> to vector<256xi32>
    %mul3A_520 = arith.constant 1024 : i32
    %mul3A_521 = arith.muli %arg0, %mul3A_520 : i32
    %add3A_522 = vector.broadcast %mul3A_521 : i32 to vector<256xi32>
    %add3A_523 = arith.addi %reduce_min3A_519, %add3A_522 : vector<256xi32>
    %swap3A_524 = arith.constant 0 : index
    %swap3A_525 = arith.constant 19 : index
    %swap3A_526 = arith.constant 0 : index
    %swap3A_527 = vector.load %arg4[%swap3A_524, %swap3A_525, %swap3A_526] : memref<1x20x256xi32, #tpu.memory_space<vmem>>, vector<1x1x256xi32>
    %swap3A_528 = vector.shape_cast %swap3A_527 : vector<1x1x256xi32> to vector<256xi32>
    %swap3A_529 = vector.shape_cast %add3A_523 : vector<256xi32> to vector<1x1x256xi32>
    tpu.vector_store %arg4[%swap3A_524, %swap3A_525, %swap3A_526], %swap3A_529 {strides = array<i32>} : memref<1x20x256xi32, #tpu.memory_space<vmem>>, vector<1x1x256xi32>,
    return
  }
  func.func @transform_0(%arg0: i32, %arg1: i32) -> (i32, i32, i32) {
    %c0_i32 = arith.constant 0 : i32
    %c0_i32_0 = arith.constant 0 : i32
    %c0_i32_1 = arith.constant 0 : i32
    return %arg0, %c0_i32, %c0_i32_0 : i32, i32, i32
  }
  func.func @transform_1(%arg0: i32, %arg1: i32) -> (i32, i32, i32) {
    %c0_i32 = arith.constant 0 : i32
    %c0_i32_0 = arith.constant 0 : i32
    return %arg0, %c0_i32, %arg1 : i32, i32, i32
  }
  func.func @transform_2(%arg0: i32, %arg1: i32) -> (i32, i32, i32) {
    %c0_i32 = arith.constant 0 : i32
    %c0_i32_0 = arith.constant 0 : i32
    return %arg0, %c0_i32, %arg1 : i32, i32, i32
  }
}

module attributes {stable_mosaic.version = 14 : i64} {
  func.func @_edge_kernel(%arg0: i32, %arg1: i32, %arg2: memref<1x128x20x128xf32, #tpu.memory_space<vmem>>, %arg3: memref<1x128x64xf32, #tpu.memory_space<vmem>>, %arg4: memref<64x128xf32, #tpu.memory_space<vmem>>, %arg5: memref<64xf32, #tpu.memory_space<vmem>>, %arg6: memref<1x128x64xf32, #tpu.memory_space<vmem>>, %arg7: memref<1x8x64xf32, #tpu.memory_space<vmem>>, %arg8: memref<1x8x64xf32, #tpu.memory_space<vmem>>) attributes {dimension_semantics = [#tpu.dimension_semantics<parallel>, #tpu.dimension_semantics<arbitrary>], iteration_bounds = array<i64: 8, 8>, scalar_prefetch = 0 : i64, scratch_operands = 0 : i64, tpu.core_type = #tpu.core_type<tc>, window_params = [{transform_indices = @transform_0, window_bounds = array<i64: 1, 128, 20, 128>}, {transform_indices = @transform_1, window_bounds = array<i64: 1, 128, 64>}, {pipeline_mode = #tpu.pipeline_mode<synchronous>, transform_indices = @transform_2, window_bounds = array<i64: 64, 128>}, {pipeline_mode = #tpu.pipeline_mode<synchronous>, transform_indices = @transform_3, window_bounds = array<i64: 64>}, {transform_indices = @transform_4, window_bounds = array<i64: 1, 128, 64>}, {transform_indices = @transform_5, window_bounds = array<i64: 1, 8, 64>}, {transform_indices = @transform_6, window_bounds = array<i64: 1, 8, 64>}]} {
    %get3A = arith.constant 0 : index
    %get3A_0 = arith.constant 0 : index
    %get3A_1 = arith.constant 0 : index
    %get3A_2 = arith.constant 0 : index
    %get3A_3 = vector.load %arg2[%get3A, %get3A_0, %get3A_1, %get3A_2] : memref<1x128x20x128xf32, #tpu.memory_space<vmem>>, vector<1x128x20x128xf32>
    %get3A_4 = vector.shape_cast %get3A_3 : vector<1x128x20x128xf32> to vector<128x20x128xf32>
    %slice3A = vector.extract_strided_slice %get3A_4 {offsets = [0, 0, 0], sizes = [128, 20, 64], strides = [1, 1, 1]} : vector<128x20x128xf32> to vector<128x20x64xf32>
    %get3A_5 = arith.constant 0 : index
    %get3A_6 = arith.constant 0 : index
    %get3A_7 = arith.constant 0 : index
    %get3A_8 = vector.load %arg3[%get3A_5, %get3A_6, %get3A_7] : memref<1x128x64xf32, #tpu.memory_space<vmem>>, vector<1x128x64xf32>
    %get3A_9 = vector.shape_cast %get3A_8 : vector<1x128x64xf32> to vector<128x64xf32>
    %broadcast_in_dim3A = vector.shape_cast %get3A_9 : vector<128x64xf32> to vector<128x1x64xf32>
    %sub3A = vector.broadcast %broadcast_in_dim3A : vector<128x1x64xf32> to vector<128x20x64xf32>
    %sub3A_10 = arith.subf %slice3A, %sub3A : vector<128x20x64xf32>
    %broadcast_in_dim3A_11 = vector.shape_cast %get3A_9 : vector<128x64xf32> to vector<128x1x64xf32>
    %broadcast_in_dim3A_12 = vector.shape_cast %broadcast_in_dim3A_11 : vector<128x1x64xf32> to vector<128x1x64xf32>
    %broadcast_in_dim3A_13 = vector.broadcast %broadcast_in_dim3A_12 : vector<128x1x64xf32> to vector<128x20x64xf32>
    %concatenate3A = tpu.concatenate %sub3A_10, %broadcast_in_dim3A_13 in 2 : vector<128x20x64xf32>, vector<128x20x64xf32> -> vector<128x20x128xf32>
    %reshape3A = vector.shape_cast %concatenate3A : vector<128x20x128xf32> to vector<2560x128xf32>
    %get3A_14 = arith.constant 0 : index
    %get3A_15 = arith.constant 0 : index
    %get3A_16 = vector.load %arg4[%get3A_14, %get3A_15] : memref<64x128xf32, #tpu.memory_space<vmem>>, vector<64x128xf32>
    %dot_general3A = arith.constant dense<0.000000e+00> : vector<2560x64xf32>
    %dot_general3A_17 = tpu.matmul %reshape3A, %get3A_16, %dot_general3A {dimension_numbers = #tpu.dot_dimension_numbers<[1], [1], [0], [0], [0, 0, 1, 0], [], []>, transpose_lhs_hint = false} : vector<2560x128xf32>, vector<64x128xf32>, vector<2560x64xf32> -> vector<2560x64xf32>
    %get3A_18 = arith.constant 0 : index
    %get3A_19 = vector.load %arg5[%get3A_18] : memref<64xf32, #tpu.memory_space<vmem>>, vector<64xf32>
    %broadcast_in_dim3A_20 = vector.shape_cast %get3A_19 : vector<64xf32> to vector<1x64xf32>
    %add3A = vector.broadcast %broadcast_in_dim3A_20 : vector<1x64xf32> to vector<2560x64xf32>
    %add3A_21 = arith.addf %dot_general3A_17, %add3A : vector<2560x64xf32>
    %reshape3A_22 = vector.shape_cast %add3A_21 : vector<2560x64xf32> to vector<128x20x64xf32>
    %reduce_max3A = arith.constant dense<0xFF800000> : vector<128x64xf32>
    %reduce_max3A_23 = vector.multi_reduction <maximumf>, %reshape3A_22, %reduce_max3A [1] : vector<128x20x64xf32> to vector<128x64xf32>
    %swap3A = arith.constant 0 : index
    %swap3A_24 = arith.constant 0 : index
    %swap3A_25 = arith.constant 0 : index
    %swap3A_26 = vector.load %arg6[%swap3A, %swap3A_24, %swap3A_25] : memref<1x128x64xf32, #tpu.memory_space<vmem>>, vector<1x128x64xf32>
    %swap3A_27 = vector.shape_cast %swap3A_26 : vector<1x128x64xf32> to vector<128x64xf32>
    %swap3A_28 = vector.shape_cast %reduce_max3A_23 : vector<128x64xf32> to vector<1x128x64xf32>
    tpu.vector_store %arg6[%swap3A, %swap3A_24, %swap3A_25], %swap3A_28 {strides = array<i32>} : memref<1x128x64xf32, #tpu.memory_space<vmem>>, vector<1x128x64xf32>,
    %reduce_sum3A = arith.constant dense<0.000000e+00> : vector<64xf32>
    %reduce_sum3A_29 = vector.multi_reduction <add>, %add3A_21, %reduce_sum3A [0] : vector<2560x64xf32> to vector<64xf32>
    %mul3A = arith.mulf %add3A_21, %add3A_21 : vector<2560x64xf32>
    %reduce_sum3A_30 = arith.constant dense<0.000000e+00> : vector<64xf32>
    %reduce_sum3A_31 = vector.multi_reduction <add>, %mul3A, %reduce_sum3A_30 [0] : vector<2560x64xf32> to vector<64xf32>
    %eq3A = arith.constant 0 : i32
    %eq3A_32 = arith.cmpi eq, %arg1, %eq3A : i32
    %convert_element_type3A = arith.extui %eq3A_32 : i1 to i32
    %cond3A = arith.constant 0 : i32
    %cond3A_33 = arith.cmpi ne, %convert_element_type3A, %cond3A : i32
    scf.if %cond3A_33 {
      %broadcast_in_dim3A_58 = arith.constant 0.000000e+00 : f32
      %broadcast_in_dim3A_59 = vector.broadcast %broadcast_in_dim3A_58 : f32 to vector<1x8x64xf32>
      %swap3A_60 = arith.constant 0 : index
      %swap3A_61 = arith.constant 0 : index
      %swap3A_62 = arith.constant 0 : index
      %swap3A_63 = vector.load %arg7[%swap3A_60, %swap3A_61, %swap3A_62] : memref<1x8x64xf32, #tpu.memory_space<vmem>>, vector<1x8x64xf32>
      tpu.vector_store %arg7[%swap3A_60, %swap3A_61, %swap3A_62], %broadcast_in_dim3A_59 {strides = array<i32>} : memref<1x8x64xf32, #tpu.memory_space<vmem>>, vector<1x8x64xf32>,
      %broadcast_in_dim3A_64 = arith.constant 0.000000e+00 : f32
      %broadcast_in_dim3A_65 = vector.broadcast %broadcast_in_dim3A_64 : f32 to vector<1x8x64xf32>
      %swap3A_66 = arith.constant 0 : index
      %swap3A_67 = arith.constant 0 : index
      %swap3A_68 = arith.constant 0 : index
      %swap3A_69 = vector.load %arg8[%swap3A_66, %swap3A_67, %swap3A_68] : memref<1x8x64xf32, #tpu.memory_space<vmem>>, vector<1x8x64xf32>
      tpu.vector_store %arg8[%swap3A_66, %swap3A_67, %swap3A_68], %broadcast_in_dim3A_65 {strides = array<i32>} : memref<1x8x64xf32, #tpu.memory_space<vmem>>, vector<1x8x64xf32>,
    } else {
    }
    %get3A_34 = arith.constant 0 : index
    %get3A_35 = arith.constant 0 : index
    %get3A_36 = arith.constant 0 : index
    %get3A_37 = vector.load %arg7[%get3A_34, %get3A_35, %get3A_36] : memref<1x8x64xf32, #tpu.memory_space<vmem>>, vector<1x1x64xf32>
    %get3A_38 = vector.shape_cast %get3A_37 : vector<1x1x64xf32> to vector<64xf32>
    %add3A_39 = arith.addf %get3A_38, %reduce_sum3A_29 : vector<64xf32>
    %swap3A_40 = arith.constant 0 : index
    %swap3A_41 = arith.constant 0 : index
    %swap3A_42 = arith.constant 0 : index
    %swap3A_43 = vector.load %arg7[%swap3A_40, %swap3A_41, %swap3A_42] : memref<1x8x64xf32, #tpu.memory_space<vmem>>, vector<1x1x64xf32>
    %swap3A_44 = vector.shape_cast %swap3A_43 : vector<1x1x64xf32> to vector<64xf32>
    %swap3A_45 = vector.shape_cast %add3A_39 : vector<64xf32> to vector<1x1x64xf32>
    tpu.vector_store %arg7[%swap3A_40, %swap3A_41, %swap3A_42], %swap3A_45 {strides = array<i32>} : memref<1x8x64xf32, #tpu.memory_space<vmem>>, vector<1x1x64xf32>,
    %get3A_46 = arith.constant 0 : index
    %get3A_47 = arith.constant 0 : index
    %get3A_48 = arith.constant 0 : index
    %get3A_49 = vector.load %arg8[%get3A_46, %get3A_47, %get3A_48] : memref<1x8x64xf32, #tpu.memory_space<vmem>>, vector<1x1x64xf32>
    %get3A_50 = vector.shape_cast %get3A_49 : vector<1x1x64xf32> to vector<64xf32>
    %add3A_51 = arith.addf %get3A_50, %reduce_sum3A_31 : vector<64xf32>
    %swap3A_52 = arith.constant 0 : index
    %swap3A_53 = arith.constant 0 : index
    %swap3A_54 = arith.constant 0 : index
    %swap3A_55 = vector.load %arg8[%swap3A_52, %swap3A_53, %swap3A_54] : memref<1x8x64xf32, #tpu.memory_space<vmem>>, vector<1x1x64xf32>
    %swap3A_56 = vector.shape_cast %swap3A_55 : vector<1x1x64xf32> to vector<64xf32>
    %swap3A_57 = vector.shape_cast %add3A_51 : vector<64xf32> to vector<1x1x64xf32>
    tpu.vector_store %arg8[%swap3A_52, %swap3A_53, %swap3A_54], %swap3A_57 {strides = array<i32>} : memref<1x8x64xf32, #tpu.memory_space<vmem>>, vector<1x1x64xf32>,
    return
  }
  func.func @transform_0(%arg0: i32, %arg1: i32) -> (i32, i32, i32, i32) {
    %c0_i32 = arith.constant 0 : i32
    %c0_i32_0 = arith.constant 0 : i32
    %c0_i32_1 = arith.constant 0 : i32
    return %arg0, %arg1, %c0_i32, %c0_i32_0 : i32, i32, i32, i32
  }
  func.func @transform_1(%arg0: i32, %arg1: i32) -> (i32, i32, i32) {
    %c0_i32 = arith.constant 0 : i32
    %c0_i32_0 = arith.constant 0 : i32
    return %arg0, %arg1, %c0_i32 : i32, i32, i32
  }
  func.func @transform_2(%arg0: i32, %arg1: i32) -> (i32, i32) {
    %c0_i32 = arith.constant 0 : i32
    %c0_i32_0 = arith.constant 0 : i32
    %c0_i32_1 = arith.constant 0 : i32
    return %c0_i32, %c0_i32_0 : i32, i32
  }
  func.func @transform_3(%arg0: i32, %arg1: i32) -> i32 {
    %c0_i32 = arith.constant 0 : i32
    %c0_i32_0 = arith.constant 0 : i32
    return %c0_i32 : i32
  }
  func.func @transform_4(%arg0: i32, %arg1: i32) -> (i32, i32, i32) {
    %c0_i32 = arith.constant 0 : i32
    %c0_i32_0 = arith.constant 0 : i32
    return %arg0, %arg1, %c0_i32 : i32, i32, i32
  }
  func.func @transform_5(%arg0: i32, %arg1: i32) -> (i32, i32, i32) {
    %c0_i32 = arith.constant 0 : i32
    %c0_i32_0 = arith.constant 0 : i32
    %c0_i32_1 = arith.constant 0 : i32
    return %arg0, %c0_i32, %c0_i32_0 : i32, i32, i32
  }
  func.func @transform_6(%arg0: i32, %arg1: i32) -> (i32, i32, i32) {
    %c0_i32 = arith.constant 0 : i32
    %c0_i32_0 = arith.constant 0 : i32
    %c0_i32_1 = arith.constant 0 : i32
    return %arg0, %c0_i32, %c0_i32_0 : i32, i32, i32
  }
}

module attributes {stable_mosaic.version = 14 : i64} {
  func.func @_edge_kernel(%arg0: i32, %arg1: i32, %arg2: memref<1x128x20x128xf32, #tpu.memory_space<vmem>>, %arg3: memref<1x128x64xf32, #tpu.memory_space<vmem>>, %arg4: memref<128x128xf32, #tpu.memory_space<vmem>>, %arg5: memref<128xf32, #tpu.memory_space<vmem>>, %arg6: memref<1x128x128xf32, #tpu.memory_space<vmem>>, %arg7: memref<1x8x128xf32, #tpu.memory_space<vmem>>, %arg8: memref<1x8x128xf32, #tpu.memory_space<vmem>>) attributes {dimension_semantics = [#tpu.dimension_semantics<parallel>, #tpu.dimension_semantics<arbitrary>], iteration_bounds = array<i64: 8, 8>, scalar_prefetch = 0 : i64, scratch_operands = 0 : i64, tpu.core_type = #tpu.core_type<tc>, window_params = [{transform_indices = @transform_0, window_bounds = array<i64: 1, 128, 20, 128>}, {transform_indices = @transform_1, window_bounds = array<i64: 1, 128, 64>}, {pipeline_mode = #tpu.pipeline_mode<synchronous>, transform_indices = @transform_2, window_bounds = array<i64: 128, 128>}, {pipeline_mode = #tpu.pipeline_mode<synchronous>, transform_indices = @transform_3, window_bounds = array<i64: 128>}, {transform_indices = @transform_4, window_bounds = array<i64: 1, 128, 128>}, {transform_indices = @transform_5, window_bounds = array<i64: 1, 8, 128>}, {transform_indices = @transform_6, window_bounds = array<i64: 1, 8, 128>}]} {
    %get3A = arith.constant 0 : index
    %get3A_0 = arith.constant 0 : index
    %get3A_1 = arith.constant 0 : index
    %get3A_2 = arith.constant 0 : index
    %get3A_3 = vector.load %arg2[%get3A, %get3A_0, %get3A_1, %get3A_2] : memref<1x128x20x128xf32, #tpu.memory_space<vmem>>, vector<1x128x20x128xf32>
    %get3A_4 = vector.shape_cast %get3A_3 : vector<1x128x20x128xf32> to vector<128x20x128xf32>
    %slice3A = vector.extract_strided_slice %get3A_4 {offsets = [0, 0, 0], sizes = [128, 20, 64], strides = [1, 1, 1]} : vector<128x20x128xf32> to vector<128x20x64xf32>
    %get3A_5 = arith.constant 0 : index
    %get3A_6 = arith.constant 0 : index
    %get3A_7 = arith.constant 0 : index
    %get3A_8 = vector.load %arg3[%get3A_5, %get3A_6, %get3A_7] : memref<1x128x64xf32, #tpu.memory_space<vmem>>, vector<1x128x64xf32>
    %get3A_9 = vector.shape_cast %get3A_8 : vector<1x128x64xf32> to vector<128x64xf32>
    %broadcast_in_dim3A = vector.shape_cast %get3A_9 : vector<128x64xf32> to vector<128x1x64xf32>
    %sub3A = vector.broadcast %broadcast_in_dim3A : vector<128x1x64xf32> to vector<128x20x64xf32>
    %sub3A_10 = arith.subf %slice3A, %sub3A : vector<128x20x64xf32>
    %broadcast_in_dim3A_11 = vector.shape_cast %get3A_9 : vector<128x64xf32> to vector<128x1x64xf32>
    %broadcast_in_dim3A_12 = vector.shape_cast %broadcast_in_dim3A_11 : vector<128x1x64xf32> to vector<128x1x64xf32>
    %broadcast_in_dim3A_13 = vector.broadcast %broadcast_in_dim3A_12 : vector<128x1x64xf32> to vector<128x20x64xf32>
    %concatenate3A = tpu.concatenate %sub3A_10, %broadcast_in_dim3A_13 in 2 : vector<128x20x64xf32>, vector<128x20x64xf32> -> vector<128x20x128xf32>
    %reshape3A = vector.shape_cast %concatenate3A : vector<128x20x128xf32> to vector<2560x128xf32>
    %get3A_14 = arith.constant 0 : index
    %get3A_15 = arith.constant 0 : index
    %get3A_16 = vector.load %arg4[%get3A_14, %get3A_15] : memref<128x128xf32, #tpu.memory_space<vmem>>, vector<128x128xf32>
    %dot_general3A = arith.constant dense<0.000000e+00> : vector<2560x128xf32>
    %dot_general3A_17 = tpu.matmul %reshape3A, %get3A_16, %dot_general3A {dimension_numbers = #tpu.dot_dimension_numbers<[1], [1], [0], [0], [0, 0, 1, 0], [], []>, transpose_lhs_hint = false} : vector<2560x128xf32>, vector<128x128xf32>, vector<2560x128xf32> -> vector<2560x128xf32>
    %get3A_18 = arith.constant 0 : index
    %get3A_19 = vector.load %arg5[%get3A_18] : memref<128xf32, #tpu.memory_space<vmem>>, vector<128xf32>
    %broadcast_in_dim3A_20 = vector.shape_cast %get3A_19 : vector<128xf32> to vector<1x128xf32>
    %add3A = vector.broadcast %broadcast_in_dim3A_20 : vector<1x128xf32> to vector<2560x128xf32>
    %add3A_21 = arith.addf %dot_general3A_17, %add3A : vector<2560x128xf32>
    %reshape3A_22 = vector.shape_cast %add3A_21 : vector<2560x128xf32> to vector<128x20x128xf32>
    %reduce_max3A = arith.constant dense<0xFF800000> : vector<128x128xf32>
    %reduce_max3A_23 = vector.multi_reduction <maximumf>, %reshape3A_22, %reduce_max3A [1] : vector<128x20x128xf32> to vector<128x128xf32>
    %swap3A = arith.constant 0 : index
    %swap3A_24 = arith.constant 0 : index
    %swap3A_25 = arith.constant 0 : index
    %swap3A_26 = vector.load %arg6[%swap3A, %swap3A_24, %swap3A_25] : memref<1x128x128xf32, #tpu.memory_space<vmem>>, vector<1x128x128xf32>
    %swap3A_27 = vector.shape_cast %swap3A_26 : vector<1x128x128xf32> to vector<128x128xf32>
    %swap3A_28 = vector.shape_cast %reduce_max3A_23 : vector<128x128xf32> to vector<1x128x128xf32>
    tpu.vector_store %arg6[%swap3A, %swap3A_24, %swap3A_25], %swap3A_28 {strides = array<i32>} : memref<1x128x128xf32, #tpu.memory_space<vmem>>, vector<1x128x128xf32>,
    %reduce_sum3A = arith.constant dense<0.000000e+00> : vector<128xf32>
    %reduce_sum3A_29 = vector.multi_reduction <add>, %add3A_21, %reduce_sum3A [0] : vector<2560x128xf32> to vector<128xf32>
    %mul3A = arith.mulf %add3A_21, %add3A_21 : vector<2560x128xf32>
    %reduce_sum3A_30 = arith.constant dense<0.000000e+00> : vector<128xf32>
    %reduce_sum3A_31 = vector.multi_reduction <add>, %mul3A, %reduce_sum3A_30 [0] : vector<2560x128xf32> to vector<128xf32>
    %eq3A = arith.constant 0 : i32
    %eq3A_32 = arith.cmpi eq, %arg1, %eq3A : i32
    %convert_element_type3A = arith.extui %eq3A_32 : i1 to i32
    %cond3A = arith.constant 0 : i32
    %cond3A_33 = arith.cmpi ne, %convert_element_type3A, %cond3A : i32
    scf.if %cond3A_33 {
      %broadcast_in_dim3A_58 = arith.constant 0.000000e+00 : f32
      %broadcast_in_dim3A_59 = vector.broadcast %broadcast_in_dim3A_58 : f32 to vector<1x8x128xf32>
      %swap3A_60 = arith.constant 0 : index
      %swap3A_61 = arith.constant 0 : index
      %swap3A_62 = arith.constant 0 : index
      %swap3A_63 = vector.load %arg7[%swap3A_60, %swap3A_61, %swap3A_62] : memref<1x8x128xf32, #tpu.memory_space<vmem>>, vector<1x8x128xf32>
      tpu.vector_store %arg7[%swap3A_60, %swap3A_61, %swap3A_62], %broadcast_in_dim3A_59 {strides = array<i32>} : memref<1x8x128xf32, #tpu.memory_space<vmem>>, vector<1x8x128xf32>,
      %broadcast_in_dim3A_64 = arith.constant 0.000000e+00 : f32
      %broadcast_in_dim3A_65 = vector.broadcast %broadcast_in_dim3A_64 : f32 to vector<1x8x128xf32>
      %swap3A_66 = arith.constant 0 : index
      %swap3A_67 = arith.constant 0 : index
      %swap3A_68 = arith.constant 0 : index
      %swap3A_69 = vector.load %arg8[%swap3A_66, %swap3A_67, %swap3A_68] : memref<1x8x128xf32, #tpu.memory_space<vmem>>, vector<1x8x128xf32>
      tpu.vector_store %arg8[%swap3A_66, %swap3A_67, %swap3A_68], %broadcast_in_dim3A_65 {strides = array<i32>} : memref<1x8x128xf32, #tpu.memory_space<vmem>>, vector<1x8x128xf32>,
    } else {
    }
    %get3A_34 = arith.constant 0 : index
    %get3A_35 = arith.constant 0 : index
    %get3A_36 = arith.constant 0 : index
    %get3A_37 = vector.load %arg7[%get3A_34, %get3A_35, %get3A_36] : memref<1x8x128xf32, #tpu.memory_space<vmem>>, vector<1x1x128xf32>
    %get3A_38 = vector.shape_cast %get3A_37 : vector<1x1x128xf32> to vector<128xf32>
    %add3A_39 = arith.addf %get3A_38, %reduce_sum3A_29 : vector<128xf32>
    %swap3A_40 = arith.constant 0 : index
    %swap3A_41 = arith.constant 0 : index
    %swap3A_42 = arith.constant 0 : index
    %swap3A_43 = vector.load %arg7[%swap3A_40, %swap3A_41, %swap3A_42] : memref<1x8x128xf32, #tpu.memory_space<vmem>>, vector<1x1x128xf32>
    %swap3A_44 = vector.shape_cast %swap3A_43 : vector<1x1x128xf32> to vector<128xf32>
    %swap3A_45 = vector.shape_cast %add3A_39 : vector<128xf32> to vector<1x1x128xf32>
    tpu.vector_store %arg7[%swap3A_40, %swap3A_41, %swap3A_42], %swap3A_45 {strides = array<i32>} : memref<1x8x128xf32, #tpu.memory_space<vmem>>, vector<1x1x128xf32>,
    %get3A_46 = arith.constant 0 : index
    %get3A_47 = arith.constant 0 : index
    %get3A_48 = arith.constant 0 : index
    %get3A_49 = vector.load %arg8[%get3A_46, %get3A_47, %get3A_48] : memref<1x8x128xf32, #tpu.memory_space<vmem>>, vector<1x1x128xf32>
    %get3A_50 = vector.shape_cast %get3A_49 : vector<1x1x128xf32> to vector<128xf32>
    %add3A_51 = arith.addf %get3A_50, %reduce_sum3A_31 : vector<128xf32>
    %swap3A_52 = arith.constant 0 : index
    %swap3A_53 = arith.constant 0 : index
    %swap3A_54 = arith.constant 0 : index
    %swap3A_55 = vector.load %arg8[%swap3A_52, %swap3A_53, %swap3A_54] : memref<1x8x128xf32, #tpu.memory_space<vmem>>, vector<1x1x128xf32>
    %swap3A_56 = vector.shape_cast %swap3A_55 : vector<1x1x128xf32> to vector<128xf32>
    %swap3A_57 = vector.shape_cast %add3A_51 : vector<128xf32> to vector<1x1x128xf32>
    tpu.vector_store %arg8[%swap3A_52, %swap3A_53, %swap3A_54], %swap3A_57 {strides = array<i32>} : memref<1x8x128xf32, #tpu.memory_space<vmem>>, vector<1x1x128xf32>,
    return
  }
  func.func @transform_0(%arg0: i32, %arg1: i32) -> (i32, i32, i32, i32) {
    %c0_i32 = arith.constant 0 : i32
    %c0_i32_0 = arith.constant 0 : i32
    %c0_i32_1 = arith.constant 0 : i32
    return %arg0, %arg1, %c0_i32, %c0_i32_0 : i32, i32, i32, i32
  }
  func.func @transform_1(%arg0: i32, %arg1: i32) -> (i32, i32, i32) {
    %c0_i32 = arith.constant 0 : i32
    %c0_i32_0 = arith.constant 0 : i32
    return %arg0, %arg1, %c0_i32 : i32, i32, i32
  }
  func.func @transform_2(%arg0: i32, %arg1: i32) -> (i32, i32) {
    %c0_i32 = arith.constant 0 : i32
    %c0_i32_0 = arith.constant 0 : i32
    %c0_i32_1 = arith.constant 0 : i32
    return %c0_i32, %c0_i32_0 : i32, i32
  }
  func.func @transform_3(%arg0: i32, %arg1: i32) -> i32 {
    %c0_i32 = arith.constant 0 : i32
    %c0_i32_0 = arith.constant 0 : i32
    return %c0_i32 : i32
  }
  func.func @transform_4(%arg0: i32, %arg1: i32) -> (i32, i32, i32) {
    %c0_i32 = arith.constant 0 : i32
    %c0_i32_0 = arith.constant 0 : i32
    return %arg0, %arg1, %c0_i32 : i32, i32, i32
  }
  func.func @transform_5(%arg0: i32, %arg1: i32) -> (i32, i32, i32) {
    %c0_i32 = arith.constant 0 : i32
    %c0_i32_0 = arith.constant 0 : i32
    %c0_i32_1 = arith.constant 0 : i32
    return %arg0, %c0_i32, %c0_i32_0 : i32, i32, i32
  }
  func.func @transform_6(%arg0: i32, %arg1: i32) -> (i32, i32, i32) {
    %c0_i32 = arith.constant 0 : i32
    %c0_i32_0 = arith.constant 0 : i32
    %c0_i32_1 = arith.constant 0 : i32
    return %arg0, %c0_i32, %c0_i32_0 : i32, i32, i32
  }
}

module attributes {stable_mosaic.version = 14 : i64} {
  func.func @_pd_topk_kernel(%arg0: i32, %arg1: i32, %arg2: memref<1x128x1024xf32, #tpu.memory_space<vmem>>, %arg3: memref<1x128x256xf32, #tpu.memory_space<vmem>>, %arg4: memref<1x20x256xi32, #tpu.memory_space<vmem>>) attributes {dimension_semantics = [#tpu.dimension_semantics<parallel>, #tpu.dimension_semantics<parallel>], iteration_bounds = array<i64: 8, 4>, scalar_prefetch = 0 : i64, scratch_operands = 0 : i64, tpu.core_type = #tpu.core_type<tc>, window_params = [{transform_indices = @transform_0, window_bounds = array<i64: 1, 128, 1024>}, {transform_indices = @transform_1, window_bounds = array<i64: 1, 128, 256>}, {transform_indices = @transform_2, window_bounds = array<i64: 1, 20, 256>}]} {
    %get3A = arith.constant 0 : index
    %get3A_0 = arith.constant 0 : index
    %get3A_1 = arith.constant 0 : index
    %get3A_2 = vector.load %arg2[%get3A, %get3A_0, %get3A_1] : memref<1x128x1024xf32, #tpu.memory_space<vmem>>, vector<1x128x1024xf32>
    %get3A_3 = vector.shape_cast %get3A_2 : vector<1x128x1024xf32> to vector<128x1024xf32>
    %get3A_4 = arith.constant 0 : index
    %get3A_5 = arith.constant 0 : index
    %get3A_6 = arith.constant 0 : index
    %get3A_7 = vector.load %arg3[%get3A_4, %get3A_5, %get3A_6] : memref<1x128x256xf32, #tpu.memory_space<vmem>>, vector<1x128x256xf32>
    %get3A_8 = vector.shape_cast %get3A_7 : vector<1x128x256xf32> to vector<128x256xf32>
    %dot_general3A = arith.constant dense<0.000000e+00> : vector<256x1024xf32>
    %dot_general3A_9 = tpu.matmul %get3A_8, %get3A_3, %dot_general3A {dimension_numbers = #tpu.dot_dimension_numbers<[0], [0], [1], [1], [0, 1, 1, 1], [], []>, transpose_lhs_hint = false} : vector<128x256xf32>, vector<128x1024xf32>, vector<256x1024xf32> -> vector<256x1024xf32>
    %mul3A = arith.constant -2.000000e+00 : f32
    %mul3A_10 = vector.broadcast %mul3A : f32 to vector<256x1024xf32>
    %mul3A_11 = arith.mulf %mul3A_10, %dot_general3A_9 : vector<256x1024xf32>
    %mul3A_12 = arith.mulf %get3A_3, %get3A_3 : vector<128x1024xf32>
    %reduce_sum3A = arith.constant dense<0.000000e+00> : vector<1024xf32>
    %reduce_sum3A_13 = vector.multi_reduction <add>, %mul3A_12, %reduce_sum3A [0] : vector<128x1024xf32> to vector<1024xf32>
    %mul3A_14 = arith.mulf %get3A_8, %get3A_8 : vector<128x256xf32>
    %reduce_sum3A_15 = arith.constant dense<0.000000e+00> : vector<256xf32>
    %reduce_sum3A_16 = vector.multi_reduction <add>, %mul3A_14, %reduce_sum3A_15 [0] : vector<128x256xf32> to vector<256xf32>
    %broadcast_in_dim3A = vector.shape_cast %reduce_sum3A_16 : vector<256xf32> to vector<256x1xf32>
    %neg3A = arith.constant 0.000000e+00 : f32
    %neg3A_17 = vector.broadcast %neg3A : f32 to vector<256x1xf32>
    %neg3A_18 = arith.subf %neg3A_17, %broadcast_in_dim3A : vector<256x1xf32>
    %sub3A = vector.broadcast %neg3A_18 : vector<256x1xf32> to vector<256x1024xf32>
    %sub3A_19 = arith.subf %sub3A, %mul3A_11 : vector<256x1024xf32>
    %broadcast_in_dim3A_20 = vector.shape_cast %reduce_sum3A_13 : vector<1024xf32> to vector<1x1024xf32>
    %sub3A_21 = vector.broadcast %broadcast_in_dim3A_20 : vector<1x1024xf32> to vector<256x1024xf32>
    %sub3A_22 = arith.subf %sub3A_19, %sub3A_21 : vector<256x1024xf32>
    %iota3A = tpu.iota {dimensions = array<i32: 1>} : vector<256x1024xi32>
    %reduce_max3A = arith.constant dense<0xFF800000> : vector<256xf32>
    %reduce_max3A_23 = vector.multi_reduction <maximumf>, %sub3A_22, %reduce_max3A [1] : vector<256x1024xf32> to vector<256xf32>
    %broadcast_in_dim3A_24 = vector.shape_cast %reduce_max3A_23 : vector<256xf32> to vector<256x1xf32>
    %eq3A = vector.broadcast %broadcast_in_dim3A_24 : vector<256x1xf32> to vector<256x1024xf32>
    %eq3A_25 = arith.cmpf oeq, %sub3A_22, %eq3A : vector<256x1024xf32>
    %jit3A = arith.constant 1024 : i32
    %broadcast_in_dim3A_26 = vector.broadcast %jit3A : i32 to vector<256x1024xi32>
    %select_n3A = arith.select %eq3A_25, %iota3A, %broadcast_in_dim3A_26 : vector<256x1024xi1>, vector<256x1024xi32>
    %reduce_min3A = arith.constant dense<2147483647> : vector<256xi32>
    %reduce_min3A_27 = vector.multi_reduction <minsi>, %select_n3A, %reduce_min3A [1] : vector<256x1024xi32> to vector<256xi32>
    %mul3A_28 = arith.constant 1024 : i32
    %mul3A_29 = arith.muli %arg0, %mul3A_28 : i32
    %add3A = vector.broadcast %mul3A_29 : i32 to vector<256xi32>
    %add3A_30 = arith.addi %reduce_min3A_27, %add3A : vector<256xi32>
    %swap3A = arith.constant 0 : index
    %swap3A_31 = arith.constant 0 : index
    %swap3A_32 = arith.constant 0 : index
    %swap3A_33 = vector.load %arg4[%swap3A, %swap3A_31, %swap3A_32] : memref<1x20x256xi32, #tpu.memory_space<vmem>>, vector<1x1x256xi32>
    %swap3A_34 = vector.shape_cast %swap3A_33 : vector<1x1x256xi32> to vector<256xi32>
    %swap3A_35 = vector.shape_cast %add3A_30 : vector<256xi32> to vector<1x1x256xi32>
    tpu.vector_store %arg4[%swap3A, %swap3A_31, %swap3A_32], %swap3A_35 {strides = array<i32>} : memref<1x20x256xi32, #tpu.memory_space<vmem>>, vector<1x1x256xi32>,
    %broadcast_in_dim3A_36 = vector.shape_cast %reduce_min3A_27 : vector<256xi32> to vector<256x1xi32>
    %eq3A_37 = vector.broadcast %broadcast_in_dim3A_36 : vector<256x1xi32> to vector<256x1024xi32>
    %eq3A_38 = arith.cmpi eq, %iota3A, %eq3A_37 : vector<256x1024xi32>
    %jit3A_39 = arith.constant 0xFF800000 : f32
    %broadcast_in_dim3A_40 = vector.broadcast %jit3A_39 : f32 to vector<256x1024xf32>
    %select_n3A_41 = arith.select %eq3A_38, %broadcast_in_dim3A_40, %sub3A_22 : vector<256x1024xi1>, vector<256x1024xf32>
    %reduce_max3A_42 = arith.constant dense<0xFF800000> : vector<256xf32>
    %reduce_max3A_43 = vector.multi_reduction <maximumf>, %select_n3A_41, %reduce_max3A_42 [1] : vector<256x1024xf32> to vector<256xf32>
    %broadcast_in_dim3A_44 = vector.shape_cast %reduce_max3A_43 : vector<256xf32> to vector<256x1xf32>
    %eq3A_45 = vector.broadcast %broadcast_in_dim3A_44 : vector<256x1xf32> to vector<256x1024xf32>
    %eq3A_46 = arith.cmpf oeq, %select_n3A_41, %eq3A_45 : vector<256x1024xf32>
    %jit3A_47 = arith.constant 1024 : i32
    %broadcast_in_dim3A_48 = vector.broadcast %jit3A_47 : i32 to vector<256x1024xi32>
    %select_n3A_49 = arith.select %eq3A_46, %iota3A, %broadcast_in_dim3A_48 : vector<256x1024xi1>, vector<256x1024xi32>
    %reduce_min3A_50 = arith.constant dense<2147483647> : vector<256xi32>
    %reduce_min3A_51 = vector.multi_reduction <minsi>, %select_n3A_49, %reduce_min3A_50 [1] : vector<256x1024xi32> to vector<256xi32>
    %mul3A_52 = arith.constant 1024 : i32
    %mul3A_53 = arith.muli %arg0, %mul3A_52 : i32
    %add3A_54 = vector.broadcast %mul3A_53 : i32 to vector<256xi32>
    %add3A_55 = arith.addi %reduce_min3A_51, %add3A_54 : vector<256xi32>
    %swap3A_56 = arith.constant 0 : index
    %swap3A_57 = arith.constant 1 : index
    %swap3A_58 = arith.constant 0 : index
    %swap3A_59 = vector.load %arg4[%swap3A_56, %swap3A_57, %swap3A_58] : memref<1x20x256xi32, #tpu.memory_space<vmem>>, vector<1x1x256xi32>
    %swap3A_60 = vector.shape_cast %swap3A_59 : vector<1x1x256xi32> to vector<256xi32>
    %swap3A_61 = vector.shape_cast %add3A_55 : vector<256xi32> to vector<1x1x256xi32>
    tpu.vector_store %arg4[%swap3A_56, %swap3A_57, %swap3A_58], %swap3A_61 {strides = array<i32>} : memref<1x20x256xi32, #tpu.memory_space<vmem>>, vector<1x1x256xi32>,
    %broadcast_in_dim3A_62 = vector.shape_cast %reduce_min3A_51 : vector<256xi32> to vector<256x1xi32>
    %eq3A_63 = vector.broadcast %broadcast_in_dim3A_62 : vector<256x1xi32> to vector<256x1024xi32>
    %eq3A_64 = arith.cmpi eq, %iota3A, %eq3A_63 : vector<256x1024xi32>
    %jit3A_65 = arith.constant 0xFF800000 : f32
    %broadcast_in_dim3A_66 = vector.broadcast %jit3A_65 : f32 to vector<256x1024xf32>
    %select_n3A_67 = arith.select %eq3A_64, %broadcast_in_dim3A_66, %select_n3A_41 : vector<256x1024xi1>, vector<256x1024xf32>
    %reduce_max3A_68 = arith.constant dense<0xFF800000> : vector<256xf32>
    %reduce_max3A_69 = vector.multi_reduction <maximumf>, %select_n3A_67, %reduce_max3A_68 [1] : vector<256x1024xf32> to vector<256xf32>
    %broadcast_in_dim3A_70 = vector.shape_cast %reduce_max3A_69 : vector<256xf32> to vector<256x1xf32>
    %eq3A_71 = vector.broadcast %broadcast_in_dim3A_70 : vector<256x1xf32> to vector<256x1024xf32>
    %eq3A_72 = arith.cmpf oeq, %select_n3A_67, %eq3A_71 : vector<256x1024xf32>
    %jit3A_73 = arith.constant 1024 : i32
    %broadcast_in_dim3A_74 = vector.broadcast %jit3A_73 : i32 to vector<256x1024xi32>
    %select_n3A_75 = arith.select %eq3A_72, %iota3A, %broadcast_in_dim3A_74 : vector<256x1024xi1>, vector<256x1024xi32>
    %reduce_min3A_76 = arith.constant dense<2147483647> : vector<256xi32>
    %reduce_min3A_77 = vector.multi_reduction <minsi>, %select_n3A_75, %reduce_min3A_76 [1] : vector<256x1024xi32> to vector<256xi32>
    %mul3A_78 = arith.constant 1024 : i32
    %mul3A_79 = arith.muli %arg0, %mul3A_78 : i32
    %add3A_80 = vector.broadcast %mul3A_79 : i32 to vector<256xi32>
    %add3A_81 = arith.addi %reduce_min3A_77, %add3A_80 : vector<256xi32>
    %swap3A_82 = arith.constant 0 : index
    %swap3A_83 = arith.constant 2 : index
    %swap3A_84 = arith.constant 0 : index
    %swap3A_85 = vector.load %arg4[%swap3A_82, %swap3A_83, %swap3A_84] : memref<1x20x256xi32, #tpu.memory_space<vmem>>, vector<1x1x256xi32>
    %swap3A_86 = vector.shape_cast %swap3A_85 : vector<1x1x256xi32> to vector<256xi32>
    %swap3A_87 = vector.shape_cast %add3A_81 : vector<256xi32> to vector<1x1x256xi32>
    tpu.vector_store %arg4[%swap3A_82, %swap3A_83, %swap3A_84], %swap3A_87 {strides = array<i32>} : memref<1x20x256xi32, #tpu.memory_space<vmem>>, vector<1x1x256xi32>,
    %broadcast_in_dim3A_88 = vector.shape_cast %reduce_min3A_77 : vector<256xi32> to vector<256x1xi32>
    %eq3A_89 = vector.broadcast %broadcast_in_dim3A_88 : vector<256x1xi32> to vector<256x1024xi32>
    %eq3A_90 = arith.cmpi eq, %iota3A, %eq3A_89 : vector<256x1024xi32>
    %jit3A_91 = arith.constant 0xFF800000 : f32
    %broadcast_in_dim3A_92 = vector.broadcast %jit3A_91 : f32 to vector<256x1024xf32>
    %select_n3A_93 = arith.select %eq3A_90, %broadcast_in_dim3A_92, %select_n3A_67 : vector<256x1024xi1>, vector<256x1024xf32>
    %reduce_max3A_94 = arith.constant dense<0xFF800000> : vector<256xf32>
    %reduce_max3A_95 = vector.multi_reduction <maximumf>, %select_n3A_93, %reduce_max3A_94 [1] : vector<256x1024xf32> to vector<256xf32>
    %broadcast_in_dim3A_96 = vector.shape_cast %reduce_max3A_95 : vector<256xf32> to vector<256x1xf32>
    %eq3A_97 = vector.broadcast %broadcast_in_dim3A_96 : vector<256x1xf32> to vector<256x1024xf32>
    %eq3A_98 = arith.cmpf oeq, %select_n3A_93, %eq3A_97 : vector<256x1024xf32>
    %jit3A_99 = arith.constant 1024 : i32
    %broadcast_in_dim3A_100 = vector.broadcast %jit3A_99 : i32 to vector<256x1024xi32>
    %select_n3A_101 = arith.select %eq3A_98, %iota3A, %broadcast_in_dim3A_100 : vector<256x1024xi1>, vector<256x1024xi32>
    %reduce_min3A_102 = arith.constant dense<2147483647> : vector<256xi32>
    %reduce_min3A_103 = vector.multi_reduction <minsi>, %select_n3A_101, %reduce_min3A_102 [1] : vector<256x1024xi32> to vector<256xi32>
    %mul3A_104 = arith.constant 1024 : i32
    %mul3A_105 = arith.muli %arg0, %mul3A_104 : i32
    %add3A_106 = vector.broadcast %mul3A_105 : i32 to vector<256xi32>
    %add3A_107 = arith.addi %reduce_min3A_103, %add3A_106 : vector<256xi32>
    %swap3A_108 = arith.constant 0 : index
    %swap3A_109 = arith.constant 3 : index
    %swap3A_110 = arith.constant 0 : index
    %swap3A_111 = vector.load %arg4[%swap3A_108, %swap3A_109, %swap3A_110] : memref<1x20x256xi32, #tpu.memory_space<vmem>>, vector<1x1x256xi32>
    %swap3A_112 = vector.shape_cast %swap3A_111 : vector<1x1x256xi32> to vector<256xi32>
    %swap3A_113 = vector.shape_cast %add3A_107 : vector<256xi32> to vector<1x1x256xi32>
    tpu.vector_store %arg4[%swap3A_108, %swap3A_109, %swap3A_110], %swap3A_113 {strides = array<i32>} : memref<1x20x256xi32, #tpu.memory_space<vmem>>, vector<1x1x256xi32>,
    %broadcast_in_dim3A_114 = vector.shape_cast %reduce_min3A_103 : vector<256xi32> to vector<256x1xi32>
    %eq3A_115 = vector.broadcast %broadcast_in_dim3A_114 : vector<256x1xi32> to vector<256x1024xi32>
    %eq3A_116 = arith.cmpi eq, %iota3A, %eq3A_115 : vector<256x1024xi32>
    %jit3A_117 = arith.constant 0xFF800000 : f32
    %broadcast_in_dim3A_118 = vector.broadcast %jit3A_117 : f32 to vector<256x1024xf32>
    %select_n3A_119 = arith.select %eq3A_116, %broadcast_in_dim3A_118, %select_n3A_93 : vector<256x1024xi1>, vector<256x1024xf32>
    %reduce_max3A_120 = arith.constant dense<0xFF800000> : vector<256xf32>
    %reduce_max3A_121 = vector.multi_reduction <maximumf>, %select_n3A_119, %reduce_max3A_120 [1] : vector<256x1024xf32> to vector<256xf32>
    %broadcast_in_dim3A_122 = vector.shape_cast %reduce_max3A_121 : vector<256xf32> to vector<256x1xf32>
    %eq3A_123 = vector.broadcast %broadcast_in_dim3A_122 : vector<256x1xf32> to vector<256x1024xf32>
    %eq3A_124 = arith.cmpf oeq, %select_n3A_119, %eq3A_123 : vector<256x1024xf32>
    %jit3A_125 = arith.constant 1024 : i32
    %broadcast_in_dim3A_126 = vector.broadcast %jit3A_125 : i32 to vector<256x1024xi32>
    %select_n3A_127 = arith.select %eq3A_124, %iota3A, %broadcast_in_dim3A_126 : vector<256x1024xi1>, vector<256x1024xi32>
    %reduce_min3A_128 = arith.constant dense<2147483647> : vector<256xi32>
    %reduce_min3A_129 = vector.multi_reduction <minsi>, %select_n3A_127, %reduce_min3A_128 [1] : vector<256x1024xi32> to vector<256xi32>
    %mul3A_130 = arith.constant 1024 : i32
    %mul3A_131 = arith.muli %arg0, %mul3A_130 : i32
    %add3A_132 = vector.broadcast %mul3A_131 : i32 to vector<256xi32>
    %add3A_133 = arith.addi %reduce_min3A_129, %add3A_132 : vector<256xi32>
    %swap3A_134 = arith.constant 0 : index
    %swap3A_135 = arith.constant 4 : index
    %swap3A_136 = arith.constant 0 : index
    %swap3A_137 = vector.load %arg4[%swap3A_134, %swap3A_135, %swap3A_136] : memref<1x20x256xi32, #tpu.memory_space<vmem>>, vector<1x1x256xi32>
    %swap3A_138 = vector.shape_cast %swap3A_137 : vector<1x1x256xi32> to vector<256xi32>
    %swap3A_139 = vector.shape_cast %add3A_133 : vector<256xi32> to vector<1x1x256xi32>
    tpu.vector_store %arg4[%swap3A_134, %swap3A_135, %swap3A_136], %swap3A_139 {strides = array<i32>} : memref<1x20x256xi32, #tpu.memory_space<vmem>>, vector<1x1x256xi32>,
    %broadcast_in_dim3A_140 = vector.shape_cast %reduce_min3A_129 : vector<256xi32> to vector<256x1xi32>
    %eq3A_141 = vector.broadcast %broadcast_in_dim3A_140 : vector<256x1xi32> to vector<256x1024xi32>
    %eq3A_142 = arith.cmpi eq, %iota3A, %eq3A_141 : vector<256x1024xi32>
    %jit3A_143 = arith.constant 0xFF800000 : f32
    %broadcast_in_dim3A_144 = vector.broadcast %jit3A_143 : f32 to vector<256x1024xf32>
    %select_n3A_145 = arith.select %eq3A_142, %broadcast_in_dim3A_144, %select_n3A_119 : vector<256x1024xi1>, vector<256x1024xf32>
    %reduce_max3A_146 = arith.constant dense<0xFF800000> : vector<256xf32>
    %reduce_max3A_147 = vector.multi_reduction <maximumf>, %select_n3A_145, %reduce_max3A_146 [1] : vector<256x1024xf32> to vector<256xf32>
    %broadcast_in_dim3A_148 = vector.shape_cast %reduce_max3A_147 : vector<256xf32> to vector<256x1xf32>
    %eq3A_149 = vector.broadcast %broadcast_in_dim3A_148 : vector<256x1xf32> to vector<256x1024xf32>
    %eq3A_150 = arith.cmpf oeq, %select_n3A_145, %eq3A_149 : vector<256x1024xf32>
    %jit3A_151 = arith.constant 1024 : i32
    %broadcast_in_dim3A_152 = vector.broadcast %jit3A_151 : i32 to vector<256x1024xi32>
    %select_n3A_153 = arith.select %eq3A_150, %iota3A, %broadcast_in_dim3A_152 : vector<256x1024xi1>, vector<256x1024xi32>
    %reduce_min3A_154 = arith.constant dense<2147483647> : vector<256xi32>
    %reduce_min3A_155 = vector.multi_reduction <minsi>, %select_n3A_153, %reduce_min3A_154 [1] : vector<256x1024xi32> to vector<256xi32>
    %mul3A_156 = arith.constant 1024 : i32
    %mul3A_157 = arith.muli %arg0, %mul3A_156 : i32
    %add3A_158 = vector.broadcast %mul3A_157 : i32 to vector<256xi32>
    %add3A_159 = arith.addi %reduce_min3A_155, %add3A_158 : vector<256xi32>
    %swap3A_160 = arith.constant 0 : index
    %swap3A_161 = arith.constant 5 : index
    %swap3A_162 = arith.constant 0 : index
    %swap3A_163 = vector.load %arg4[%swap3A_160, %swap3A_161, %swap3A_162] : memref<1x20x256xi32, #tpu.memory_space<vmem>>, vector<1x1x256xi32>
    %swap3A_164 = vector.shape_cast %swap3A_163 : vector<1x1x256xi32> to vector<256xi32>
    %swap3A_165 = vector.shape_cast %add3A_159 : vector<256xi32> to vector<1x1x256xi32>
    tpu.vector_store %arg4[%swap3A_160, %swap3A_161, %swap3A_162], %swap3A_165 {strides = array<i32>} : memref<1x20x256xi32, #tpu.memory_space<vmem>>, vector<1x1x256xi32>,
    %broadcast_in_dim3A_166 = vector.shape_cast %reduce_min3A_155 : vector<256xi32> to vector<256x1xi32>
    %eq3A_167 = vector.broadcast %broadcast_in_dim3A_166 : vector<256x1xi32> to vector<256x1024xi32>
    %eq3A_168 = arith.cmpi eq, %iota3A, %eq3A_167 : vector<256x1024xi32>
    %jit3A_169 = arith.constant 0xFF800000 : f32
    %broadcast_in_dim3A_170 = vector.broadcast %jit3A_169 : f32 to vector<256x1024xf32>
    %select_n3A_171 = arith.select %eq3A_168, %broadcast_in_dim3A_170, %select_n3A_145 : vector<256x1024xi1>, vector<256x1024xf32>
    %reduce_max3A_172 = arith.constant dense<0xFF800000> : vector<256xf32>
    %reduce_max3A_173 = vector.multi_reduction <maximumf>, %select_n3A_171, %reduce_max3A_172 [1] : vector<256x1024xf32> to vector<256xf32>
    %broadcast_in_dim3A_174 = vector.shape_cast %reduce_max3A_173 : vector<256xf32> to vector<256x1xf32>
    %eq3A_175 = vector.broadcast %broadcast_in_dim3A_174 : vector<256x1xf32> to vector<256x1024xf32>
    %eq3A_176 = arith.cmpf oeq, %select_n3A_171, %eq3A_175 : vector<256x1024xf32>
    %jit3A_177 = arith.constant 1024 : i32
    %broadcast_in_dim3A_178 = vector.broadcast %jit3A_177 : i32 to vector<256x1024xi32>
    %select_n3A_179 = arith.select %eq3A_176, %iota3A, %broadcast_in_dim3A_178 : vector<256x1024xi1>, vector<256x1024xi32>
    %reduce_min3A_180 = arith.constant dense<2147483647> : vector<256xi32>
    %reduce_min3A_181 = vector.multi_reduction <minsi>, %select_n3A_179, %reduce_min3A_180 [1] : vector<256x1024xi32> to vector<256xi32>
    %mul3A_182 = arith.constant 1024 : i32
    %mul3A_183 = arith.muli %arg0, %mul3A_182 : i32
    %add3A_184 = vector.broadcast %mul3A_183 : i32 to vector<256xi32>
    %add3A_185 = arith.addi %reduce_min3A_181, %add3A_184 : vector<256xi32>
    %swap3A_186 = arith.constant 0 : index
    %swap3A_187 = arith.constant 6 : index
    %swap3A_188 = arith.constant 0 : index
    %swap3A_189 = vector.load %arg4[%swap3A_186, %swap3A_187, %swap3A_188] : memref<1x20x256xi32, #tpu.memory_space<vmem>>, vector<1x1x256xi32>
    %swap3A_190 = vector.shape_cast %swap3A_189 : vector<1x1x256xi32> to vector<256xi32>
    %swap3A_191 = vector.shape_cast %add3A_185 : vector<256xi32> to vector<1x1x256xi32>
    tpu.vector_store %arg4[%swap3A_186, %swap3A_187, %swap3A_188], %swap3A_191 {strides = array<i32>} : memref<1x20x256xi32, #tpu.memory_space<vmem>>, vector<1x1x256xi32>,
    %broadcast_in_dim3A_192 = vector.shape_cast %reduce_min3A_181 : vector<256xi32> to vector<256x1xi32>
    %eq3A_193 = vector.broadcast %broadcast_in_dim3A_192 : vector<256x1xi32> to vector<256x1024xi32>
    %eq3A_194 = arith.cmpi eq, %iota3A, %eq3A_193 : vector<256x1024xi32>
    %jit3A_195 = arith.constant 0xFF800000 : f32
    %broadcast_in_dim3A_196 = vector.broadcast %jit3A_195 : f32 to vector<256x1024xf32>
    %select_n3A_197 = arith.select %eq3A_194, %broadcast_in_dim3A_196, %select_n3A_171 : vector<256x1024xi1>, vector<256x1024xf32>
    %reduce_max3A_198 = arith.constant dense<0xFF800000> : vector<256xf32>
    %reduce_max3A_199 = vector.multi_reduction <maximumf>, %select_n3A_197, %reduce_max3A_198 [1] : vector<256x1024xf32> to vector<256xf32>
    %broadcast_in_dim3A_200 = vector.shape_cast %reduce_max3A_199 : vector<256xf32> to vector<256x1xf32>
    %eq3A_201 = vector.broadcast %broadcast_in_dim3A_200 : vector<256x1xf32> to vector<256x1024xf32>
    %eq3A_202 = arith.cmpf oeq, %select_n3A_197, %eq3A_201 : vector<256x1024xf32>
    %jit3A_203 = arith.constant 1024 : i32
    %broadcast_in_dim3A_204 = vector.broadcast %jit3A_203 : i32 to vector<256x1024xi32>
    %select_n3A_205 = arith.select %eq3A_202, %iota3A, %broadcast_in_dim3A_204 : vector<256x1024xi1>, vector<256x1024xi32>
    %reduce_min3A_206 = arith.constant dense<2147483647> : vector<256xi32>
    %reduce_min3A_207 = vector.multi_reduction <minsi>, %select_n3A_205, %reduce_min3A_206 [1] : vector<256x1024xi32> to vector<256xi32>
    %mul3A_208 = arith.constant 1024 : i32
    %mul3A_209 = arith.muli %arg0, %mul3A_208 : i32
    %add3A_210 = vector.broadcast %mul3A_209 : i32 to vector<256xi32>
    %add3A_211 = arith.addi %reduce_min3A_207, %add3A_210 : vector<256xi32>
    %swap3A_212 = arith.constant 0 : index
    %swap3A_213 = arith.constant 7 : index
    %swap3A_214 = arith.constant 0 : index
    %swap3A_215 = vector.load %arg4[%swap3A_212, %swap3A_213, %swap3A_214] : memref<1x20x256xi32, #tpu.memory_space<vmem>>, vector<1x1x256xi32>
    %swap3A_216 = vector.shape_cast %swap3A_215 : vector<1x1x256xi32> to vector<256xi32>
    %swap3A_217 = vector.shape_cast %add3A_211 : vector<256xi32> to vector<1x1x256xi32>
    tpu.vector_store %arg4[%swap3A_212, %swap3A_213, %swap3A_214], %swap3A_217 {strides = array<i32>} : memref<1x20x256xi32, #tpu.memory_space<vmem>>, vector<1x1x256xi32>,
    %broadcast_in_dim3A_218 = vector.shape_cast %reduce_min3A_207 : vector<256xi32> to vector<256x1xi32>
    %eq3A_219 = vector.broadcast %broadcast_in_dim3A_218 : vector<256x1xi32> to vector<256x1024xi32>
    %eq3A_220 = arith.cmpi eq, %iota3A, %eq3A_219 : vector<256x1024xi32>
    %jit3A_221 = arith.constant 0xFF800000 : f32
    %broadcast_in_dim3A_222 = vector.broadcast %jit3A_221 : f32 to vector<256x1024xf32>
    %select_n3A_223 = arith.select %eq3A_220, %broadcast_in_dim3A_222, %select_n3A_197 : vector<256x1024xi1>, vector<256x1024xf32>
    %reduce_max3A_224 = arith.constant dense<0xFF800000> : vector<256xf32>
    %reduce_max3A_225 = vector.multi_reduction <maximumf>, %select_n3A_223, %reduce_max3A_224 [1] : vector<256x1024xf32> to vector<256xf32>
    %broadcast_in_dim3A_226 = vector.shape_cast %reduce_max3A_225 : vector<256xf32> to vector<256x1xf32>
    %eq3A_227 = vector.broadcast %broadcast_in_dim3A_226 : vector<256x1xf32> to vector<256x1024xf32>
    %eq3A_228 = arith.cmpf oeq, %select_n3A_223, %eq3A_227 : vector<256x1024xf32>
    %jit3A_229 = arith.constant 1024 : i32
    %broadcast_in_dim3A_230 = vector.broadcast %jit3A_229 : i32 to vector<256x1024xi32>
    %select_n3A_231 = arith.select %eq3A_228, %iota3A, %broadcast_in_dim3A_230 : vector<256x1024xi1>, vector<256x1024xi32>
    %reduce_min3A_232 = arith.constant dense<2147483647> : vector<256xi32>
    %reduce_min3A_233 = vector.multi_reduction <minsi>, %select_n3A_231, %reduce_min3A_232 [1] : vector<256x1024xi32> to vector<256xi32>
    %mul3A_234 = arith.constant 1024 : i32
    %mul3A_235 = arith.muli %arg0, %mul3A_234 : i32
    %add3A_236 = vector.broadcast %mul3A_235 : i32 to vector<256xi32>
    %add3A_237 = arith.addi %reduce_min3A_233, %add3A_236 : vector<256xi32>
    %swap3A_238 = arith.constant 0 : index
    %swap3A_239 = arith.constant 8 : index
    %swap3A_240 = arith.constant 0 : index
    %swap3A_241 = vector.load %arg4[%swap3A_238, %swap3A_239, %swap3A_240] : memref<1x20x256xi32, #tpu.memory_space<vmem>>, vector<1x1x256xi32>
    %swap3A_242 = vector.shape_cast %swap3A_241 : vector<1x1x256xi32> to vector<256xi32>
    %swap3A_243 = vector.shape_cast %add3A_237 : vector<256xi32> to vector<1x1x256xi32>
    tpu.vector_store %arg4[%swap3A_238, %swap3A_239, %swap3A_240], %swap3A_243 {strides = array<i32>} : memref<1x20x256xi32, #tpu.memory_space<vmem>>, vector<1x1x256xi32>,
    %broadcast_in_dim3A_244 = vector.shape_cast %reduce_min3A_233 : vector<256xi32> to vector<256x1xi32>
    %eq3A_245 = vector.broadcast %broadcast_in_dim3A_244 : vector<256x1xi32> to vector<256x1024xi32>
    %eq3A_246 = arith.cmpi eq, %iota3A, %eq3A_245 : vector<256x1024xi32>
    %jit3A_247 = arith.constant 0xFF800000 : f32
    %broadcast_in_dim3A_248 = vector.broadcast %jit3A_247 : f32 to vector<256x1024xf32>
    %select_n3A_249 = arith.select %eq3A_246, %broadcast_in_dim3A_248, %select_n3A_223 : vector<256x1024xi1>, vector<256x1024xf32>
    %reduce_max3A_250 = arith.constant dense<0xFF800000> : vector<256xf32>
    %reduce_max3A_251 = vector.multi_reduction <maximumf>, %select_n3A_249, %reduce_max3A_250 [1] : vector<256x1024xf32> to vector<256xf32>
    %broadcast_in_dim3A_252 = vector.shape_cast %reduce_max3A_251 : vector<256xf32> to vector<256x1xf32>
    %eq3A_253 = vector.broadcast %broadcast_in_dim3A_252 : vector<256x1xf32> to vector<256x1024xf32>
    %eq3A_254 = arith.cmpf oeq, %select_n3A_249, %eq3A_253 : vector<256x1024xf32>
    %jit3A_255 = arith.constant 1024 : i32
    %broadcast_in_dim3A_256 = vector.broadcast %jit3A_255 : i32 to vector<256x1024xi32>
    %select_n3A_257 = arith.select %eq3A_254, %iota3A, %broadcast_in_dim3A_256 : vector<256x1024xi1>, vector<256x1024xi32>
    %reduce_min3A_258 = arith.constant dense<2147483647> : vector<256xi32>
    %reduce_min3A_259 = vector.multi_reduction <minsi>, %select_n3A_257, %reduce_min3A_258 [1] : vector<256x1024xi32> to vector<256xi32>
    %mul3A_260 = arith.constant 1024 : i32
    %mul3A_261 = arith.muli %arg0, %mul3A_260 : i32
    %add3A_262 = vector.broadcast %mul3A_261 : i32 to vector<256xi32>
    %add3A_263 = arith.addi %reduce_min3A_259, %add3A_262 : vector<256xi32>
    %swap3A_264 = arith.constant 0 : index
    %swap3A_265 = arith.constant 9 : index
    %swap3A_266 = arith.constant 0 : index
    %swap3A_267 = vector.load %arg4[%swap3A_264, %swap3A_265, %swap3A_266] : memref<1x20x256xi32, #tpu.memory_space<vmem>>, vector<1x1x256xi32>
    %swap3A_268 = vector.shape_cast %swap3A_267 : vector<1x1x256xi32> to vector<256xi32>
    %swap3A_269 = vector.shape_cast %add3A_263 : vector<256xi32> to vector<1x1x256xi32>
    tpu.vector_store %arg4[%swap3A_264, %swap3A_265, %swap3A_266], %swap3A_269 {strides = array<i32>} : memref<1x20x256xi32, #tpu.memory_space<vmem>>, vector<1x1x256xi32>,
    %broadcast_in_dim3A_270 = vector.shape_cast %reduce_min3A_259 : vector<256xi32> to vector<256x1xi32>
    %eq3A_271 = vector.broadcast %broadcast_in_dim3A_270 : vector<256x1xi32> to vector<256x1024xi32>
    %eq3A_272 = arith.cmpi eq, %iota3A, %eq3A_271 : vector<256x1024xi32>
    %jit3A_273 = arith.constant 0xFF800000 : f32
    %broadcast_in_dim3A_274 = vector.broadcast %jit3A_273 : f32 to vector<256x1024xf32>
    %select_n3A_275 = arith.select %eq3A_272, %broadcast_in_dim3A_274, %select_n3A_249 : vector<256x1024xi1>, vector<256x1024xf32>
    %reduce_max3A_276 = arith.constant dense<0xFF800000> : vector<256xf32>
    %reduce_max3A_277 = vector.multi_reduction <maximumf>, %select_n3A_275, %reduce_max3A_276 [1] : vector<256x1024xf32> to vector<256xf32>
    %broadcast_in_dim3A_278 = vector.shape_cast %reduce_max3A_277 : vector<256xf32> to vector<256x1xf32>
    %eq3A_279 = vector.broadcast %broadcast_in_dim3A_278 : vector<256x1xf32> to vector<256x1024xf32>
    %eq3A_280 = arith.cmpf oeq, %select_n3A_275, %eq3A_279 : vector<256x1024xf32>
    %jit3A_281 = arith.constant 1024 : i32
    %broadcast_in_dim3A_282 = vector.broadcast %jit3A_281 : i32 to vector<256x1024xi32>
    %select_n3A_283 = arith.select %eq3A_280, %iota3A, %broadcast_in_dim3A_282 : vector<256x1024xi1>, vector<256x1024xi32>
    %reduce_min3A_284 = arith.constant dense<2147483647> : vector<256xi32>
    %reduce_min3A_285 = vector.multi_reduction <minsi>, %select_n3A_283, %reduce_min3A_284 [1] : vector<256x1024xi32> to vector<256xi32>
    %mul3A_286 = arith.constant 1024 : i32
    %mul3A_287 = arith.muli %arg0, %mul3A_286 : i32
    %add3A_288 = vector.broadcast %mul3A_287 : i32 to vector<256xi32>
    %add3A_289 = arith.addi %reduce_min3A_285, %add3A_288 : vector<256xi32>
    %swap3A_290 = arith.constant 0 : index
    %swap3A_291 = arith.constant 10 : index
    %swap3A_292 = arith.constant 0 : index
    %swap3A_293 = vector.load %arg4[%swap3A_290, %swap3A_291, %swap3A_292] : memref<1x20x256xi32, #tpu.memory_space<vmem>>, vector<1x1x256xi32>
    %swap3A_294 = vector.shape_cast %swap3A_293 : vector<1x1x256xi32> to vector<256xi32>
    %swap3A_295 = vector.shape_cast %add3A_289 : vector<256xi32> to vector<1x1x256xi32>
    tpu.vector_store %arg4[%swap3A_290, %swap3A_291, %swap3A_292], %swap3A_295 {strides = array<i32>} : memref<1x20x256xi32, #tpu.memory_space<vmem>>, vector<1x1x256xi32>,
    %broadcast_in_dim3A_296 = vector.shape_cast %reduce_min3A_285 : vector<256xi32> to vector<256x1xi32>
    %eq3A_297 = vector.broadcast %broadcast_in_dim3A_296 : vector<256x1xi32> to vector<256x1024xi32>
    %eq3A_298 = arith.cmpi eq, %iota3A, %eq3A_297 : vector<256x1024xi32>
    %jit3A_299 = arith.constant 0xFF800000 : f32
    %broadcast_in_dim3A_300 = vector.broadcast %jit3A_299 : f32 to vector<256x1024xf32>
    %select_n3A_301 = arith.select %eq3A_298, %broadcast_in_dim3A_300, %select_n3A_275 : vector<256x1024xi1>, vector<256x1024xf32>
    %reduce_max3A_302 = arith.constant dense<0xFF800000> : vector<256xf32>
    %reduce_max3A_303 = vector.multi_reduction <maximumf>, %select_n3A_301, %reduce_max3A_302 [1] : vector<256x1024xf32> to vector<256xf32>
    %broadcast_in_dim3A_304 = vector.shape_cast %reduce_max3A_303 : vector<256xf32> to vector<256x1xf32>
    %eq3A_305 = vector.broadcast %broadcast_in_dim3A_304 : vector<256x1xf32> to vector<256x1024xf32>
    %eq3A_306 = arith.cmpf oeq, %select_n3A_301, %eq3A_305 : vector<256x1024xf32>
    %jit3A_307 = arith.constant 1024 : i32
    %broadcast_in_dim3A_308 = vector.broadcast %jit3A_307 : i32 to vector<256x1024xi32>
    %select_n3A_309 = arith.select %eq3A_306, %iota3A, %broadcast_in_dim3A_308 : vector<256x1024xi1>, vector<256x1024xi32>
    %reduce_min3A_310 = arith.constant dense<2147483647> : vector<256xi32>
    %reduce_min3A_311 = vector.multi_reduction <minsi>, %select_n3A_309, %reduce_min3A_310 [1] : vector<256x1024xi32> to vector<256xi32>
    %mul3A_312 = arith.constant 1024 : i32
    %mul3A_313 = arith.muli %arg0, %mul3A_312 : i32
    %add3A_314 = vector.broadcast %mul3A_313 : i32 to vector<256xi32>
    %add3A_315 = arith.addi %reduce_min3A_311, %add3A_314 : vector<256xi32>
    %swap3A_316 = arith.constant 0 : index
    %swap3A_317 = arith.constant 11 : index
    %swap3A_318 = arith.constant 0 : index
    %swap3A_319 = vector.load %arg4[%swap3A_316, %swap3A_317, %swap3A_318] : memref<1x20x256xi32, #tpu.memory_space<vmem>>, vector<1x1x256xi32>
    %swap3A_320 = vector.shape_cast %swap3A_319 : vector<1x1x256xi32> to vector<256xi32>
    %swap3A_321 = vector.shape_cast %add3A_315 : vector<256xi32> to vector<1x1x256xi32>
    tpu.vector_store %arg4[%swap3A_316, %swap3A_317, %swap3A_318], %swap3A_321 {strides = array<i32>} : memref<1x20x256xi32, #tpu.memory_space<vmem>>, vector<1x1x256xi32>,
    %broadcast_in_dim3A_322 = vector.shape_cast %reduce_min3A_311 : vector<256xi32> to vector<256x1xi32>
    %eq3A_323 = vector.broadcast %broadcast_in_dim3A_322 : vector<256x1xi32> to vector<256x1024xi32>
    %eq3A_324 = arith.cmpi eq, %iota3A, %eq3A_323 : vector<256x1024xi32>
    %jit3A_325 = arith.constant 0xFF800000 : f32
    %broadcast_in_dim3A_326 = vector.broadcast %jit3A_325 : f32 to vector<256x1024xf32>
    %select_n3A_327 = arith.select %eq3A_324, %broadcast_in_dim3A_326, %select_n3A_301 : vector<256x1024xi1>, vector<256x1024xf32>
    %reduce_max3A_328 = arith.constant dense<0xFF800000> : vector<256xf32>
    %reduce_max3A_329 = vector.multi_reduction <maximumf>, %select_n3A_327, %reduce_max3A_328 [1] : vector<256x1024xf32> to vector<256xf32>
    %broadcast_in_dim3A_330 = vector.shape_cast %reduce_max3A_329 : vector<256xf32> to vector<256x1xf32>
    %eq3A_331 = vector.broadcast %broadcast_in_dim3A_330 : vector<256x1xf32> to vector<256x1024xf32>
    %eq3A_332 = arith.cmpf oeq, %select_n3A_327, %eq3A_331 : vector<256x1024xf32>
    %jit3A_333 = arith.constant 1024 : i32
    %broadcast_in_dim3A_334 = vector.broadcast %jit3A_333 : i32 to vector<256x1024xi32>
    %select_n3A_335 = arith.select %eq3A_332, %iota3A, %broadcast_in_dim3A_334 : vector<256x1024xi1>, vector<256x1024xi32>
    %reduce_min3A_336 = arith.constant dense<2147483647> : vector<256xi32>
    %reduce_min3A_337 = vector.multi_reduction <minsi>, %select_n3A_335, %reduce_min3A_336 [1] : vector<256x1024xi32> to vector<256xi32>
    %mul3A_338 = arith.constant 1024 : i32
    %mul3A_339 = arith.muli %arg0, %mul3A_338 : i32
    %add3A_340 = vector.broadcast %mul3A_339 : i32 to vector<256xi32>
    %add3A_341 = arith.addi %reduce_min3A_337, %add3A_340 : vector<256xi32>
    %swap3A_342 = arith.constant 0 : index
    %swap3A_343 = arith.constant 12 : index
    %swap3A_344 = arith.constant 0 : index
    %swap3A_345 = vector.load %arg4[%swap3A_342, %swap3A_343, %swap3A_344] : memref<1x20x256xi32, #tpu.memory_space<vmem>>, vector<1x1x256xi32>
    %swap3A_346 = vector.shape_cast %swap3A_345 : vector<1x1x256xi32> to vector<256xi32>
    %swap3A_347 = vector.shape_cast %add3A_341 : vector<256xi32> to vector<1x1x256xi32>
    tpu.vector_store %arg4[%swap3A_342, %swap3A_343, %swap3A_344], %swap3A_347 {strides = array<i32>} : memref<1x20x256xi32, #tpu.memory_space<vmem>>, vector<1x1x256xi32>,
    %broadcast_in_dim3A_348 = vector.shape_cast %reduce_min3A_337 : vector<256xi32> to vector<256x1xi32>
    %eq3A_349 = vector.broadcast %broadcast_in_dim3A_348 : vector<256x1xi32> to vector<256x1024xi32>
    %eq3A_350 = arith.cmpi eq, %iota3A, %eq3A_349 : vector<256x1024xi32>
    %jit3A_351 = arith.constant 0xFF800000 : f32
    %broadcast_in_dim3A_352 = vector.broadcast %jit3A_351 : f32 to vector<256x1024xf32>
    %select_n3A_353 = arith.select %eq3A_350, %broadcast_in_dim3A_352, %select_n3A_327 : vector<256x1024xi1>, vector<256x1024xf32>
    %reduce_max3A_354 = arith.constant dense<0xFF800000> : vector<256xf32>
    %reduce_max3A_355 = vector.multi_reduction <maximumf>, %select_n3A_353, %reduce_max3A_354 [1] : vector<256x1024xf32> to vector<256xf32>
    %broadcast_in_dim3A_356 = vector.shape_cast %reduce_max3A_355 : vector<256xf32> to vector<256x1xf32>
    %eq3A_357 = vector.broadcast %broadcast_in_dim3A_356 : vector<256x1xf32> to vector<256x1024xf32>
    %eq3A_358 = arith.cmpf oeq, %select_n3A_353, %eq3A_357 : vector<256x1024xf32>
    %jit3A_359 = arith.constant 1024 : i32
    %broadcast_in_dim3A_360 = vector.broadcast %jit3A_359 : i32 to vector<256x1024xi32>
    %select_n3A_361 = arith.select %eq3A_358, %iota3A, %broadcast_in_dim3A_360 : vector<256x1024xi1>, vector<256x1024xi32>
    %reduce_min3A_362 = arith.constant dense<2147483647> : vector<256xi32>
    %reduce_min3A_363 = vector.multi_reduction <minsi>, %select_n3A_361, %reduce_min3A_362 [1] : vector<256x1024xi32> to vector<256xi32>
    %mul3A_364 = arith.constant 1024 : i32
    %mul3A_365 = arith.muli %arg0, %mul3A_364 : i32
    %add3A_366 = vector.broadcast %mul3A_365 : i32 to vector<256xi32>
    %add3A_367 = arith.addi %reduce_min3A_363, %add3A_366 : vector<256xi32>
    %swap3A_368 = arith.constant 0 : index
    %swap3A_369 = arith.constant 13 : index
    %swap3A_370 = arith.constant 0 : index
    %swap3A_371 = vector.load %arg4[%swap3A_368, %swap3A_369, %swap3A_370] : memref<1x20x256xi32, #tpu.memory_space<vmem>>, vector<1x1x256xi32>
    %swap3A_372 = vector.shape_cast %swap3A_371 : vector<1x1x256xi32> to vector<256xi32>
    %swap3A_373 = vector.shape_cast %add3A_367 : vector<256xi32> to vector<1x1x256xi32>
    tpu.vector_store %arg4[%swap3A_368, %swap3A_369, %swap3A_370], %swap3A_373 {strides = array<i32>} : memref<1x20x256xi32, #tpu.memory_space<vmem>>, vector<1x1x256xi32>,
    %broadcast_in_dim3A_374 = vector.shape_cast %reduce_min3A_363 : vector<256xi32> to vector<256x1xi32>
    %eq3A_375 = vector.broadcast %broadcast_in_dim3A_374 : vector<256x1xi32> to vector<256x1024xi32>
    %eq3A_376 = arith.cmpi eq, %iota3A, %eq3A_375 : vector<256x1024xi32>
    %jit3A_377 = arith.constant 0xFF800000 : f32
    %broadcast_in_dim3A_378 = vector.broadcast %jit3A_377 : f32 to vector<256x1024xf32>
    %select_n3A_379 = arith.select %eq3A_376, %broadcast_in_dim3A_378, %select_n3A_353 : vector<256x1024xi1>, vector<256x1024xf32>
    %reduce_max3A_380 = arith.constant dense<0xFF800000> : vector<256xf32>
    %reduce_max3A_381 = vector.multi_reduction <maximumf>, %select_n3A_379, %reduce_max3A_380 [1] : vector<256x1024xf32> to vector<256xf32>
    %broadcast_in_dim3A_382 = vector.shape_cast %reduce_max3A_381 : vector<256xf32> to vector<256x1xf32>
    %eq3A_383 = vector.broadcast %broadcast_in_dim3A_382 : vector<256x1xf32> to vector<256x1024xf32>
    %eq3A_384 = arith.cmpf oeq, %select_n3A_379, %eq3A_383 : vector<256x1024xf32>
    %jit3A_385 = arith.constant 1024 : i32
    %broadcast_in_dim3A_386 = vector.broadcast %jit3A_385 : i32 to vector<256x1024xi32>
    %select_n3A_387 = arith.select %eq3A_384, %iota3A, %broadcast_in_dim3A_386 : vector<256x1024xi1>, vector<256x1024xi32>
    %reduce_min3A_388 = arith.constant dense<2147483647> : vector<256xi32>
    %reduce_min3A_389 = vector.multi_reduction <minsi>, %select_n3A_387, %reduce_min3A_388 [1] : vector<256x1024xi32> to vector<256xi32>
    %mul3A_390 = arith.constant 1024 : i32
    %mul3A_391 = arith.muli %arg0, %mul3A_390 : i32
    %add3A_392 = vector.broadcast %mul3A_391 : i32 to vector<256xi32>
    %add3A_393 = arith.addi %reduce_min3A_389, %add3A_392 : vector<256xi32>
    %swap3A_394 = arith.constant 0 : index
    %swap3A_395 = arith.constant 14 : index
    %swap3A_396 = arith.constant 0 : index
    %swap3A_397 = vector.load %arg4[%swap3A_394, %swap3A_395, %swap3A_396] : memref<1x20x256xi32, #tpu.memory_space<vmem>>, vector<1x1x256xi32>
    %swap3A_398 = vector.shape_cast %swap3A_397 : vector<1x1x256xi32> to vector<256xi32>
    %swap3A_399 = vector.shape_cast %add3A_393 : vector<256xi32> to vector<1x1x256xi32>
    tpu.vector_store %arg4[%swap3A_394, %swap3A_395, %swap3A_396], %swap3A_399 {strides = array<i32>} : memref<1x20x256xi32, #tpu.memory_space<vmem>>, vector<1x1x256xi32>,
    %broadcast_in_dim3A_400 = vector.shape_cast %reduce_min3A_389 : vector<256xi32> to vector<256x1xi32>
    %eq3A_401 = vector.broadcast %broadcast_in_dim3A_400 : vector<256x1xi32> to vector<256x1024xi32>
    %eq3A_402 = arith.cmpi eq, %iota3A, %eq3A_401 : vector<256x1024xi32>
    %jit3A_403 = arith.constant 0xFF800000 : f32
    %broadcast_in_dim3A_404 = vector.broadcast %jit3A_403 : f32 to vector<256x1024xf32>
    %select_n3A_405 = arith.select %eq3A_402, %broadcast_in_dim3A_404, %select_n3A_379 : vector<256x1024xi1>, vector<256x1024xf32>
    %reduce_max3A_406 = arith.constant dense<0xFF800000> : vector<256xf32>
    %reduce_max3A_407 = vector.multi_reduction <maximumf>, %select_n3A_405, %reduce_max3A_406 [1] : vector<256x1024xf32> to vector<256xf32>
    %broadcast_in_dim3A_408 = vector.shape_cast %reduce_max3A_407 : vector<256xf32> to vector<256x1xf32>
    %eq3A_409 = vector.broadcast %broadcast_in_dim3A_408 : vector<256x1xf32> to vector<256x1024xf32>
    %eq3A_410 = arith.cmpf oeq, %select_n3A_405, %eq3A_409 : vector<256x1024xf32>
    %jit3A_411 = arith.constant 1024 : i32
    %broadcast_in_dim3A_412 = vector.broadcast %jit3A_411 : i32 to vector<256x1024xi32>
    %select_n3A_413 = arith.select %eq3A_410, %iota3A, %broadcast_in_dim3A_412 : vector<256x1024xi1>, vector<256x1024xi32>
    %reduce_min3A_414 = arith.constant dense<2147483647> : vector<256xi32>
    %reduce_min3A_415 = vector.multi_reduction <minsi>, %select_n3A_413, %reduce_min3A_414 [1] : vector<256x1024xi32> to vector<256xi32>
    %mul3A_416 = arith.constant 1024 : i32
    %mul3A_417 = arith.muli %arg0, %mul3A_416 : i32
    %add3A_418 = vector.broadcast %mul3A_417 : i32 to vector<256xi32>
    %add3A_419 = arith.addi %reduce_min3A_415, %add3A_418 : vector<256xi32>
    %swap3A_420 = arith.constant 0 : index
    %swap3A_421 = arith.constant 15 : index
    %swap3A_422 = arith.constant 0 : index
    %swap3A_423 = vector.load %arg4[%swap3A_420, %swap3A_421, %swap3A_422] : memref<1x20x256xi32, #tpu.memory_space<vmem>>, vector<1x1x256xi32>
    %swap3A_424 = vector.shape_cast %swap3A_423 : vector<1x1x256xi32> to vector<256xi32>
    %swap3A_425 = vector.shape_cast %add3A_419 : vector<256xi32> to vector<1x1x256xi32>
    tpu.vector_store %arg4[%swap3A_420, %swap3A_421, %swap3A_422], %swap3A_425 {strides = array<i32>} : memref<1x20x256xi32, #tpu.memory_space<vmem>>, vector<1x1x256xi32>,
    %broadcast_in_dim3A_426 = vector.shape_cast %reduce_min3A_415 : vector<256xi32> to vector<256x1xi32>
    %eq3A_427 = vector.broadcast %broadcast_in_dim3A_426 : vector<256x1xi32> to vector<256x1024xi32>
    %eq3A_428 = arith.cmpi eq, %iota3A, %eq3A_427 : vector<256x1024xi32>
    %jit3A_429 = arith.constant 0xFF800000 : f32
    %broadcast_in_dim3A_430 = vector.broadcast %jit3A_429 : f32 to vector<256x1024xf32>
    %select_n3A_431 = arith.select %eq3A_428, %broadcast_in_dim3A_430, %select_n3A_405 : vector<256x1024xi1>, vector<256x1024xf32>
    %reduce_max3A_432 = arith.constant dense<0xFF800000> : vector<256xf32>
    %reduce_max3A_433 = vector.multi_reduction <maximumf>, %select_n3A_431, %reduce_max3A_432 [1] : vector<256x1024xf32> to vector<256xf32>
    %broadcast_in_dim3A_434 = vector.shape_cast %reduce_max3A_433 : vector<256xf32> to vector<256x1xf32>
    %eq3A_435 = vector.broadcast %broadcast_in_dim3A_434 : vector<256x1xf32> to vector<256x1024xf32>
    %eq3A_436 = arith.cmpf oeq, %select_n3A_431, %eq3A_435 : vector<256x1024xf32>
    %jit3A_437 = arith.constant 1024 : i32
    %broadcast_in_dim3A_438 = vector.broadcast %jit3A_437 : i32 to vector<256x1024xi32>
    %select_n3A_439 = arith.select %eq3A_436, %iota3A, %broadcast_in_dim3A_438 : vector<256x1024xi1>, vector<256x1024xi32>
    %reduce_min3A_440 = arith.constant dense<2147483647> : vector<256xi32>
    %reduce_min3A_441 = vector.multi_reduction <minsi>, %select_n3A_439, %reduce_min3A_440 [1] : vector<256x1024xi32> to vector<256xi32>
    %mul3A_442 = arith.constant 1024 : i32
    %mul3A_443 = arith.muli %arg0, %mul3A_442 : i32
    %add3A_444 = vector.broadcast %mul3A_443 : i32 to vector<256xi32>
    %add3A_445 = arith.addi %reduce_min3A_441, %add3A_444 : vector<256xi32>
    %swap3A_446 = arith.constant 0 : index
    %swap3A_447 = arith.constant 16 : index
    %swap3A_448 = arith.constant 0 : index
    %swap3A_449 = vector.load %arg4[%swap3A_446, %swap3A_447, %swap3A_448] : memref<1x20x256xi32, #tpu.memory_space<vmem>>, vector<1x1x256xi32>
    %swap3A_450 = vector.shape_cast %swap3A_449 : vector<1x1x256xi32> to vector<256xi32>
    %swap3A_451 = vector.shape_cast %add3A_445 : vector<256xi32> to vector<1x1x256xi32>
    tpu.vector_store %arg4[%swap3A_446, %swap3A_447, %swap3A_448], %swap3A_451 {strides = array<i32>} : memref<1x20x256xi32, #tpu.memory_space<vmem>>, vector<1x1x256xi32>,
    %broadcast_in_dim3A_452 = vector.shape_cast %reduce_min3A_441 : vector<256xi32> to vector<256x1xi32>
    %eq3A_453 = vector.broadcast %broadcast_in_dim3A_452 : vector<256x1xi32> to vector<256x1024xi32>
    %eq3A_454 = arith.cmpi eq, %iota3A, %eq3A_453 : vector<256x1024xi32>
    %jit3A_455 = arith.constant 0xFF800000 : f32
    %broadcast_in_dim3A_456 = vector.broadcast %jit3A_455 : f32 to vector<256x1024xf32>
    %select_n3A_457 = arith.select %eq3A_454, %broadcast_in_dim3A_456, %select_n3A_431 : vector<256x1024xi1>, vector<256x1024xf32>
    %reduce_max3A_458 = arith.constant dense<0xFF800000> : vector<256xf32>
    %reduce_max3A_459 = vector.multi_reduction <maximumf>, %select_n3A_457, %reduce_max3A_458 [1] : vector<256x1024xf32> to vector<256xf32>
    %broadcast_in_dim3A_460 = vector.shape_cast %reduce_max3A_459 : vector<256xf32> to vector<256x1xf32>
    %eq3A_461 = vector.broadcast %broadcast_in_dim3A_460 : vector<256x1xf32> to vector<256x1024xf32>
    %eq3A_462 = arith.cmpf oeq, %select_n3A_457, %eq3A_461 : vector<256x1024xf32>
    %jit3A_463 = arith.constant 1024 : i32
    %broadcast_in_dim3A_464 = vector.broadcast %jit3A_463 : i32 to vector<256x1024xi32>
    %select_n3A_465 = arith.select %eq3A_462, %iota3A, %broadcast_in_dim3A_464 : vector<256x1024xi1>, vector<256x1024xi32>
    %reduce_min3A_466 = arith.constant dense<2147483647> : vector<256xi32>
    %reduce_min3A_467 = vector.multi_reduction <minsi>, %select_n3A_465, %reduce_min3A_466 [1] : vector<256x1024xi32> to vector<256xi32>
    %mul3A_468 = arith.constant 1024 : i32
    %mul3A_469 = arith.muli %arg0, %mul3A_468 : i32
    %add3A_470 = vector.broadcast %mul3A_469 : i32 to vector<256xi32>
    %add3A_471 = arith.addi %reduce_min3A_467, %add3A_470 : vector<256xi32>
    %swap3A_472 = arith.constant 0 : index
    %swap3A_473 = arith.constant 17 : index
    %swap3A_474 = arith.constant 0 : index
    %swap3A_475 = vector.load %arg4[%swap3A_472, %swap3A_473, %swap3A_474] : memref<1x20x256xi32, #tpu.memory_space<vmem>>, vector<1x1x256xi32>
    %swap3A_476 = vector.shape_cast %swap3A_475 : vector<1x1x256xi32> to vector<256xi32>
    %swap3A_477 = vector.shape_cast %add3A_471 : vector<256xi32> to vector<1x1x256xi32>
    tpu.vector_store %arg4[%swap3A_472, %swap3A_473, %swap3A_474], %swap3A_477 {strides = array<i32>} : memref<1x20x256xi32, #tpu.memory_space<vmem>>, vector<1x1x256xi32>,
    %broadcast_in_dim3A_478 = vector.shape_cast %reduce_min3A_467 : vector<256xi32> to vector<256x1xi32>
    %eq3A_479 = vector.broadcast %broadcast_in_dim3A_478 : vector<256x1xi32> to vector<256x1024xi32>
    %eq3A_480 = arith.cmpi eq, %iota3A, %eq3A_479 : vector<256x1024xi32>
    %jit3A_481 = arith.constant 0xFF800000 : f32
    %broadcast_in_dim3A_482 = vector.broadcast %jit3A_481 : f32 to vector<256x1024xf32>
    %select_n3A_483 = arith.select %eq3A_480, %broadcast_in_dim3A_482, %select_n3A_457 : vector<256x1024xi1>, vector<256x1024xf32>
    %reduce_max3A_484 = arith.constant dense<0xFF800000> : vector<256xf32>
    %reduce_max3A_485 = vector.multi_reduction <maximumf>, %select_n3A_483, %reduce_max3A_484 [1] : vector<256x1024xf32> to vector<256xf32>
    %broadcast_in_dim3A_486 = vector.shape_cast %reduce_max3A_485 : vector<256xf32> to vector<256x1xf32>
    %eq3A_487 = vector.broadcast %broadcast_in_dim3A_486 : vector<256x1xf32> to vector<256x1024xf32>
    %eq3A_488 = arith.cmpf oeq, %select_n3A_483, %eq3A_487 : vector<256x1024xf32>
    %jit3A_489 = arith.constant 1024 : i32
    %broadcast_in_dim3A_490 = vector.broadcast %jit3A_489 : i32 to vector<256x1024xi32>
    %select_n3A_491 = arith.select %eq3A_488, %iota3A, %broadcast_in_dim3A_490 : vector<256x1024xi1>, vector<256x1024xi32>
    %reduce_min3A_492 = arith.constant dense<2147483647> : vector<256xi32>
    %reduce_min3A_493 = vector.multi_reduction <minsi>, %select_n3A_491, %reduce_min3A_492 [1] : vector<256x1024xi32> to vector<256xi32>
    %mul3A_494 = arith.constant 1024 : i32
    %mul3A_495 = arith.muli %arg0, %mul3A_494 : i32
    %add3A_496 = vector.broadcast %mul3A_495 : i32 to vector<256xi32>
    %add3A_497 = arith.addi %reduce_min3A_493, %add3A_496 : vector<256xi32>
    %swap3A_498 = arith.constant 0 : index
    %swap3A_499 = arith.constant 18 : index
    %swap3A_500 = arith.constant 0 : index
    %swap3A_501 = vector.load %arg4[%swap3A_498, %swap3A_499, %swap3A_500] : memref<1x20x256xi32, #tpu.memory_space<vmem>>, vector<1x1x256xi32>
    %swap3A_502 = vector.shape_cast %swap3A_501 : vector<1x1x256xi32> to vector<256xi32>
    %swap3A_503 = vector.shape_cast %add3A_497 : vector<256xi32> to vector<1x1x256xi32>
    tpu.vector_store %arg4[%swap3A_498, %swap3A_499, %swap3A_500], %swap3A_503 {strides = array<i32>} : memref<1x20x256xi32, #tpu.memory_space<vmem>>, vector<1x1x256xi32>,
    %broadcast_in_dim3A_504 = vector.shape_cast %reduce_min3A_493 : vector<256xi32> to vector<256x1xi32>
    %eq3A_505 = vector.broadcast %broadcast_in_dim3A_504 : vector<256x1xi32> to vector<256x1024xi32>
    %eq3A_506 = arith.cmpi eq, %iota3A, %eq3A_505 : vector<256x1024xi32>
    %jit3A_507 = arith.constant 0xFF800000 : f32
    %broadcast_in_dim3A_508 = vector.broadcast %jit3A_507 : f32 to vector<256x1024xf32>
    %select_n3A_509 = arith.select %eq3A_506, %broadcast_in_dim3A_508, %select_n3A_483 : vector<256x1024xi1>, vector<256x1024xf32>
    %reduce_max3A_510 = arith.constant dense<0xFF800000> : vector<256xf32>
    %reduce_max3A_511 = vector.multi_reduction <maximumf>, %select_n3A_509, %reduce_max3A_510 [1] : vector<256x1024xf32> to vector<256xf32>
    %broadcast_in_dim3A_512 = vector.shape_cast %reduce_max3A_511 : vector<256xf32> to vector<256x1xf32>
    %eq3A_513 = vector.broadcast %broadcast_in_dim3A_512 : vector<256x1xf32> to vector<256x1024xf32>
    %eq3A_514 = arith.cmpf oeq, %select_n3A_509, %eq3A_513 : vector<256x1024xf32>
    %jit3A_515 = arith.constant 1024 : i32
    %broadcast_in_dim3A_516 = vector.broadcast %jit3A_515 : i32 to vector<256x1024xi32>
    %select_n3A_517 = arith.select %eq3A_514, %iota3A, %broadcast_in_dim3A_516 : vector<256x1024xi1>, vector<256x1024xi32>
    %reduce_min3A_518 = arith.constant dense<2147483647> : vector<256xi32>
    %reduce_min3A_519 = vector.multi_reduction <minsi>, %select_n3A_517, %reduce_min3A_518 [1] : vector<256x1024xi32> to vector<256xi32>
    %mul3A_520 = arith.constant 1024 : i32
    %mul3A_521 = arith.muli %arg0, %mul3A_520 : i32
    %add3A_522 = vector.broadcast %mul3A_521 : i32 to vector<256xi32>
    %add3A_523 = arith.addi %reduce_min3A_519, %add3A_522 : vector<256xi32>
    %swap3A_524 = arith.constant 0 : index
    %swap3A_525 = arith.constant 19 : index
    %swap3A_526 = arith.constant 0 : index
    %swap3A_527 = vector.load %arg4[%swap3A_524, %swap3A_525, %swap3A_526] : memref<1x20x256xi32, #tpu.memory_space<vmem>>, vector<1x1x256xi32>
    %swap3A_528 = vector.shape_cast %swap3A_527 : vector<1x1x256xi32> to vector<256xi32>
    %swap3A_529 = vector.shape_cast %add3A_523 : vector<256xi32> to vector<1x1x256xi32>
    tpu.vector_store %arg4[%swap3A_524, %swap3A_525, %swap3A_526], %swap3A_529 {strides = array<i32>} : memref<1x20x256xi32, #tpu.memory_space<vmem>>, vector<1x1x256xi32>,
    return
  }
  func.func @transform_0(%arg0: i32, %arg1: i32) -> (i32, i32, i32) {
    %c0_i32 = arith.constant 0 : i32
    %c0_i32_0 = arith.constant 0 : i32
    %c0_i32_1 = arith.constant 0 : i32
    return %arg0, %c0_i32, %c0_i32_0 : i32, i32, i32
  }
  func.func @transform_1(%arg0: i32, %arg1: i32) -> (i32, i32, i32) {
    %c0_i32 = arith.constant 0 : i32
    %c0_i32_0 = arith.constant 0 : i32
    return %arg0, %c0_i32, %arg1 : i32, i32, i32
  }
  func.func @transform_2(%arg0: i32, %arg1: i32) -> (i32, i32, i32) {
    %c0_i32 = arith.constant 0 : i32
    %c0_i32_0 = arith.constant 0 : i32
    return %arg0, %c0_i32, %arg1 : i32, i32, i32
  }
}

module attributes {stable_mosaic.version = 14 : i64} {
  func.func @_edge_kernel(%arg0: i32, %arg1: i32, %arg2: memref<1x128x20x128xf32, #tpu.memory_space<vmem>>, %arg3: memref<1x128x128xf32, #tpu.memory_space<vmem>>, %arg4: memref<256x256xf32, #tpu.memory_space<vmem>>, %arg5: memref<256xf32, #tpu.memory_space<vmem>>, %arg6: memref<1x128x256xf32, #tpu.memory_space<vmem>>, %arg7: memref<1x8x256xf32, #tpu.memory_space<vmem>>, %arg8: memref<1x8x256xf32, #tpu.memory_space<vmem>>) attributes {dimension_semantics = [#tpu.dimension_semantics<parallel>, #tpu.dimension_semantics<arbitrary>], iteration_bounds = array<i64: 8, 8>, scalar_prefetch = 0 : i64, scratch_operands = 0 : i64, tpu.core_type = #tpu.core_type<tc>, window_params = [{transform_indices = @transform_0, window_bounds = array<i64: 1, 128, 20, 128>}, {transform_indices = @transform_1, window_bounds = array<i64: 1, 128, 128>}, {pipeline_mode = #tpu.pipeline_mode<synchronous>, transform_indices = @transform_2, window_bounds = array<i64: 256, 256>}, {pipeline_mode = #tpu.pipeline_mode<synchronous>, transform_indices = @transform_3, window_bounds = array<i64: 256>}, {transform_indices = @transform_4, window_bounds = array<i64: 1, 128, 256>}, {transform_indices = @transform_5, window_bounds = array<i64: 1, 8, 256>}, {transform_indices = @transform_6, window_bounds = array<i64: 1, 8, 256>}]} {
    %get3A = arith.constant 0 : index
    %get3A_0 = arith.constant 0 : index
    %get3A_1 = arith.constant 0 : index
    %get3A_2 = arith.constant 0 : index
    %get3A_3 = vector.load %arg2[%get3A, %get3A_0, %get3A_1, %get3A_2] : memref<1x128x20x128xf32, #tpu.memory_space<vmem>>, vector<1x128x20x128xf32>
    %get3A_4 = vector.shape_cast %get3A_3 : vector<1x128x20x128xf32> to vector<128x20x128xf32>
    %get3A_5 = arith.constant 0 : index
    %get3A_6 = arith.constant 0 : index
    %get3A_7 = arith.constant 0 : index
    %get3A_8 = vector.load %arg3[%get3A_5, %get3A_6, %get3A_7] : memref<1x128x128xf32, #tpu.memory_space<vmem>>, vector<1x128x128xf32>
    %get3A_9 = vector.shape_cast %get3A_8 : vector<1x128x128xf32> to vector<128x128xf32>
    %broadcast_in_dim3A = vector.shape_cast %get3A_9 : vector<128x128xf32> to vector<128x1x128xf32>
    %sub3A = vector.broadcast %broadcast_in_dim3A : vector<128x1x128xf32> to vector<128x20x128xf32>
    %sub3A_10 = arith.subf %get3A_4, %sub3A : vector<128x20x128xf32>
    %broadcast_in_dim3A_11 = vector.shape_cast %get3A_9 : vector<128x128xf32> to vector<128x1x128xf32>
    %broadcast_in_dim3A_12 = vector.shape_cast %broadcast_in_dim3A_11 : vector<128x1x128xf32> to vector<128x1x128xf32>
    %broadcast_in_dim3A_13 = vector.broadcast %broadcast_in_dim3A_12 : vector<128x1x128xf32> to vector<128x20x128xf32>
    %concatenate3A = tpu.concatenate %sub3A_10, %broadcast_in_dim3A_13 in 2 : vector<128x20x128xf32>, vector<128x20x128xf32> -> vector<128x20x256xf32>
    %reshape3A = vector.shape_cast %concatenate3A : vector<128x20x256xf32> to vector<2560x256xf32>
    %get3A_14 = arith.constant 0 : index
    %get3A_15 = arith.constant 0 : index
    %get3A_16 = vector.load %arg4[%get3A_14, %get3A_15] : memref<256x256xf32, #tpu.memory_space<vmem>>, vector<256x256xf32>
    %dot_general3A = arith.constant dense<0.000000e+00> : vector<2560x256xf32>
    %dot_general3A_17 = tpu.matmul %reshape3A, %get3A_16, %dot_general3A {dimension_numbers = #tpu.dot_dimension_numbers<[1], [1], [0], [0], [0, 0, 1, 0], [], []>, transpose_lhs_hint = false} : vector<2560x256xf32>, vector<256x256xf32>, vector<2560x256xf32> -> vector<2560x256xf32>
    %get3A_18 = arith.constant 0 : index
    %get3A_19 = vector.load %arg5[%get3A_18] : memref<256xf32, #tpu.memory_space<vmem>>, vector<256xf32>
    %broadcast_in_dim3A_20 = vector.shape_cast %get3A_19 : vector<256xf32> to vector<1x256xf32>
    %add3A = vector.broadcast %broadcast_in_dim3A_20 : vector<1x256xf32> to vector<2560x256xf32>
    %add3A_21 = arith.addf %dot_general3A_17, %add3A : vector<2560x256xf32>
    %reshape3A_22 = vector.shape_cast %add3A_21 : vector<2560x256xf32> to vector<128x20x256xf32>
    %reduce_max3A = arith.constant dense<0xFF800000> : vector<128x256xf32>
    %reduce_max3A_23 = vector.multi_reduction <maximumf>, %reshape3A_22, %reduce_max3A [1] : vector<128x20x256xf32> to vector<128x256xf32>
    %swap3A = arith.constant 0 : index
    %swap3A_24 = arith.constant 0 : index
    %swap3A_25 = arith.constant 0 : index
    %swap3A_26 = vector.load %arg6[%swap3A, %swap3A_24, %swap3A_25] : memref<1x128x256xf32, #tpu.memory_space<vmem>>, vector<1x128x256xf32>
    %swap3A_27 = vector.shape_cast %swap3A_26 : vector<1x128x256xf32> to vector<128x256xf32>
    %swap3A_28 = vector.shape_cast %reduce_max3A_23 : vector<128x256xf32> to vector<1x128x256xf32>
    tpu.vector_store %arg6[%swap3A, %swap3A_24, %swap3A_25], %swap3A_28 {strides = array<i32>} : memref<1x128x256xf32, #tpu.memory_space<vmem>>, vector<1x128x256xf32>,
    %reduce_sum3A = arith.constant dense<0.000000e+00> : vector<256xf32>
    %reduce_sum3A_29 = vector.multi_reduction <add>, %add3A_21, %reduce_sum3A [0] : vector<2560x256xf32> to vector<256xf32>
    %mul3A = arith.mulf %add3A_21, %add3A_21 : vector<2560x256xf32>
    %reduce_sum3A_30 = arith.constant dense<0.000000e+00> : vector<256xf32>
    %reduce_sum3A_31 = vector.multi_reduction <add>, %mul3A, %reduce_sum3A_30 [0] : vector<2560x256xf32> to vector<256xf32>
    %eq3A = arith.constant 0 : i32
    %eq3A_32 = arith.cmpi eq, %arg1, %eq3A : i32
    %convert_element_type3A = arith.extui %eq3A_32 : i1 to i32
    %cond3A = arith.constant 0 : i32
    %cond3A_33 = arith.cmpi ne, %convert_element_type3A, %cond3A : i32
    scf.if %cond3A_33 {
      %broadcast_in_dim3A_58 = arith.constant 0.000000e+00 : f32
      %broadcast_in_dim3A_59 = vector.broadcast %broadcast_in_dim3A_58 : f32 to vector<1x8x256xf32>
      %swap3A_60 = arith.constant 0 : index
      %swap3A_61 = arith.constant 0 : index
      %swap3A_62 = arith.constant 0 : index
      %swap3A_63 = vector.load %arg7[%swap3A_60, %swap3A_61, %swap3A_62] : memref<1x8x256xf32, #tpu.memory_space<vmem>>, vector<1x8x256xf32>
      tpu.vector_store %arg7[%swap3A_60, %swap3A_61, %swap3A_62], %broadcast_in_dim3A_59 {strides = array<i32>} : memref<1x8x256xf32, #tpu.memory_space<vmem>>, vector<1x8x256xf32>,
      %broadcast_in_dim3A_64 = arith.constant 0.000000e+00 : f32
      %broadcast_in_dim3A_65 = vector.broadcast %broadcast_in_dim3A_64 : f32 to vector<1x8x256xf32>
      %swap3A_66 = arith.constant 0 : index
      %swap3A_67 = arith.constant 0 : index
      %swap3A_68 = arith.constant 0 : index
      %swap3A_69 = vector.load %arg8[%swap3A_66, %swap3A_67, %swap3A_68] : memref<1x8x256xf32, #tpu.memory_space<vmem>>, vector<1x8x256xf32>
      tpu.vector_store %arg8[%swap3A_66, %swap3A_67, %swap3A_68], %broadcast_in_dim3A_65 {strides = array<i32>} : memref<1x8x256xf32, #tpu.memory_space<vmem>>, vector<1x8x256xf32>,
    } else {
    }
    %get3A_34 = arith.constant 0 : index
    %get3A_35 = arith.constant 0 : index
    %get3A_36 = arith.constant 0 : index
    %get3A_37 = vector.load %arg7[%get3A_34, %get3A_35, %get3A_36] : memref<1x8x256xf32, #tpu.memory_space<vmem>>, vector<1x1x256xf32>
    %get3A_38 = vector.shape_cast %get3A_37 : vector<1x1x256xf32> to vector<256xf32>
    %add3A_39 = arith.addf %get3A_38, %reduce_sum3A_29 : vector<256xf32>
    %swap3A_40 = arith.constant 0 : index
    %swap3A_41 = arith.constant 0 : index
    %swap3A_42 = arith.constant 0 : index
    %swap3A_43 = vector.load %arg7[%swap3A_40, %swap3A_41, %swap3A_42] : memref<1x8x256xf32, #tpu.memory_space<vmem>>, vector<1x1x256xf32>
    %swap3A_44 = vector.shape_cast %swap3A_43 : vector<1x1x256xf32> to vector<256xf32>
    %swap3A_45 = vector.shape_cast %add3A_39 : vector<256xf32> to vector<1x1x256xf32>
    tpu.vector_store %arg7[%swap3A_40, %swap3A_41, %swap3A_42], %swap3A_45 {strides = array<i32>} : memref<1x8x256xf32, #tpu.memory_space<vmem>>, vector<1x1x256xf32>,
    %get3A_46 = arith.constant 0 : index
    %get3A_47 = arith.constant 0 : index
    %get3A_48 = arith.constant 0 : index
    %get3A_49 = vector.load %arg8[%get3A_46, %get3A_47, %get3A_48] : memref<1x8x256xf32, #tpu.memory_space<vmem>>, vector<1x1x256xf32>
    %get3A_50 = vector.shape_cast %get3A_49 : vector<1x1x256xf32> to vector<256xf32>
    %add3A_51 = arith.addf %get3A_50, %reduce_sum3A_31 : vector<256xf32>
    %swap3A_52 = arith.constant 0 : index
    %swap3A_53 = arith.constant 0 : index
    %swap3A_54 = arith.constant 0 : index
    %swap3A_55 = vector.load %arg8[%swap3A_52, %swap3A_53, %swap3A_54] : memref<1x8x256xf32, #tpu.memory_space<vmem>>, vector<1x1x256xf32>
    %swap3A_56 = vector.shape_cast %swap3A_55 : vector<1x1x256xf32> to vector<256xf32>
    %swap3A_57 = vector.shape_cast %add3A_51 : vector<256xf32> to vector<1x1x256xf32>
    tpu.vector_store %arg8[%swap3A_52, %swap3A_53, %swap3A_54], %swap3A_57 {strides = array<i32>} : memref<1x8x256xf32, #tpu.memory_space<vmem>>, vector<1x1x256xf32>,
    return
  }
  func.func @transform_0(%arg0: i32, %arg1: i32) -> (i32, i32, i32, i32) {
    %c0_i32 = arith.constant 0 : i32
    %c0_i32_0 = arith.constant 0 : i32
    %c0_i32_1 = arith.constant 0 : i32
    return %arg0, %arg1, %c0_i32, %c0_i32_0 : i32, i32, i32, i32
  }
  func.func @transform_1(%arg0: i32, %arg1: i32) -> (i32, i32, i32) {
    %c0_i32 = arith.constant 0 : i32
    %c0_i32_0 = arith.constant 0 : i32
    return %arg0, %arg1, %c0_i32 : i32, i32, i32
  }
  func.func @transform_2(%arg0: i32, %arg1: i32) -> (i32, i32) {
    %c0_i32 = arith.constant 0 : i32
    %c0_i32_0 = arith.constant 0 : i32
    %c0_i32_1 = arith.constant 0 : i32
    return %c0_i32, %c0_i32_0 : i32, i32
  }
  func.func @transform_3(%arg0: i32, %arg1: i32) -> i32 {
    %c0_i32 = arith.constant 0 : i32
    %c0_i32_0 = arith.constant 0 : i32
    return %c0_i32 : i32
  }
  func.func @transform_4(%arg0: i32, %arg1: i32) -> (i32, i32, i32) {
    %c0_i32 = arith.constant 0 : i32
    %c0_i32_0 = arith.constant 0 : i32
    return %arg0, %arg1, %c0_i32 : i32, i32, i32
  }
  func.func @transform_5(%arg0: i32, %arg1: i32) -> (i32, i32, i32) {
    %c0_i32 = arith.constant 0 : i32
    %c0_i32_0 = arith.constant 0 : i32
    %c0_i32_1 = arith.constant 0 : i32
    return %arg0, %c0_i32, %c0_i32_0 : i32, i32, i32
  }
  func.func @transform_6(%arg0: i32, %arg1: i32) -> (i32, i32, i32) {
    %c0_i32 = arith.constant 0 : i32
    %c0_i32_0 = arith.constant 0 : i32
    %c0_i32_1 = arith.constant 0 : i32
    return %arg0, %c0_i32, %c0_i32_0 : i32, i32, i32
  }
}

module attributes {stable_mosaic.version = 14 : i64} {
  func.func @_final_kernel(%arg0: memref<8x512x1024xf32, #tpu.memory_space<vmem>>, %arg1: memref<1024x512xf32, #tpu.memory_space<vmem>>, %arg2: memref<1024xf32, #tpu.memory_space<vmem>>, %arg3: memref<8x1024xf32, #tpu.memory_space<vmem>>) attributes {dimension_semantics = [], scalar_prefetch = 0 : i64, scratch_operands = 0 : i64, tpu.core_type = #tpu.core_type<tc>} {
    %get3A = arith.constant 0 : index
    %get3A_0 = arith.constant 0 : index
    %get3A_1 = arith.constant 0 : index
    %get3A_2 = vector.load %arg0[%get3A, %get3A_0, %get3A_1] : memref<8x512x1024xf32, #tpu.memory_space<vmem>>, vector<1x512x1024xf32>
    %get3A_3 = vector.shape_cast %get3A_2 : vector<1x512x1024xf32> to vector<512x1024xf32>
    %get3A_4 = arith.constant 0 : index
    %get3A_5 = arith.constant 0 : index
    %get3A_6 = vector.load %arg1[%get3A_4, %get3A_5] : memref<1024x512xf32, #tpu.memory_space<vmem>>, vector<1024x512xf32>
    %dot_general3A = arith.constant dense<0.000000e+00> : vector<1024x1024xf32>
    %dot_general3A_7 = tpu.matmul %get3A_6, %get3A_3, %dot_general3A {dimension_numbers = #tpu.dot_dimension_numbers<[1], [0], [0], [1], [0, 0, 1, 1], [], []>, transpose_lhs_hint = false} : vector<1024x512xf32>, vector<512x1024xf32>, vector<1024x1024xf32> -> vector<1024x1024xf32>
    %reduce_max3A = arith.constant dense<0xFF800000> : vector<1024xf32>
    %reduce_max3A_8 = vector.multi_reduction <maximumf>, %dot_general3A_7, %reduce_max3A [1] : vector<1024x1024xf32> to vector<1024xf32>
    %get3A_9 = arith.constant 0 : index
    %get3A_10 = vector.load %arg2[%get3A_9] : memref<1024xf32, #tpu.memory_space<vmem>>, vector<1024xf32>
    %add3A = arith.addf %reduce_max3A_8, %get3A_10 : vector<1024xf32>
    %swap3A = arith.constant 0 : index
    %swap3A_11 = arith.constant 0 : index
    %swap3A_12 = vector.load %arg3[%swap3A, %swap3A_11] : memref<8x1024xf32, #tpu.memory_space<vmem>>, vector<1x1024xf32>
    %swap3A_13 = vector.shape_cast %swap3A_12 : vector<1x1024xf32> to vector<1024xf32>
    %swap3A_14 = vector.shape_cast %add3A : vector<1024xf32> to vector<1x1024xf32>
    tpu.vector_store %arg3[%swap3A, %swap3A_11], %swap3A_14 {strides = array<i32>} : memref<8x1024xf32, #tpu.memory_space<vmem>>, vector<1x1024xf32>,
    %get3A_15 = arith.constant 1 : index
    %get3A_16 = arith.constant 0 : index
    %get3A_17 = arith.constant 0 : index
    %get3A_18 = vector.load %arg0[%get3A_15, %get3A_16, %get3A_17] : memref<8x512x1024xf32, #tpu.memory_space<vmem>>, vector<1x512x1024xf32>
    %get3A_19 = vector.shape_cast %get3A_18 : vector<1x512x1024xf32> to vector<512x1024xf32>
    %get3A_20 = arith.constant 0 : index
    %get3A_21 = arith.constant 0 : index
    %get3A_22 = vector.load %arg1[%get3A_20, %get3A_21] : memref<1024x512xf32, #tpu.memory_space<vmem>>, vector<1024x512xf32>
    %dot_general3A_23 = arith.constant dense<0.000000e+00> : vector<1024x1024xf32>
    %dot_general3A_24 = tpu.matmul %get3A_22, %get3A_19, %dot_general3A_23 {dimension_numbers = #tpu.dot_dimension_numbers<[1], [0], [0], [1], [0, 0, 1, 1], [], []>, transpose_lhs_hint = false} : vector<1024x512xf32>, vector<512x1024xf32>, vector<1024x1024xf32> -> vector<1024x1024xf32>
    %reduce_max3A_25 = arith.constant dense<0xFF800000> : vector<1024xf32>
    %reduce_max3A_26 = vector.multi_reduction <maximumf>, %dot_general3A_24, %reduce_max3A_25 [1] : vector<1024x1024xf32> to vector<1024xf32>
    %get3A_27 = arith.constant 0 : index
    %get3A_28 = vector.load %arg2[%get3A_27] : memref<1024xf32, #tpu.memory_space<vmem>>, vector<1024xf32>
    %add3A_29 = arith.addf %reduce_max3A_26, %get3A_28 : vector<1024xf32>
    %swap3A_30 = arith.constant 1 : index
    %swap3A_31 = arith.constant 0 : index
    %swap3A_32 = vector.load %arg3[%swap3A_30, %swap3A_31] : memref<8x1024xf32, #tpu.memory_space<vmem>>, vector<1x1024xf32>
    %swap3A_33 = vector.shape_cast %swap3A_32 : vector<1x1024xf32> to vector<1024xf32>
    %swap3A_34 = vector.shape_cast %add3A_29 : vector<1024xf32> to vector<1x1024xf32>
    tpu.vector_store %arg3[%swap3A_30, %swap3A_31], %swap3A_34 {strides = array<i32>} : memref<8x1024xf32, #tpu.memory_space<vmem>>, vector<1x1024xf32>,
    %get3A_35 = arith.constant 2 : index
    %get3A_36 = arith.constant 0 : index
    %get3A_37 = arith.constant 0 : index
    %get3A_38 = vector.load %arg0[%get3A_35, %get3A_36, %get3A_37] : memref<8x512x1024xf32, #tpu.memory_space<vmem>>, vector<1x512x1024xf32>
    %get3A_39 = vector.shape_cast %get3A_38 : vector<1x512x1024xf32> to vector<512x1024xf32>
    %get3A_40 = arith.constant 0 : index
    %get3A_41 = arith.constant 0 : index
    %get3A_42 = vector.load %arg1[%get3A_40, %get3A_41] : memref<1024x512xf32, #tpu.memory_space<vmem>>, vector<1024x512xf32>
    %dot_general3A_43 = arith.constant dense<0.000000e+00> : vector<1024x1024xf32>
    %dot_general3A_44 = tpu.matmul %get3A_42, %get3A_39, %dot_general3A_43 {dimension_numbers = #tpu.dot_dimension_numbers<[1], [0], [0], [1], [0, 0, 1, 1], [], []>, transpose_lhs_hint = false} : vector<1024x512xf32>, vector<512x1024xf32>, vector<1024x1024xf32> -> vector<1024x1024xf32>
    %reduce_max3A_45 = arith.constant dense<0xFF800000> : vector<1024xf32>
    %reduce_max3A_46 = vector.multi_reduction <maximumf>, %dot_general3A_44, %reduce_max3A_45 [1] : vector<1024x1024xf32> to vector<1024xf32>
    %get3A_47 = arith.constant 0 : index
    %get3A_48 = vector.load %arg2[%get3A_47] : memref<1024xf32, #tpu.memory_space<vmem>>, vector<1024xf32>
    %add3A_49 = arith.addf %reduce_max3A_46, %get3A_48 : vector<1024xf32>
    %swap3A_50 = arith.constant 2 : index
    %swap3A_51 = arith.constant 0 : index
    %swap3A_52 = vector.load %arg3[%swap3A_50, %swap3A_51] : memref<8x1024xf32, #tpu.memory_space<vmem>>, vector<1x1024xf32>
    %swap3A_53 = vector.shape_cast %swap3A_52 : vector<1x1024xf32> to vector<1024xf32>
    %swap3A_54 = vector.shape_cast %add3A_49 : vector<1024xf32> to vector<1x1024xf32>
    tpu.vector_store %arg3[%swap3A_50, %swap3A_51], %swap3A_54 {strides = array<i32>} : memref<8x1024xf32, #tpu.memory_space<vmem>>, vector<1x1024xf32>,
    %get3A_55 = arith.constant 3 : index
    %get3A_56 = arith.constant 0 : index
    %get3A_57 = arith.constant 0 : index
    %get3A_58 = vector.load %arg0[%get3A_55, %get3A_56, %get3A_57] : memref<8x512x1024xf32, #tpu.memory_space<vmem>>, vector<1x512x1024xf32>
    %get3A_59 = vector.shape_cast %get3A_58 : vector<1x512x1024xf32> to vector<512x1024xf32>
    %get3A_60 = arith.constant 0 : index
    %get3A_61 = arith.constant 0 : index
    %get3A_62 = vector.load %arg1[%get3A_60, %get3A_61] : memref<1024x512xf32, #tpu.memory_space<vmem>>, vector<1024x512xf32>
    %dot_general3A_63 = arith.constant dense<0.000000e+00> : vector<1024x1024xf32>
    %dot_general3A_64 = tpu.matmul %get3A_62, %get3A_59, %dot_general3A_63 {dimension_numbers = #tpu.dot_dimension_numbers<[1], [0], [0], [1], [0, 0, 1, 1], [], []>, transpose_lhs_hint = false} : vector<1024x512xf32>, vector<512x1024xf32>, vector<1024x1024xf32> -> vector<1024x1024xf32>
    %reduce_max3A_65 = arith.constant dense<0xFF800000> : vector<1024xf32>
    %reduce_max3A_66 = vector.multi_reduction <maximumf>, %dot_general3A_64, %reduce_max3A_65 [1] : vector<1024x1024xf32> to vector<1024xf32>
    %get3A_67 = arith.constant 0 : index
    %get3A_68 = vector.load %arg2[%get3A_67] : memref<1024xf32, #tpu.memory_space<vmem>>, vector<1024xf32>
    %add3A_69 = arith.addf %reduce_max3A_66, %get3A_68 : vector<1024xf32>
    %swap3A_70 = arith.constant 3 : index
    %swap3A_71 = arith.constant 0 : index
    %swap3A_72 = vector.load %arg3[%swap3A_70, %swap3A_71] : memref<8x1024xf32, #tpu.memory_space<vmem>>, vector<1x1024xf32>
    %swap3A_73 = vector.shape_cast %swap3A_72 : vector<1x1024xf32> to vector<1024xf32>
    %swap3A_74 = vector.shape_cast %add3A_69 : vector<1024xf32> to vector<1x1024xf32>
    tpu.vector_store %arg3[%swap3A_70, %swap3A_71], %swap3A_74 {strides = array<i32>} : memref<8x1024xf32, #tpu.memory_space<vmem>>, vector<1x1024xf32>,
    %get3A_75 = arith.constant 4 : index
    %get3A_76 = arith.constant 0 : index
    %get3A_77 = arith.constant 0 : index
    %get3A_78 = vector.load %arg0[%get3A_75, %get3A_76, %get3A_77] : memref<8x512x1024xf32, #tpu.memory_space<vmem>>, vector<1x512x1024xf32>
    %get3A_79 = vector.shape_cast %get3A_78 : vector<1x512x1024xf32> to vector<512x1024xf32>
    %get3A_80 = arith.constant 0 : index
    %get3A_81 = arith.constant 0 : index
    %get3A_82 = vector.load %arg1[%get3A_80, %get3A_81] : memref<1024x512xf32, #tpu.memory_space<vmem>>, vector<1024x512xf32>
    %dot_general3A_83 = arith.constant dense<0.000000e+00> : vector<1024x1024xf32>
    %dot_general3A_84 = tpu.matmul %get3A_82, %get3A_79, %dot_general3A_83 {dimension_numbers = #tpu.dot_dimension_numbers<[1], [0], [0], [1], [0, 0, 1, 1], [], []>, transpose_lhs_hint = false} : vector<1024x512xf32>, vector<512x1024xf32>, vector<1024x1024xf32> -> vector<1024x1024xf32>
    %reduce_max3A_85 = arith.constant dense<0xFF800000> : vector<1024xf32>
    %reduce_max3A_86 = vector.multi_reduction <maximumf>, %dot_general3A_84, %reduce_max3A_85 [1] : vector<1024x1024xf32> to vector<1024xf32>
    %get3A_87 = arith.constant 0 : index
    %get3A_88 = vector.load %arg2[%get3A_87] : memref<1024xf32, #tpu.memory_space<vmem>>, vector<1024xf32>
    %add3A_89 = arith.addf %reduce_max3A_86, %get3A_88 : vector<1024xf32>
    %swap3A_90 = arith.constant 4 : index
    %swap3A_91 = arith.constant 0 : index
    %swap3A_92 = vector.load %arg3[%swap3A_90, %swap3A_91] : memref<8x1024xf32, #tpu.memory_space<vmem>>, vector<1x1024xf32>
    %swap3A_93 = vector.shape_cast %swap3A_92 : vector<1x1024xf32> to vector<1024xf32>
    %swap3A_94 = vector.shape_cast %add3A_89 : vector<1024xf32> to vector<1x1024xf32>
    tpu.vector_store %arg3[%swap3A_90, %swap3A_91], %swap3A_94 {strides = array<i32>} : memref<8x1024xf32, #tpu.memory_space<vmem>>, vector<1x1024xf32>,
    %get3A_95 = arith.constant 5 : index
    %get3A_96 = arith.constant 0 : index
    %get3A_97 = arith.constant 0 : index
    %get3A_98 = vector.load %arg0[%get3A_95, %get3A_96, %get3A_97] : memref<8x512x1024xf32, #tpu.memory_space<vmem>>, vector<1x512x1024xf32>
    %get3A_99 = vector.shape_cast %get3A_98 : vector<1x512x1024xf32> to vector<512x1024xf32>
    %get3A_100 = arith.constant 0 : index
    %get3A_101 = arith.constant 0 : index
    %get3A_102 = vector.load %arg1[%get3A_100, %get3A_101] : memref<1024x512xf32, #tpu.memory_space<vmem>>, vector<1024x512xf32>
    %dot_general3A_103 = arith.constant dense<0.000000e+00> : vector<1024x1024xf32>
    %dot_general3A_104 = tpu.matmul %get3A_102, %get3A_99, %dot_general3A_103 {dimension_numbers = #tpu.dot_dimension_numbers<[1], [0], [0], [1], [0, 0, 1, 1], [], []>, transpose_lhs_hint = false} : vector<1024x512xf32>, vector<512x1024xf32>, vector<1024x1024xf32> -> vector<1024x1024xf32>
    %reduce_max3A_105 = arith.constant dense<0xFF800000> : vector<1024xf32>
    %reduce_max3A_106 = vector.multi_reduction <maximumf>, %dot_general3A_104, %reduce_max3A_105 [1] : vector<1024x1024xf32> to vector<1024xf32>
    %get3A_107 = arith.constant 0 : index
    %get3A_108 = vector.load %arg2[%get3A_107] : memref<1024xf32, #tpu.memory_space<vmem>>, vector<1024xf32>
    %add3A_109 = arith.addf %reduce_max3A_106, %get3A_108 : vector<1024xf32>
    %swap3A_110 = arith.constant 5 : index
    %swap3A_111 = arith.constant 0 : index
    %swap3A_112 = vector.load %arg3[%swap3A_110, %swap3A_111] : memref<8x1024xf32, #tpu.memory_space<vmem>>, vector<1x1024xf32>
    %swap3A_113 = vector.shape_cast %swap3A_112 : vector<1x1024xf32> to vector<1024xf32>
    %swap3A_114 = vector.shape_cast %add3A_109 : vector<1024xf32> to vector<1x1024xf32>
    tpu.vector_store %arg3[%swap3A_110, %swap3A_111], %swap3A_114 {strides = array<i32>} : memref<8x1024xf32, #tpu.memory_space<vmem>>, vector<1x1024xf32>,
    %get3A_115 = arith.constant 6 : index
    %get3A_116 = arith.constant 0 : index
    %get3A_117 = arith.constant 0 : index
    %get3A_118 = vector.load %arg0[%get3A_115, %get3A_116, %get3A_117] : memref<8x512x1024xf32, #tpu.memory_space<vmem>>, vector<1x512x1024xf32>
    %get3A_119 = vector.shape_cast %get3A_118 : vector<1x512x1024xf32> to vector<512x1024xf32>
    %get3A_120 = arith.constant 0 : index
    %get3A_121 = arith.constant 0 : index
    %get3A_122 = vector.load %arg1[%get3A_120, %get3A_121] : memref<1024x512xf32, #tpu.memory_space<vmem>>, vector<1024x512xf32>
    %dot_general3A_123 = arith.constant dense<0.000000e+00> : vector<1024x1024xf32>
    %dot_general3A_124 = tpu.matmul %get3A_122, %get3A_119, %dot_general3A_123 {dimension_numbers = #tpu.dot_dimension_numbers<[1], [0], [0], [1], [0, 0, 1, 1], [], []>, transpose_lhs_hint = false} : vector<1024x512xf32>, vector<512x1024xf32>, vector<1024x1024xf32> -> vector<1024x1024xf32>
    %reduce_max3A_125 = arith.constant dense<0xFF800000> : vector<1024xf32>
    %reduce_max3A_126 = vector.multi_reduction <maximumf>, %dot_general3A_124, %reduce_max3A_125 [1] : vector<1024x1024xf32> to vector<1024xf32>
    %get3A_127 = arith.constant 0 : index
    %get3A_128 = vector.load %arg2[%get3A_127] : memref<1024xf32, #tpu.memory_space<vmem>>, vector<1024xf32>
    %add3A_129 = arith.addf %reduce_max3A_126, %get3A_128 : vector<1024xf32>
    %swap3A_130 = arith.constant 6 : index
    %swap3A_131 = arith.constant 0 : index
    %swap3A_132 = vector.load %arg3[%swap3A_130, %swap3A_131] : memref<8x1024xf32, #tpu.memory_space<vmem>>, vector<1x1024xf32>
    %swap3A_133 = vector.shape_cast %swap3A_132 : vector<1x1024xf32> to vector<1024xf32>
    %swap3A_134 = vector.shape_cast %add3A_129 : vector<1024xf32> to vector<1x1024xf32>
    tpu.vector_store %arg3[%swap3A_130, %swap3A_131], %swap3A_134 {strides = array<i32>} : memref<8x1024xf32, #tpu.memory_space<vmem>>, vector<1x1024xf32>,
    %get3A_135 = arith.constant 7 : index
    %get3A_136 = arith.constant 0 : index
    %get3A_137 = arith.constant 0 : index
    %get3A_138 = vector.load %arg0[%get3A_135, %get3A_136, %get3A_137] : memref<8x512x1024xf32, #tpu.memory_space<vmem>>, vector<1x512x1024xf32>
    %get3A_139 = vector.shape_cast %get3A_138 : vector<1x512x1024xf32> to vector<512x1024xf32>
    %get3A_140 = arith.constant 0 : index
    %get3A_141 = arith.constant 0 : index
    %get3A_142 = vector.load %arg1[%get3A_140, %get3A_141] : memref<1024x512xf32, #tpu.memory_space<vmem>>, vector<1024x512xf32>
    %dot_general3A_143 = arith.constant dense<0.000000e+00> : vector<1024x1024xf32>
    %dot_general3A_144 = tpu.matmul %get3A_142, %get3A_139, %dot_general3A_143 {dimension_numbers = #tpu.dot_dimension_numbers<[1], [0], [0], [1], [0, 0, 1, 1], [], []>, transpose_lhs_hint = false} : vector<1024x512xf32>, vector<512x1024xf32>, vector<1024x1024xf32> -> vector<1024x1024xf32>
    %reduce_max3A_145 = arith.constant dense<0xFF800000> : vector<1024xf32>
    %reduce_max3A_146 = vector.multi_reduction <maximumf>, %dot_general3A_144, %reduce_max3A_145 [1] : vector<1024x1024xf32> to vector<1024xf32>
    %get3A_147 = arith.constant 0 : index
    %get3A_148 = vector.load %arg2[%get3A_147] : memref<1024xf32, #tpu.memory_space<vmem>>, vector<1024xf32>
    %add3A_149 = arith.addf %reduce_max3A_146, %get3A_148 : vector<1024xf32>
    %swap3A_150 = arith.constant 7 : index
    %swap3A_151 = arith.constant 0 : index
    %swap3A_152 = vector.load %arg3[%swap3A_150, %swap3A_151] : memref<8x1024xf32, #tpu.memory_space<vmem>>, vector<1x1024xf32>
    %swap3A_153 = vector.shape_cast %swap3A_152 : vector<1x1024xf32> to vector<1024xf32>
    %swap3A_154 = vector.shape_cast %add3A_149 : vector<1024xf32> to vector<1x1024xf32>
    tpu.vector_store %arg3[%swap3A_150, %swap3A_151], %swap3A_154 {strides = array<i32>} : memref<8x1024xf32, #tpu.memory_space<vmem>>, vector<1x1024xf32>,
    return
  }
}

</mosaic_0001>

<sc_bundles>
// kernel: kernel.15.cloned.1.call-start
scs
__scs_entry_jumppad:
0x0: {  	(pc) =	sbr.rel $0x88, $3  }
0x1: {  	(tag) =	ssettag $0x0;
	lr =	simm.s32 $0x1  }
0x2: {  	[smem:$0x3F96] =	sst lr;
	_ =	strace $0xD0000000  }
0x3: {  	_ = 	snop  }
0x4: {  	_ = 	snop  }
0x5: {  	_ = 	snop  }
0x6: {  	_ = 	snop  }
0x7: {  	_ = 	snop  }
__scs_overlays_trampoline_lowered:
0x8: {  	[smem:$0x3FA5] =	sst s0  }
0x9: {  	[smem:$0x3FA6] =	sst s1  }
0xa: {  	[smem:$0x3FA7] =	sst s2  }
0xb: {  	[smem:$0x3FA8] =	sst s3  }
0xc: {  	[smem:$0x3FA9] =	sst s4  }
0xd: {  	[smem:$0x3FAA] =	sst s5  }
0xe: {  	[smem:$0x3FAB] =	sst s6  }
0xf: {  	[smem:$0x3FAC] =	sst s7  }
0x10: {  	[smem:$0x3FAD] =	sst s8  }
0x11: {  	[smem:$0x3FAE] =	sst s9;
	s0 =	simm.s32 @!p0 $0x0  }
0x12: {  	s1 =	sld [smem:$0x3F94];
	s0 =	simm.s32 @p0 $0x1  }
0x13: {  	[smem:$0x3FAF] =	sst s0;
	s0 =	simm.s32 @!p1 $0x0  }
0x14: {  	s2 =	sld [smem:$0x3F93];
	s0 =	simm.s32 @p1 $0x1  }
0x15: {  	[smem:$0x3FB0] =	sst s0;
	s0 =	simm.s32 @!p2 $0x0  }
0x16: {  	s3 =	sld [smem:$0x3FDB];
	s0 =	simm.s32 @p2 $0x1  }
0x17: {  	s4 =	simm.s32 $0x1BF5;
	[smem:$0x3FB2] =	sst s0  }
0x18: {  	s0 =	sld [smem:$0x3F95];
	_ =	swait.ge [sflag:s4], $0x0  }
0x19: {  	s7 =	sld [smem:$0x3F96]  }
0x1a: {  	s8 =	sadd.s32 $0xFFFFE003, lr  }
0x1b: {  	s9 =	sadd.s32 $0xFFFFFEF7, lr;
	s5 =	simm.s32 $0xFFFFFFFF;
	p2 =	slt.u32 s8, $0xFFFFF086  }
0x1c: {  	p1 =	slt.u32 s9, $0xF7A;
	s5 =	simm.s32 @!p2 $0x0  }
0x1d: {  	s5 =	simm.s32 @p1 $0x1;
	p0 =	seq.s32 s7, s2  }
0x1e: {  	s7 =	smul.u32 @!p0 $0xF7A, s2;
	p2 =	seq.s32 @!p0 s5, $0x0  }
0x1f: {  	s9 =	smul.u32 $0xF7A, s1;
	s8 =	simm.s32 @!p0 $0x1BF5;
	p2 =	por !p2, p0  }
0x20: {  	[sflag:s8] =	ssyncset.s32 @!p0 $0xFFFFF086;
	s6 =	sadd.s32 @!p0 s3, s7;
	s7 =	simm.s32 @!p0 $0x108  }
0x21: {  	s3 =	sadd.s32 s3, s9;
	s6 =	sadd.s32 @!p0 $0x88, s6;
	s7 =	simm.s32 @p2 $0x1082  }
0x22: {  	[simem:s7], [sflag:s8] =	dma.local @!p0 [hbm:s6], $0xF7A  }
0x23: {  	s9 =	sor.u32 $0xD0000000, s2;
	s6 =	simm.s32 $0x108;
	_ =	swait.ge @!p0 [sflag:s8], $0x0  }
0x24: {  	s3 =	sadd.s32 $0x88, s3;
	s6 =	simm.s32 @!p1 $0x1082;
	[sflag:s4] =	ssyncset.s32 $0xFFFFF086  }
0x25: {  	[simem:s6], [sflag:s4] =	dma.local [hbm:s3], $0xF7A  }
0x26: {  	[smem:$0x3F96] =	sst s1;
	(tag) =	ssettag s2;
	_ =	strace s9  }
0x27: {  	s1 =	sld [smem:$0x3FA6]  }
0x28: {  	s2 =	sld [smem:$0x3FA7]  }
0x29: {  	s4 =	sld [smem:$0x3FA9]  }
0x2a: {  	p0 =	seq.s32 s5, $0x0;
	s5 =	sld [smem:$0x3FAA]  }
0x2b: {  	s6 =	sld [smem:$0x3FAB]  }
0x2c: {  	s7 =	sld [smem:$0x3FAC]  }
0x2d: {  	s3 =	simm.s32 $0x108;
	s8 =	sld [smem:$0x3FAD]  }
0x2e: {  	s3 =	simm.s32 @!p0 $0x1082;
	s9 =	sld [smem:$0x3FAE]  }
0x2f: {  	lr =	sadd.s32 s0, s3;
	s0 =	sld [smem:$0x3FA5]  }
0x30: {  	s3 =	sld [smem:$0x3FA8]  }
0x31: {  	[smem:$0x3FB1] =	sst s10  }
0x32: {  	s10 =	sld [smem:$0x3FAF];
	_ =	sdelay $0x3  }
0x33: {  	p0 =	seq.s32 s10, $0x1;
	s10 =	sld [smem:$0x3FB1];
	_ =	sdelay $0x3  }
0x34: {  	[smem:$0x3FB1] =	sst s10  }
0x35: {  	s10 =	sld [smem:$0x3FB0];
	_ =	sdelay $0x3  }
0x36: {  	p1 =	seq.s32 s10, $0x1;
	s10 =	sld [smem:$0x3FB1];
	_ =	sdelay $0x3  }
0x37: {  	[smem:$0x3FB1] =	sst s10  }
0x38: {  	s10 =	sld [smem:$0x3FB2]  }
0x39: {  	_ = 	snop;
	(pc) =	sbr.ind lr, $3  }
0x3a: {  	_ = 	snop  }
0x3b: {  	_ = 	snop  }
0x3c: {  	p2 =	seq.s32 s10, $0x1;
	s10 =	sld [smem:$0x3FB1]  }
0x3d: {  	_ =	shalt  }
0x3e: {  	_ =	shalt  }
0x3f: {  	_ =	shalt  }
0x40: {  	_ =	shalt  }
0x41: {  	_ =	shalt  }
0x42: {  	_ =	shalt  }
0x43: {  	_ =	shalt  }
0x44: {  	_ =	shalt  }
0x45: {  	_ =	shalt  }
0x46: {  	_ =	shalt  }
0x47: {  	_ =	shalt  }
0x48: {  	_ =	shalt  }
0x49: {  	_ =	shalt  }
0x4a: {  	_ =	shalt  }
0x4b: {  	_ =	shalt  }
0x4c: {  	_ =	shalt  }
0x4d: {  	_ =	shalt  }
0x4e: {  	_ =	shalt  }
0x4f: {  	_ =	shalt  }
0x50: {  	_ =	shalt  }
0x51: {  	_ =	shalt  }
0x52: {  	_ =	shalt  }
0x53: {  	_ =	shalt  }
0x54: {  	_ =	shalt  }
0x55: {  	_ =	shalt  }
0x56: {  	_ =	shalt  }
0x57: {  	_ =	shalt  }
0x58: {  	_ =	shalt  }
0x59: {  	_ =	shalt  }
0x5a: {  	_ =	shalt  }
0x5b: {  	_ =	shalt  }
0x5c: {  	_ =	shalt  }
0x5d: {  	_ =	shalt  }
0x5e: {  	_ =	shalt  }
0x5f: {  	_ =	shalt  }
0x60: {  	_ =	shalt  }
0x61: {  	_ =	shalt  }
0x62: {  	_ =	shalt  }
0x63: {  	_ =	shalt  }
0x64: {  	_ =	shalt  }
0x65: {  	_ =	shalt  }
0x66: {  	_ =	shalt  }
0x67: {  	_ =	shalt  }
0x68: {  	_ =	shalt  }
0x69: {  	_ =	shalt  }
0x6a: {  	_ =	shalt  }
0x6b: {  	_ =	shalt  }
0x6c: {  	_ =	shalt  }
0x6d: {  	_ =	shalt  }
0x6e: {  	_ =	shalt  }
0x6f: {  	_ =	shalt  }
0x70: {  	_ =	shalt  }
0x71: {  	_ =	shalt  }
0x72: {  	_ =	shalt  }
0x73: {  	_ =	shalt  }
0x74: {  	_ =	shalt  }
0x75: {  	_ =	shalt  }
0x76: {  	_ =	shalt  }
0x77: {  	_ =	shalt  }
0x78: {  	_ =	shalt  }
0x79: {  	_ =	shalt  }
0x7a: {  	_ =	shalt  }
0x7b: {  	_ =	shalt  }
0x7c: {  	_ =	shalt  }
0x7d: {  	_ =	shalt  }
0x7e: {  	_ =	shalt  }
0x7f: {  	_ =	shalt  }
0x80: {  	_ =	shalt  }
0x81: {  	_ =	shalt  }
0x82: {  	_ =	shalt  }
0x83: {  	_ =	shalt  }
0x84: {  	_ =	shalt  }
0x85: {  	_ =	shalt  }
0x86: {  	_ =	shalt  }
0x87: {  	_ =	shalt  }
.Lfunc_end0:
.L_simem_size_0:
called_computation_lowered:
.L_overlay_start_0:
0x88: {  	s2 =	sld [smem:$0x3FD9]  }
0x89: {  	s3 =	sld [smem:$0x3FFE];
	_ =	sdelay $0x1  }
0x8a: {  	s1 =	srdreg.scid  }
0x8b: {  	s0 =	sand.u32 $0x1, s1  }
0x8c: {  	s16 =	sshll.u32 s0, $0xA;
	s2 =	sadd.s32 s3, s2  }
0x8d: {  	s2 =	sadd.s32 s2, s16  }
0x8e: {  	[smem:$0x3FBD] =	sst s2  }
0x8f: {  	_ = 	snop  }
0x90: {  	(tm) =	ssettm $0x1  }
0x91: {  	s17 =	sld [smem:$0x3FFB];
	_ =	sdelay $0x3  }
0x92: {  	_ =	strace s17  }
0x93: {  	s2 =	sld [smem:$0x3FFC];
	_ =	sdelay $0x3  }
0x94: {  	_ =	strace s2  }
0x95: {  	s2 =	sld [smem:$0x3FFD];
	_ =	sdelay $0x3  }
0x96: {  	_ =	strace s2  }
0x97: {  	_ =	strace $0x8FFFFFFF  }
0x98: {  	s18 =	sld [smem:$0x3FDB];
	_ =	sdelay $0x1  }
0x99: {  	s19 =	simm.s32 $_scs_section_size  }
0x9a: {  	s4 =	simm.s32 $_size__tile_overlayer_lowered;
	s5 =	simm.s32 $_tile_overlayer_lowered  }
0x9b: {  	s22 =	simm.s32 $0x1BFF;
	s21 =	sshll.u32 s5, $0x1;
	s2 =	sadd.s32 s19, s18  }
0x9c: {  	s6 =	simm.s32 $0x0;
	s20 =	sshll.u32 s4, $0x1;
	s4 =	sadd.s32 s21, s2  }
0x9d: {  	[timem:s6], [sflag:s22] =	dma.local [hbm:s4], s20  }
0x9e: {  	_ =	swait.ge [sflag:s22], s20  }
0x9f: {  	s3 =	ssub.s32 $0x0, s20;
	[sflag:s22] =	ssyncset.done $0x0  }
0xa0: {  	[sflag:s22] =	ssyncadd.s32 s3;
	_ =	sdelay $0x1  }
0xa1: {  	s23 =	simm.s32 $0x1B8B  }
0xa2: {  	_ =	swait.ge [sflag:s23], $0x1  }
0xa3: {  	[sflag:s23] =	ssyncset.done $0x0  }
0xa4: {  	s25 =	simm.s32 $0x1B8E;
	s24 =	sld [smem:$0x3FFE];
	[sflag:s23] =	ssyncadd.s32 $0xFFFFFFFF  }
0xa5: {  	s26 =	simm.s32 $execute0_lowered;
	[smem:$0x3FD2] =	sst s25  }
0xa6: {  	s4 =	sshll.u32 s26, $0x1;
	_ =	strace $0x80000046;
	[dreg:$0x1] =	wrdreg $0xFFFFFFFF  }
0xa7: {  	s28 =	simm.s32 $_size_execute0_lowered;
	s2 =	sadd.s32 s2, s4;
	[dreg:$0x0] =	wrdreg $0x0  }
0xa8: {  	s4 =	sshll.u32 s28, $0x1;
	[dreg:$0x2] =	wrdreg s2  }
0xa9: {  	[dreg:$0x3] =	wrdreg s4  }
0xaa: {  	[dreg:$0x4] =	wrdreg $0xC0  }
0xab: {  	_ =	task [dreg:s6], $0x5FFFF  }
0xac: {  	[dreg:$0x1] =	wrdreg $0xFFFFFFFF  }
0xad: {  	[dreg:$0x0] =	wrdreg $0x60  }
0xae: {  	[dreg:$0x2] =	wrdreg s24  }
0xaf: {  	[dreg:$0x3] =	wrdreg $0x9  }
0xb0: {  	_ =	task.clear_ibuf [dreg:s6], $0x4FFFF;
	_ =	strace $0x90000046  }
0xb1: {  	s29 =	simm.s32 $0x9;
	_ =	strace $0x80000048  }
0xb2: {  	_ =	swait.ge [sflag:s29], $0x1  }
0xb3: {  	[sflag:s29] =	ssyncadd.s32 $0xFFFFFFFF  }
0xb4: {  	_ =	strace $0x90000048  }
0xb5: {  	_ =	sfence  }
0xb6: {  	s30 =	sld [smem:$0x0];
	_ =	sdelay $0x2  }
0xb7: {  	s31 =	sshll.u32 s1, $0xD;
	s1 =	sshrl.u32 s1, $0x2  }
0xb8: {  	s3 =	sand.u32 $0x4000, s31;
	s1 =	sadd.s32 s1, s30  }
0xb9: {  	s0 =	sor.u32 s3, s0;
	s1 =	sshll.u32 s1, $0x11  }
0xba: {  	s0 =	sor.u32 s1, s0  }
0xbb: {  	s0 =	sadd.s32 $0x8F2B, s0  }
0xbc: {  	[sflag:s0] =	ssyncadd.remote.s32 $0x1  }
0xbd: {  	_ =	sfence.sel $0xFFFF  }
0xbe: {  	[dreg:$0x0] =	wrdreg $0xFFFFFFFF;
	(pc) =	sbr.abs _section_cstart, $3  }
0xbf: {  	[dreg:$0x1] =	wrdreg $0xFFFFFFFF  }
0xc0: {  	_ =	task.clear_ibuf [dreg:s6], $0x2FFFF;
	_ =	strace $0x9FFFFFFF  }
0xc1: {  	(tm) =	ssettm $0x7FFFFFFF  }
tec
execute0_lowered:
.L_overlay_start_1:
0x0: {  	(tag) =	ssettag $0x1  }
0x1: {  	s1 =	srdreg.scid  }
0x2: {  	s0 =	stileid.u32;
	s4 =	rddreg [dreg:$0x0];
	s2 =	simm.s32 $0x0  }
0x3: {  	s11 =	simm.s32 $0x0;
	s5 =	sand.u32 $0x1, s1;
	s1 =	rddreg [dreg:$0x1]  }
0x4: {  	s3 =	sshll.u32 s0, $0x1;
	[smem:$0x7FF] =	sst s2;
	s7 =	smul.u32 $0x28000, s0  }
0x5: {  	s3 =	sor.u32 s5, s3;
	_ =	strace $0x80000047;
	s10 =	smul.u32 $0x14000, s5  }
0x6: {  	s8 =	ssub.s32 $0x2, s5;
	s6 =	smul.u32 $0x280, s3;
	s3 =	sadd.s32 $0x6800, s4  }
0x7: {  	s9 =	sshrl.u32 s8, $0x1;
	s30 =	sadd.s32 s7, s4;
	s7 =	simm.s32 $0x2  }
0x8: {  	s31 =	ssub.s32 s8, s9;
	s8 =	simm.s32 $0x50;
	s9 =	simm.s32 $0x1400  }
0x9: {  	s29 =	sadd.s32 s6, s4;
	s5 =	smax.u32 s31, $0x1;
	s6 =	sadd.s32 s10, s30  }
0xa: {  	s10 =	simm.s32 $0x1;
	s4 =	sadd.s32 $0x1800, s29;
	s6 =	sadd.s32 $0x26800, s6  }
.LBB2_1:
0xb: {  	[tilespmem:s2], [sflag:$0x2] =	stream.linear.gather [hbm4b:s4+s2], $0x1400, $0x38;
	[tilespmem:$0x3C00] =	vst v63  }
0xc: {  	_ =	swait.ge [sflag:s7], $0x1400  }
0xd: {  	[sflag:s7] =	ssyncset.done $0x0  }
0xe: {  	s12 =	simm.s32 $0x0;
	[sflag:s7] =	ssyncadd.s32 $0xFFFFEC00  }
0xf: {  	[tilespmem:s9], [sflag:$0x1] =	stream.indirect.gather [hbm4b:s3+s8], $0x80, s12, s8, $0xb8;
	[tilespmem:$0x3C00] =	vst v63  }
0x10: {  	_ =	swait.ge [sflag:s10], $0x2800  }
0x11: {  	[sflag:s10] =	ssyncset.done $0x0  }
0x12: {  	[sflag:s10] =	ssyncadd.s32 $0xFFFFD800  }
0x13: {  	[hbm4b:s6+s2] =	stream.linear.scatter [tilespmem:s9], [sflag:$0x2], $0x2800, $0x38;
	[tilespmem:$0x3C00] =	vst v63  }
0x14: {  	s13 =	simm.s32 $0x140;
	_ =	swait.ge [sflag:s7], $0x2800  }
0x15: {  	s14 =	simm.s32 $0x280;
	s12 =	sadd.s32 $0x500, s6;
	[sflag:s7] =	ssyncset.done $0x0  }
.LBB2_2:
0x16: {  	s15 =	sshra.s32 s13, $0x2  }
0x17: {  	[sflag:s7] =	ssyncadd.s32 $0xFFFFD800;
	s13 =	smov.u32 s14;
	s16 =	sadd.s32 $0x140, s14  }
0x18: {  	[tilespmem:s9], [sflag:$0x1] =	stream.indirect.gather [hbm4b:s3+s8], $0x80, s15, s8, $0xb8;
	[tilespmem:$0x3C00] =	vst v63  }
0x19: {  	p0 =	sne.s32 s14, $0x4EC0;
	_ =	swait.ge [sflag:s10], $0x2800  }
.Ltmp0:
0x1a: {  	[sflag:s10] =	ssyncset.done $0x0;
	(pc) =	sbr.rel @p0 .LBB2_2-.Ltmp0, $4  }
0x1b: {  	[sflag:s10] =	ssyncadd.s32 $0xFFFFD800  }
0x1c: {  	[hbm4b:s12+s2] =	stream.linear.scatter [tilespmem:s9], [sflag:$0x2], $0x2800, $0x38;
	[tilespmem:$0x3C00] =	vst v63  }
0x1d: {  	_ =	swait.ge [sflag:s7], $0x2800  }
0x1e: {  	s14 =	smov.u32 s16;
	s12 =	sadd.s32 $0x500, s12;
	[sflag:s7] =	ssyncset.done $0x0  }
0x1f: {  	s13 =	sshra.s32 s13, $0x2;
	[sflag:s7] =	ssyncadd.s32 $0xFFFFD800  }
0x20: {  	[tilespmem:s9], [sflag:$0x1] =	stream.indirect.gather [hbm4b:s3+s8], $0x80, s13, s8, $0xb8;
	[tilespmem:$0x3C00] =	vst v63  }
0x21: {  	s11 =	sadd.s32 $0x1, s11;
	_ =	swait.ge [sflag:s10], $0x2800  }
0x22: {  	p0 =	sne.s32 s11, s5;
	[sflag:s10] =	ssyncset.done $0x0  }
.Ltmp1:
0x23: {  	[sflag:s10] =	ssyncadd.s32 $0xFFFFD800;
	(pc) =	sbr.rel @p0 .LBB2_1-.Ltmp1, $4  }
0x24: {  	[hbm4b:s12+s2] =	stream.linear.scatter [tilespmem:s9], [sflag:$0x2], $0x2800, $0x38;
	[tilespmem:$0x3C00] =	vst v63  }
0x25: {  	_ =	swait.ge [sflag:s7], $0x2800  }
0x26: {  	[sflag:s7] =	ssyncset.done $0x0  }
0x27: {  	[sflag:s7] =	ssyncadd.s32 $0xFFFFD800  }
0x28: {  	_ =	sfence.sel $0x180000  }
0x29: {  	[bflag:$0x0] =	sbarrier.arrive $0xFFFF  }
0x2a: {  	p0 =	sne.s32 s0, $0x0;
	_ =	strace $0x90000047  }
0x2b: {  	s0 =	sadd.s32 @!p0 $0x100000, s1;
	[bflag:$0x2] =	sbarrier.arrive $0xFFFF  }
0x2c: {  	[sflag:s0] =	ssyncadd.tile.s32 @!p0 $0x1;
	_ =	shalt  }
.Lfunc_end2:
_tile_overlayer_lowered:
.L_overlay_start_2:
0x2d: {  	(tag) =	ssettag $0x2  }
0x2e: {  	s0 =	rddreg [dreg:$0x0];
	s2 =	stileid.u32  }
0x2f: {  	s1 =	rddreg [dreg:$0x1];
	p0 =	sne.s32 s2, $0x0  }
0x30: {  	s3 =	rddreg [dreg:$0x2];
	[bflag:$0x3] =	sbarrier.arrive $0xFFFF;
	s2 =	simm.s32 @!p0 $0x1C02  }
0x31: {  	[timem:s3], [sflag:s2] =	dma.local @!p0 [hbm:s0], s1  }
0x32: {  	s0 =	simm.s32 @!p0 $0x2  }
0x33: {  	_ =	swait.ge @!p0 [sflag:s0], s1  }
0x34: {  	s1 =	ssub.s32 @!p0 $0x0, s1;
	[sflag:s0] =	ssyncset.done @!p0 $0x0  }
0x35: {  	[sflag:s0] =	ssyncadd.s32 @!p0 s1  }
0x36: {  	[bflag:$0x3] =	sbarrier.arrive $0xFFFF  }
0x37: {  	_ =	shalt  }

// kernel: kernel.18.cloned.1.call-start
scs
__scs_entry_jumppad:
0x0: {  	(pc) =	sbr.rel $0x88, $3  }
0x1: {  	(tag) =	ssettag $0x0;
	lr =	simm.s32 $0x1  }
0x2: {  	[smem:$0x3F96] =	sst lr;
	_ =	strace $0xD0000000  }
0x3: {  	_ = 	snop  }
0x4: {  	_ = 	snop  }
0x5: {  	_ = 	snop  }
0x6: {  	_ = 	snop  }
0x7: {  	_ = 	snop  }
__scs_overlays_trampoline_lowered:
0x8: {  	[smem:$0x3FA5] =	sst s0  }
0x9: {  	[smem:$0x3FA6] =	sst s1  }
0xa: {  	[smem:$0x3FA7] =	sst s2  }
0xb: {  	[smem:$0x3FA8] =	sst s3  }
0xc: {  	[smem:$0x3FA9] =	sst s4  }
0xd: {  	[smem:$0x3FAA] =	sst s5  }
0xe: {  	[smem:$0x3FAB] =	sst s6  }
0xf: {  	[smem:$0x3FAC] =	sst s7  }
0x10: {  	[smem:$0x3FAD] =	sst s8  }
0x11: {  	[smem:$0x3FAE] =	sst s9;
	s0 =	simm.s32 @!p0 $0x0  }
0x12: {  	s1 =	sld [smem:$0x3F94];
	s0 =	simm.s32 @p0 $0x1  }
0x13: {  	[smem:$0x3FAF] =	sst s0;
	s0 =	simm.s32 @!p1 $0x0  }
0x14: {  	s2 =	sld [smem:$0x3F93];
	s0 =	simm.s32 @p1 $0x1  }
0x15: {  	[smem:$0x3FB0] =	sst s0;
	s0 =	simm.s32 @!p2 $0x0  }
0x16: {  	s3 =	sld [smem:$0x3FDB];
	s0 =	simm.s32 @p2 $0x1  }
0x17: {  	s4 =	simm.s32 $0x1BF5;
	[smem:$0x3FB2] =	sst s0  }
0x18: {  	s0 =	sld [smem:$0x3F95];
	_ =	swait.ge [sflag:s4], $0x0  }
0x19: {  	s7 =	sld [smem:$0x3F96]  }
0x1a: {  	s8 =	sadd.s32 $0xFFFFE003, lr  }
0x1b: {  	s9 =	sadd.s32 $0xFFFFFEF7, lr;
	s5 =	simm.s32 $0xFFFFFFFF;
	p2 =	slt.u32 s8, $0xFFFFF086  }
0x1c: {  	p1 =	slt.u32 s9, $0xF7A;
	s5 =	simm.s32 @!p2 $0x0  }
0x1d: {  	s5 =	simm.s32 @p1 $0x1;
	p0 =	seq.s32 s7, s2  }
0x1e: {  	s7 =	smul.u32 @!p0 $0xF7A, s2;
	p2 =	seq.s32 @!p0 s5, $0x0  }
0x1f: {  	s9 =	smul.u32 $0xF7A, s1;
	s8 =	simm.s32 @!p0 $0x1BF5;
	p2 =	por !p2, p0  }
0x20: {  	[sflag:s8] =	ssyncset.s32 @!p0 $0xFFFFF086;
	s6 =	sadd.s32 @!p0 s3, s7;
	s7 =	simm.s32 @!p0 $0x108  }
0x21: {  	s3 =	sadd.s32 s3, s9;
	s6 =	sadd.s32 @!p0 $0x88, s6;
	s7 =	simm.s32 @p2 $0x1082  }
0x22: {  	[simem:s7], [sflag:s8] =	dma.local @!p0 [hbm:s6], $0xF7A  }
0x23: {  	s9 =	sor.u32 $0xD0000000, s2;
	s6 =	simm.s32 $0x108;
	_ =	swait.ge @!p0 [sflag:s8], $0x0  }
0x24: {  	s3 =	sadd.s32 $0x88, s3;
	s6 =	simm.s32 @!p1 $0x1082;
	[sflag:s4] =	ssyncset.s32 $0xFFFFF086  }
0x25: {  	[simem:s6], [sflag:s4] =	dma.local [hbm:s3], $0xF7A  }
0x26: {  	[smem:$0x3F96] =	sst s1;
	(tag) =	ssettag s2;
	_ =	strace s9  }
0x27: {  	s1 =	sld [smem:$0x3FA6]  }
0x28: {  	s2 =	sld [smem:$0x3FA7]  }
0x29: {  	s4 =	sld [smem:$0x3FA9]  }
0x2a: {  	p0 =	seq.s32 s5, $0x0;
	s5 =	sld [smem:$0x3FAA]  }
0x2b: {  	s6 =	sld [smem:$0x3FAB]  }
0x2c: {  	s7 =	sld [smem:$0x3FAC]  }
0x2d: {  	s3 =	simm.s32 $0x108;
	s8 =	sld [smem:$0x3FAD]  }
0x2e: {  	s3 =	simm.s32 @!p0 $0x1082;
	s9 =	sld [smem:$0x3FAE]  }
0x2f: {  	lr =	sadd.s32 s0, s3;
	s0 =	sld [smem:$0x3FA5]  }
0x30: {  	s3 =	sld [smem:$0x3FA8]  }
0x31: {  	[smem:$0x3FB1] =	sst s10  }
0x32: {  	s10 =	sld [smem:$0x3FAF];
	_ =	sdelay $0x3  }
0x33: {  	p0 =	seq.s32 s10, $0x1;
	s10 =	sld [smem:$0x3FB1];
	_ =	sdelay $0x3  }
0x34: {  	[smem:$0x3FB1] =	sst s10  }
0x35: {  	s10 =	sld [smem:$0x3FB0];
	_ =	sdelay $0x3  }
0x36: {  	p1 =	seq.s32 s10, $0x1;
	s10 =	sld [smem:$0x3FB1];
	_ =	sdelay $0x3  }
0x37: {  	[smem:$0x3FB1] =	sst s10  }
0x38: {  	s10 =	sld [smem:$0x3FB2]  }
0x39: {  	_ = 	snop;
	(pc) =	sbr.ind lr, $3  }
0x3a: {  	_ = 	snop  }
0x3b: {  	_ = 	snop  }
0x3c: {  	p2 =	seq.s32 s10, $0x1;
	s10 =	sld [smem:$0x3FB1]  }
0x3d: {  	_ =	shalt  }
0x3e: {  	_ =	shalt  }
0x3f: {  	_ =	shalt  }
0x40: {  	_ =	shalt  }
0x41: {  	_ =	shalt  }
0x42: {  	_ =	shalt  }
0x43: {  	_ =	shalt  }
0x44: {  	_ =	shalt  }
0x45: {  	_ =	shalt  }
0x46: {  	_ =	shalt  }
0x47: {  	_ =	shalt  }
0x48: {  	_ =	shalt  }
0x49: {  	_ =	shalt  }
0x4a: {  	_ =	shalt  }
0x4b: {  	_ =	shalt  }
0x4c: {  	_ =	shalt  }
0x4d: {  	_ =	shalt  }
0x4e: {  	_ =	shalt  }
0x4f: {  	_ =	shalt  }
0x50: {  	_ =	shalt  }
0x51: {  	_ =	shalt  }
0x52: {  	_ =	shalt  }
0x53: {  	_ =	shalt  }
0x54: {  	_ =	shalt  }
0x55: {  	_ =	shalt  }
0x56: {  	_ =	shalt  }
0x57: {  	_ =	shalt  }
0x58: {  	_ =	shalt  }
0x59: {  	_ =	shalt  }
0x5a: {  	_ =	shalt  }
0x5b: {  	_ =	shalt  }
0x5c: {  	_ =	shalt  }
0x5d: {  	_ =	shalt  }
0x5e: {  	_ =	shalt  }
0x5f: {  	_ =	shalt  }
0x60: {  	_ =	shalt  }
0x61: {  	_ =	shalt  }
0x62: {  	_ =	shalt  }
0x63: {  	_ =	shalt  }
0x64: {  	_ =	shalt  }
0x65: {  	_ =	shalt  }
0x66: {  	_ =	shalt  }
0x67: {  	_ =	shalt  }
0x68: {  	_ =	shalt  }
0x69: {  	_ =	shalt  }
0x6a: {  	_ =	shalt  }
0x6b: {  	_ =	shalt  }
0x6c: {  	_ =	shalt  }
0x6d: {  	_ =	shalt  }
0x6e: {  	_ =	shalt  }
0x6f: {  	_ =	shalt  }
0x70: {  	_ =	shalt  }
0x71: {  	_ =	shalt  }
0x72: {  	_ =	shalt  }
0x73: {  	_ =	shalt  }
0x74: {  	_ =	shalt  }
0x75: {  	_ =	shalt  }
0x76: {  	_ =	shalt  }
0x77: {  	_ =	shalt  }
0x78: {  	_ =	shalt  }
0x79: {  	_ =	shalt  }
0x7a: {  	_ =	shalt  }
0x7b: {  	_ =	shalt  }
0x7c: {  	_ =	shalt  }
0x7d: {  	_ =	shalt  }
0x7e: {  	_ =	shalt  }
0x7f: {  	_ =	shalt  }
0x80: {  	_ =	shalt  }
0x81: {  	_ =	shalt  }
0x82: {  	_ =	shalt  }
0x83: {  	_ =	shalt  }
0x84: {  	_ =	shalt  }
0x85: {  	_ =	shalt  }
0x86: {  	_ =	shalt  }
0x87: {  	_ =	shalt  }
.Lfunc_end0:
.L_simem_size_0:
called_computation.1_lowered:
.L_overlay_start_0:
0x88: {  	s2 =	sld [smem:$0x3FD9]  }
0x89: {  	s3 =	sld [smem:$0x3FFE];
	_ =	sdelay $0x1  }
0x8a: {  	s1 =	srdreg.scid  }
0x8b: {  	s0 =	sand.u32 $0x1, s1  }
0x8c: {  	s16 =	sshll.u32 s0, $0xA;
	s2 =	sadd.s32 s3, s2  }
0x8d: {  	s2 =	sadd.s32 s2, s16  }
0x8e: {  	[smem:$0x3FBD] =	sst s2  }
0x8f: {  	_ = 	snop  }
0x90: {  	(tm) =	ssettm $0x1  }
0x91: {  	s17 =	sld [smem:$0x3FFB];
	_ =	sdelay $0x3  }
0x92: {  	_ =	strace s17  }
0x93: {  	s2 =	sld [smem:$0x3FFC];
	_ =	sdelay $0x3  }
0x94: {  	_ =	strace s2  }
0x95: {  	s2 =	sld [smem:$0x3FFD];
	_ =	sdelay $0x3  }
0x96: {  	_ =	strace s2  }
0x97: {  	_ =	strace $0x8FFFFFFF  }
0x98: {  	s18 =	sld [smem:$0x3FDB];
	_ =	sdelay $0x1  }
0x99: {  	s19 =	simm.s32 $_scs_section_size  }
0x9a: {  	s4 =	simm.s32 $_size__tile_overlayer_lowered;
	s5 =	simm.s32 $_tile_overlayer_lowered  }
0x9b: {  	s22 =	simm.s32 $0x1BFF;
	s21 =	sshll.u32 s5, $0x1;
	s2 =	sadd.s32 s19, s18  }
0x9c: {  	s6 =	simm.s32 $0x0;
	s20 =	sshll.u32 s4, $0x1;
	s4 =	sadd.s32 s21, s2  }
0x9d: {  	[timem:s6], [sflag:s22] =	dma.local [hbm:s4], s20  }
0x9e: {  	_ =	swait.ge [sflag:s22], s20  }
0x9f: {  	s3 =	ssub.s32 $0x0, s20;
	[sflag:s22] =	ssyncset.done $0x0  }
0xa0: {  	[sflag:s22] =	ssyncadd.s32 s3;
	_ =	sdelay $0x1  }
0xa1: {  	s23 =	simm.s32 $0x1B8B  }
0xa2: {  	_ =	swait.ge [sflag:s23], $0x1  }
0xa3: {  	[sflag:s23] =	ssyncset.done $0x0  }
0xa4: {  	s25 =	simm.s32 $0x1B8E;
	s24 =	sld [smem:$0x3FFE];
	[sflag:s23] =	ssyncadd.s32 $0xFFFFFFFF  }
0xa5: {  	s26 =	simm.s32 $execute0_lowered;
	[smem:$0x3FD2] =	sst s25  }
0xa6: {  	s4 =	sshll.u32 s26, $0x1;
	_ =	strace $0x80000049;
	[dreg:$0x1] =	wrdreg $0xFFFFFFFF  }
0xa7: {  	s28 =	simm.s32 $_size_execute0_lowered;
	s2 =	sadd.s32 s2, s4;
	[dreg:$0x0] =	wrdreg $0x0  }
0xa8: {  	s4 =	sshll.u32 s28, $0x1;
	[dreg:$0x2] =	wrdreg s2  }
0xa9: {  	[dreg:$0x3] =	wrdreg s4  }
0xaa: {  	[dreg:$0x4] =	wrdreg $0xC0  }
0xab: {  	_ =	task [dreg:s6], $0x5FFFF  }
0xac: {  	[dreg:$0x1] =	wrdreg $0xFFFFFFFF  }
0xad: {  	[dreg:$0x0] =	wrdreg $0x60  }
0xae: {  	[dreg:$0x2] =	wrdreg s24  }
0xaf: {  	[dreg:$0x3] =	wrdreg $0x9  }
0xb0: {  	_ =	task.clear_ibuf [dreg:s6], $0x4FFFF;
	_ =	strace $0x90000049  }
0xb1: {  	s29 =	simm.s32 $0x9;
	_ =	strace $0x8000004B  }
0xb2: {  	_ =	swait.ge [sflag:s29], $0x1  }
0xb3: {  	[sflag:s29] =	ssyncadd.s32 $0xFFFFFFFF  }
0xb4: {  	_ =	strace $0x9000004B  }
0xb5: {  	_ =	sfence  }
0xb6: {  	s30 =	sld [smem:$0x0];
	_ =	sdelay $0x2  }
0xb7: {  	s31 =	sshll.u32 s1, $0xD;
	s1 =	sshrl.u32 s1, $0x2  }
0xb8: {  	s3 =	sand.u32 $0x4000, s31;
	s1 =	sadd.s32 s1, s30  }
0xb9: {  	s0 =	sor.u32 s3, s0;
	s1 =	sshll.u32 s1, $0x11  }
0xba: {  	s0 =	sor.u32 s1, s0  }
0xbb: {  	s0 =	sadd.s32 $0x8F2B, s0  }
0xbc: {  	[sflag:s0] =	ssyncadd.remote.s32 $0x1  }
0xbd: {  	_ =	sfence.sel $0xFFFF  }
0xbe: {  	[dreg:$0x0] =	wrdreg $0xFFFFFFFF;
	(pc) =	sbr.abs _section_cstart, $3  }
0xbf: {  	[dreg:$0x1] =	wrdreg $0xFFFFFFFF  }
0xc0: {  	_ =	task.clear_ibuf [dreg:s6], $0x2FFFF;
	_ =	strace $0x9FFFFFFF  }
0xc1: {  	(tm) =	ssettm $0x7FFFFFFF  }
tec
execute0_lowered:
.L_overlay_start_1:
0x0: {  	(tag) =	ssettag $0x1  }
0x1: {  	s1 =	srdreg.scid  }
0x2: {  	s0 =	stileid.u32;
	s4 =	rddreg [dreg:$0x0];
	s2 =	simm.s32 $0x0  }
0x3: {  	s11 =	simm.s32 $0x0;
	s5 =	sand.u32 $0x1, s1;
	s1 =	rddreg [dreg:$0x1]  }
0x4: {  	s3 =	sshll.u32 s0, $0x1;
	[smem:$0x7FF] =	sst s2;
	s7 =	smul.u32 $0x28000, s0  }
0x5: {  	s3 =	sor.u32 s5, s3;
	_ =	strace $0x8000004A;
	s10 =	smul.u32 $0x14000, s5  }
0x6: {  	s8 =	ssub.s32 $0x2, s5;
	s6 =	smul.u32 $0x280, s3;
	s3 =	sadd.s32 $0x16800, s4  }
0x7: {  	s9 =	sshrl.u32 s8, $0x1;
	s30 =	sadd.s32 s7, s4;
	s7 =	simm.s32 $0x2  }
0x8: {  	s31 =	ssub.s32 s8, s9;
	s8 =	simm.s32 $0x50;
	s9 =	simm.s32 $0x1400  }
0x9: {  	s29 =	sadd.s32 s6, s4;
	s5 =	smax.u32 s31, $0x1;
	s6 =	sadd.s32 s10, s30  }
0xa: {  	s10 =	simm.s32 $0x1;
	s4 =	sadd.s32 $0x11800, s29;
	s6 =	sadd.s32 $0x36800, s6  }
.LBB2_1:
0xb: {  	[tilespmem:s2], [sflag:$0x2] =	stream.linear.gather [hbm4b:s4+s2], $0x1400, $0x38;
	[tilespmem:$0x3C00] =	vst v63  }
0xc: {  	_ =	swait.ge [sflag:s7], $0x1400  }
0xd: {  	[sflag:s7] =	ssyncset.done $0x0  }
0xe: {  	s12 =	simm.s32 $0x0;
	[sflag:s7] =	ssyncadd.s32 $0xFFFFEC00  }
0xf: {  	[tilespmem:s9], [sflag:$0x1] =	stream.indirect.gather [hbm4b:s3+s8], $0x80, s12, s8, $0xb8;
	[tilespmem:$0x3C00] =	vst v63  }
0x10: {  	_ =	swait.ge [sflag:s10], $0x2800  }
0x11: {  	[sflag:s10] =	ssyncset.done $0x0  }
0x12: {  	[sflag:s10] =	ssyncadd.s32 $0xFFFFD800  }
0x13: {  	[hbm4b:s6+s2] =	stream.linear.scatter [tilespmem:s9], [sflag:$0x2], $0x2800, $0x38;
	[tilespmem:$0x3C00] =	vst v63  }
0x14: {  	s13 =	simm.s32 $0x140;
	_ =	swait.ge [sflag:s7], $0x2800  }
0x15: {  	s14 =	simm.s32 $0x280;
	s12 =	sadd.s32 $0x500, s6;
	[sflag:s7] =	ssyncset.done $0x0  }
.LBB2_2:
0x16: {  	s15 =	sshra.s32 s13, $0x2  }
0x17: {  	[sflag:s7] =	ssyncadd.s32 $0xFFFFD800;
	s13 =	smov.u32 s14;
	s16 =	sadd.s32 $0x140, s14  }
0x18: {  	[tilespmem:s9], [sflag:$0x1] =	stream.indirect.gather [hbm4b:s3+s8], $0x80, s15, s8, $0xb8;
	[tilespmem:$0x3C00] =	vst v63  }
0x19: {  	p0 =	sne.s32 s14, $0x4EC0;
	_ =	swait.ge [sflag:s10], $0x2800  }
.Ltmp0:
0x1a: {  	[sflag:s10] =	ssyncset.done $0x0;
	(pc) =	sbr.rel @p0 .LBB2_2-.Ltmp0, $4  }
0x1b: {  	[sflag:s10] =	ssyncadd.s32 $0xFFFFD800  }
0x1c: {  	[hbm4b:s12+s2] =	stream.linear.scatter [tilespmem:s9], [sflag:$0x2], $0x2800, $0x38;
	[tilespmem:$0x3C00] =	vst v63  }
0x1d: {  	_ =	swait.ge [sflag:s7], $0x2800  }
0x1e: {  	s14 =	smov.u32 s16;
	s12 =	sadd.s32 $0x500, s12;
	[sflag:s7] =	ssyncset.done $0x0  }
0x1f: {  	s13 =	sshra.s32 s13, $0x2;
	[sflag:s7] =	ssyncadd.s32 $0xFFFFD800  }
0x20: {  	[tilespmem:s9], [sflag:$0x1] =	stream.indirect.gather [hbm4b:s3+s8], $0x80, s13, s8, $0xb8;
	[tilespmem:$0x3C00] =	vst v63  }
0x21: {  	s11 =	sadd.s32 $0x1, s11;
	_ =	swait.ge [sflag:s10], $0x2800  }
0x22: {  	p0 =	sne.s32 s11, s5;
	[sflag:s10] =	ssyncset.done $0x0  }
.Ltmp1:
0x23: {  	[sflag:s10] =	ssyncadd.s32 $0xFFFFD800;
	(pc) =	sbr.rel @p0 .LBB2_1-.Ltmp1, $4  }
0x24: {  	[hbm4b:s12+s2] =	stream.linear.scatter [tilespmem:s9], [sflag:$0x2], $0x2800, $0x38;
	[tilespmem:$0x3C00] =	vst v63  }
0x25: {  	_ =	swait.ge [sflag:s7], $0x2800  }
0x26: {  	[sflag:s7] =	ssyncset.done $0x0  }
0x27: {  	[sflag:s7] =	ssyncadd.s32 $0xFFFFD800  }
0x28: {  	_ =	sfence.sel $0x180000  }
0x29: {  	[bflag:$0x0] =	sbarrier.arrive $0xFFFF  }
0x2a: {  	p0 =	sne.s32 s0, $0x0;
	_ =	strace $0x9000004A  }
0x2b: {  	s0 =	sadd.s32 @!p0 $0x100000, s1;
	[bflag:$0x2] =	sbarrier.arrive $0xFFFF  }
0x2c: {  	[sflag:s0] =	ssyncadd.tile.s32 @!p0 $0x1;
	_ =	shalt  }
.Lfunc_end2:
_tile_overlayer_lowered:
.L_overlay_start_2:
0x2d: {  	(tag) =	ssettag $0x2  }
0x2e: {  	s0 =	rddreg [dreg:$0x0];
	s2 =	stileid.u32  }
0x2f: {  	s1 =	rddreg [dreg:$0x1];
	p0 =	sne.s32 s2, $0x0  }
0x30: {  	s3 =	rddreg [dreg:$0x2];
	[bflag:$0x3] =	sbarrier.arrive $0xFFFF;
	s2 =	simm.s32 @!p0 $0x1C02  }
0x31: {  	[timem:s3], [sflag:s2] =	dma.local @!p0 [hbm:s0], s1  }
0x32: {  	s0 =	simm.s32 @!p0 $0x2  }
0x33: {  	_ =	swait.ge @!p0 [sflag:s0], s1  }
0x34: {  	s1 =	ssub.s32 @!p0 $0x0, s1;
	[sflag:s0] =	ssyncset.done @!p0 $0x0  }
0x35: {  	[sflag:s0] =	ssyncadd.s32 @!p0 s1  }
0x36: {  	[bflag:$0x3] =	sbarrier.arrive $0xFFFF  }
0x37: {  	_ =	shalt  }

// kernel: kernel.21.cloned.1.call-start
scs
__scs_entry_jumppad:
0x0: {  	(pc) =	sbr.rel $0x88, $3  }
0x1: {  	(tag) =	ssettag $0x0;
	lr =	simm.s32 $0x1  }
0x2: {  	[smem:$0x3F96] =	sst lr;
	_ =	strace $0xD0000000  }
0x3: {  	_ = 	snop  }
0x4: {  	_ = 	snop  }
0x5: {  	_ = 	snop  }
0x6: {  	_ = 	snop  }
0x7: {  	_ = 	snop  }
__scs_overlays_trampoline_lowered:
0x8: {  	[smem:$0x3FA5] =	sst s0  }
0x9: {  	[smem:$0x3FA6] =	sst s1  }
0xa: {  	[smem:$0x3FA7] =	sst s2  }
0xb: {  	[smem:$0x3FA8] =	sst s3  }
0xc: {  	[smem:$0x3FA9] =	sst s4  }
0xd: {  	[smem:$0x3FAA] =	sst s5  }
0xe: {  	[smem:$0x3FAB] =	sst s6  }
0xf: {  	[smem:$0x3FAC] =	sst s7  }
0x10: {  	[smem:$0x3FAD] =	sst s8  }
0x11: {  	[smem:$0x3FAE] =	sst s9;
	s0 =	simm.s32 @!p0 $0x0  }
0x12: {  	s1 =	sld [smem:$0x3F94];
	s0 =	simm.s32 @p0 $0x1  }
0x13: {  	[smem:$0x3FAF] =	sst s0;
	s0 =	simm.s32 @!p1 $0x0  }
0x14: {  	s2 =	sld [smem:$0x3F93];
	s0 =	simm.s32 @p1 $0x1  }
0x15: {  	[smem:$0x3FB0] =	sst s0;
	s0 =	simm.s32 @!p2 $0x0  }
0x16: {  	s3 =	sld [smem:$0x3FDB];
	s0 =	simm.s32 @p2 $0x1  }
0x17: {  	s4 =	simm.s32 $0x1BF5;
	[smem:$0x3FB2] =	sst s0  }
0x18: {  	s0 =	sld [smem:$0x3F95];
	_ =	swait.ge [sflag:s4], $0x0  }
0x19: {  	s7 =	sld [smem:$0x3F96]  }
0x1a: {  	s8 =	sadd.s32 $0xFFFFE003, lr  }
0x1b: {  	s9 =	sadd.s32 $0xFFFFFEF7, lr;
	s5 =	simm.s32 $0xFFFFFFFF;
	p2 =	slt.u32 s8, $0xFFFFF086  }
0x1c: {  	p1 =	slt.u32 s9, $0xF7A;
	s5 =	simm.s32 @!p2 $0x0  }
0x1d: {  	s5 =	simm.s32 @p1 $0x1;
	p0 =	seq.s32 s7, s2  }
0x1e: {  	s7 =	smul.u32 @!p0 $0xF7A, s2;
	p2 =	seq.s32 @!p0 s5, $0x0  }
0x1f: {  	s9 =	smul.u32 $0xF7A, s1;
	s8 =	simm.s32 @!p0 $0x1BF5;
	p2 =	por !p2, p0  }
0x20: {  	[sflag:s8] =	ssyncset.s32 @!p0 $0xFFFFF086;
	s6 =	sadd.s32 @!p0 s3, s7;
	s7 =	simm.s32 @!p0 $0x108  }
0x21: {  	s3 =	sadd.s32 s3, s9;
	s6 =	sadd.s32 @!p0 $0x88, s6;
	s7 =	simm.s32 @p2 $0x1082  }
0x22: {  	[simem:s7], [sflag:s8] =	dma.local @!p0 [hbm:s6], $0xF7A  }
0x23: {  	s9 =	sor.u32 $0xD0000000, s2;
	s6 =	simm.s32 $0x108;
	_ =	swait.ge @!p0 [sflag:s8], $0x0  }
0x24: {  	s3 =	sadd.s32 $0x88, s3;
	s6 =	simm.s32 @!p1 $0x1082;
	[sflag:s4] =	ssyncset.s32 $0xFFFFF086  }
0x25: {  	[simem:s6], [sflag:s4] =	dma.local [hbm:s3], $0xF7A  }
0x26: {  	[smem:$0x3F96] =	sst s1;
	(tag) =	ssettag s2;
	_ =	strace s9  }
0x27: {  	s1 =	sld [smem:$0x3FA6]  }
0x28: {  	s2 =	sld [smem:$0x3FA7]  }
0x29: {  	s4 =	sld [smem:$0x3FA9]  }
0x2a: {  	p0 =	seq.s32 s5, $0x0;
	s5 =	sld [smem:$0x3FAA]  }
0x2b: {  	s6 =	sld [smem:$0x3FAB]  }
0x2c: {  	s7 =	sld [smem:$0x3FAC]  }
0x2d: {  	s3 =	simm.s32 $0x108;
	s8 =	sld [smem:$0x3FAD]  }
0x2e: {  	s3 =	simm.s32 @!p0 $0x1082;
	s9 =	sld [smem:$0x3FAE]  }
0x2f: {  	lr =	sadd.s32 s0, s3;
	s0 =	sld [smem:$0x3FA5]  }
0x30: {  	s3 =	sld [smem:$0x3FA8]  }
0x31: {  	[smem:$0x3FB1] =	sst s10  }
0x32: {  	s10 =	sld [smem:$0x3FAF];
	_ =	sdelay $0x3  }
0x33: {  	p0 =	seq.s32 s10, $0x1;
	s10 =	sld [smem:$0x3FB1];
	_ =	sdelay $0x3  }
0x34: {  	[smem:$0x3FB1] =	sst s10  }
0x35: {  	s10 =	sld [smem:$0x3FB0];
	_ =	sdelay $0x3  }
0x36: {  	p1 =	seq.s32 s10, $0x1;
	s10 =	sld [smem:$0x3FB1];
	_ =	sdelay $0x3  }
0x37: {  	[smem:$0x3FB1] =	sst s10  }
0x38: {  	s10 =	sld [smem:$0x3FB2]  }
0x39: {  	_ = 	snop;
	(pc) =	sbr.ind lr, $3  }
0x3a: {  	_ = 	snop  }
0x3b: {  	_ = 	snop  }
0x3c: {  	p2 =	seq.s32 s10, $0x1;
	s10 =	sld [smem:$0x3FB1]  }
0x3d: {  	_ =	shalt  }
0x3e: {  	_ =	shalt  }
0x3f: {  	_ =	shalt  }
0x40: {  	_ =	shalt  }
0x41: {  	_ =	shalt  }
0x42: {  	_ =	shalt  }
0x43: {  	_ =	shalt  }
0x44: {  	_ =	shalt  }
0x45: {  	_ =	shalt  }
0x46: {  	_ =	shalt  }
0x47: {  	_ =	shalt  }
0x48: {  	_ =	shalt  }
0x49: {  	_ =	shalt  }
0x4a: {  	_ =	shalt  }
0x4b: {  	_ =	shalt  }
0x4c: {  	_ =	shalt  }
0x4d: {  	_ =	shalt  }
0x4e: {  	_ =	shalt  }
0x4f: {  	_ =	shalt  }
0x50: {  	_ =	shalt  }
0x51: {  	_ =	shalt  }
0x52: {  	_ =	shalt  }
0x53: {  	_ =	shalt  }
0x54: {  	_ =	shalt  }
0x55: {  	_ =	shalt  }
0x56: {  	_ =	shalt  }
0x57: {  	_ =	shalt  }
0x58: {  	_ =	shalt  }
0x59: {  	_ =	shalt  }
0x5a: {  	_ =	shalt  }
0x5b: {  	_ =	shalt  }
0x5c: {  	_ =	shalt  }
0x5d: {  	_ =	shalt  }
0x5e: {  	_ =	shalt  }
0x5f: {  	_ =	shalt  }
0x60: {  	_ =	shalt  }
0x61: {  	_ =	shalt  }
0x62: {  	_ =	shalt  }
0x63: {  	_ =	shalt  }
0x64: {  	_ =	shalt  }
0x65: {  	_ =	shalt  }
0x66: {  	_ =	shalt  }
0x67: {  	_ =	shalt  }
0x68: {  	_ =	shalt  }
0x69: {  	_ =	shalt  }
0x6a: {  	_ =	shalt  }
0x6b: {  	_ =	shalt  }
0x6c: {  	_ =	shalt  }
0x6d: {  	_ =	shalt  }
0x6e: {  	_ =	shalt  }
0x6f: {  	_ =	shalt  }
0x70: {  	_ =	shalt  }
0x71: {  	_ =	shalt  }
0x72: {  	_ =	shalt  }
0x73: {  	_ =	shalt  }
0x74: {  	_ =	shalt  }
0x75: {  	_ =	shalt  }
0x76: {  	_ =	shalt  }
0x77: {  	_ =	shalt  }
0x78: {  	_ =	shalt  }
0x79: {  	_ =	shalt  }
0x7a: {  	_ =	shalt  }
0x7b: {  	_ =	shalt  }
0x7c: {  	_ =	shalt  }
0x7d: {  	_ =	shalt  }
0x7e: {  	_ =	shalt  }
0x7f: {  	_ =	shalt  }
0x80: {  	_ =	shalt  }
0x81: {  	_ =	shalt  }
0x82: {  	_ =	shalt  }
0x83: {  	_ =	shalt  }
0x84: {  	_ =	shalt  }
0x85: {  	_ =	shalt  }
0x86: {  	_ =	shalt  }
0x87: {  	_ =	shalt  }
.Lfunc_end0:
.L_simem_size_0:
called_computation.2_lowered:
.L_overlay_start_0:
0x88: {  	s2 =	sld [smem:$0x3FD9]  }
0x89: {  	s3 =	sld [smem:$0x3FFE];
	_ =	sdelay $0x1  }
0x8a: {  	s1 =	srdreg.scid  }
0x8b: {  	s0 =	sand.u32 $0x1, s1  }
0x8c: {  	s16 =	sshll.u32 s0, $0xA;
	s2 =	sadd.s32 s3, s2  }
0x8d: {  	s2 =	sadd.s32 s2, s16  }
0x8e: {  	[smem:$0x3FBD] =	sst s2  }
0x8f: {  	_ = 	snop  }
0x90: {  	(tm) =	ssettm $0x1  }
0x91: {  	s17 =	sld [smem:$0x3FFB];
	_ =	sdelay $0x3  }
0x92: {  	_ =	strace s17  }
0x93: {  	s2 =	sld [smem:$0x3FFC];
	_ =	sdelay $0x3  }
0x94: {  	_ =	strace s2  }
0x95: {  	s2 =	sld [smem:$0x3FFD];
	_ =	sdelay $0x3  }
0x96: {  	_ =	strace s2  }
0x97: {  	_ =	strace $0x8FFFFFFF  }
0x98: {  	s18 =	sld [smem:$0x3FDB];
	_ =	sdelay $0x1  }
0x99: {  	s19 =	simm.s32 $_scs_section_size  }
0x9a: {  	s4 =	simm.s32 $_size__tile_overlayer_lowered;
	s5 =	simm.s32 $_tile_overlayer_lowered  }
0x9b: {  	s22 =	simm.s32 $0x1BFF;
	s21 =	sshll.u32 s5, $0x1;
	s2 =	sadd.s32 s19, s18  }
0x9c: {  	s6 =	simm.s32 $0x0;
	s20 =	sshll.u32 s4, $0x1;
	s4 =	sadd.s32 s21, s2  }
0x9d: {  	[timem:s6], [sflag:s22] =	dma.local [hbm:s4], s20  }
0x9e: {  	_ =	swait.ge [sflag:s22], s20  }
0x9f: {  	s3 =	ssub.s32 $0x0, s20;
	[sflag:s22] =	ssyncset.done $0x0  }
0xa0: {  	[sflag:s22] =	ssyncadd.s32 s3;
	_ =	sdelay $0x1  }
0xa1: {  	s23 =	simm.s32 $0x1B8B  }
0xa2: {  	_ =	swait.ge [sflag:s23], $0x1  }
0xa3: {  	[sflag:s23] =	ssyncset.done $0x0  }
0xa4: {  	s25 =	simm.s32 $0x1B8E;
	s24 =	sld [smem:$0x3FFE];
	[sflag:s23] =	ssyncadd.s32 $0xFFFFFFFF  }
0xa5: {  	s26 =	simm.s32 $execute0_lowered;
	[smem:$0x3FD2] =	sst s25  }
0xa6: {  	s4 =	sshll.u32 s26, $0x1;
	_ =	strace $0x8000004C;
	[dreg:$0x1] =	wrdreg $0xFFFFFFFF  }
0xa7: {  	s28 =	simm.s32 $_size_execute0_lowered;
	s2 =	sadd.s32 s2, s4;
	[dreg:$0x0] =	wrdreg $0x0  }
0xa8: {  	s4 =	sshll.u32 s28, $0x1;
	[dreg:$0x2] =	wrdreg s2  }
0xa9: {  	[dreg:$0x3] =	wrdreg s4  }
0xaa: {  	[dreg:$0x4] =	wrdreg $0xC0  }
0xab: {  	_ =	task [dreg:s6], $0x5FFFF  }
0xac: {  	[dreg:$0x1] =	wrdreg $0xFFFFFFFF  }
0xad: {  	[dreg:$0x0] =	wrdreg $0x60  }
0xae: {  	[dreg:$0x2] =	wrdreg s24  }
0xaf: {  	[dreg:$0x3] =	wrdreg $0x9  }
0xb0: {  	_ =	task.clear_ibuf [dreg:s6], $0x4FFFF;
	_ =	strace $0x9000004C  }
0xb1: {  	s29 =	simm.s32 $0x9;
	_ =	strace $0x8000004E  }
0xb2: {  	_ =	swait.ge [sflag:s29], $0x1  }
0xb3: {  	[sflag:s29] =	ssyncadd.s32 $0xFFFFFFFF  }
0xb4: {  	_ =	strace $0x9000004E  }
0xb5: {  	_ =	sfence  }
0xb6: {  	s30 =	sld [smem:$0x0];
	_ =	sdelay $0x2  }
0xb7: {  	s31 =	sshll.u32 s1, $0xD;
	s1 =	sshrl.u32 s1, $0x2  }
0xb8: {  	s3 =	sand.u32 $0x4000, s31;
	s1 =	sadd.s32 s1, s30  }
0xb9: {  	s0 =	sor.u32 s3, s0;
	s1 =	sshll.u32 s1, $0x11  }
0xba: {  	s0 =	sor.u32 s1, s0  }
0xbb: {  	s0 =	sadd.s32 $0x8F2B, s0  }
0xbc: {  	[sflag:s0] =	ssyncadd.remote.s32 $0x1  }
0xbd: {  	_ =	sfence.sel $0xFFFF  }
0xbe: {  	[dreg:$0x0] =	wrdreg $0xFFFFFFFF;
	(pc) =	sbr.abs _section_cstart, $3  }
0xbf: {  	[dreg:$0x1] =	wrdreg $0xFFFFFFFF  }
0xc0: {  	_ =	task.clear_ibuf [dreg:s6], $0x2FFFF;
	_ =	strace $0x9FFFFFFF  }
0xc1: {  	(tm) =	ssettm $0x7FFFFFFF  }
tec
execute0_lowered:
.L_overlay_start_1:
0x0: {  	(tag) =	ssettag $0x1  }
0x1: {  	s1 =	srdreg.scid  }
0x2: {  	s0 =	stileid.u32;
	s4 =	rddreg [dreg:$0x0];
	s2 =	simm.s32 $0x0  }
0x3: {  	s11 =	simm.s32 $0x0;
	s5 =	sand.u32 $0x1, s1;
	s1 =	rddreg [dreg:$0x1]  }
0x4: {  	s3 =	sshll.u32 s0, $0x1;
	[smem:$0x7FF] =	sst s2;
	s7 =	smul.u32 $0x28000, s0  }
0x5: {  	s3 =	sor.u32 s5, s3;
	_ =	strace $0x8000004D;
	s10 =	smul.u32 $0x14000, s5  }
0x6: {  	s8 =	ssub.s32 $0x2, s5;
	s6 =	smul.u32 $0x280, s3;
	s3 =	sadd.s32 $0x26800, s4  }
0x7: {  	s9 =	sshrl.u32 s8, $0x1;
	s30 =	sadd.s32 s7, s4;
	s7 =	simm.s32 $0x2  }
0x8: {  	s31 =	ssub.s32 s8, s9;
	s8 =	simm.s32 $0x50;
	s9 =	simm.s32 $0x1400  }
0x9: {  	s29 =	sadd.s32 s6, s4;
	s5 =	smax.u32 s31, $0x1;
	s6 =	sadd.s32 s10, s30  }
0xa: {  	s10 =	simm.s32 $0x1;
	s4 =	sadd.s32 $0x21800, s29;
	s6 =	sadd.s32 $0x46800, s6  }
.LBB2_1:
0xb: {  	[tilespmem:s2], [sflag:$0x2] =	stream.linear.gather [hbm4b:s4+s2], $0x1400, $0x38;
	[tilespmem:$0x3C00] =	vst v63  }
0xc: {  	_ =	swait.ge [sflag:s7], $0x1400  }
0xd: {  	[sflag:s7] =	ssyncset.done $0x0  }
0xe: {  	s12 =	simm.s32 $0x0;
	[sflag:s7] =	ssyncadd.s32 $0xFFFFEC00  }
0xf: {  	[tilespmem:s9], [sflag:$0x1] =	stream.indirect.gather [hbm4b:s3+s8], $0x80, s12, s8, $0xb8;
	[tilespmem:$0x3C00] =	vst v63  }
0x10: {  	_ =	swait.ge [sflag:s10], $0x2800  }
0x11: {  	[sflag:s10] =	ssyncset.done $0x0  }
0x12: {  	[sflag:s10] =	ssyncadd.s32 $0xFFFFD800  }
0x13: {  	[hbm4b:s6+s2] =	stream.linear.scatter [tilespmem:s9], [sflag:$0x2], $0x2800, $0x38;
	[tilespmem:$0x3C00] =	vst v63  }
0x14: {  	s13 =	simm.s32 $0x140;
	_ =	swait.ge [sflag:s7], $0x2800  }
0x15: {  	s14 =	simm.s32 $0x280;
	s12 =	sadd.s32 $0x500, s6;
	[sflag:s7] =	ssyncset.done $0x0  }
.LBB2_2:
0x16: {  	s15 =	sshra.s32 s13, $0x2  }
0x17: {  	[sflag:s7] =	ssyncadd.s32 $0xFFFFD800;
	s13 =	smov.u32 s14;
	s16 =	sadd.s32 $0x140, s14  }
0x18: {  	[tilespmem:s9], [sflag:$0x1] =	stream.indirect.gather [hbm4b:s3+s8], $0x80, s15, s8, $0xb8;
	[tilespmem:$0x3C00] =	vst v63  }
0x19: {  	p0 =	sne.s32 s14, $0x4EC0;
	_ =	swait.ge [sflag:s10], $0x2800  }
.Ltmp0:
0x1a: {  	[sflag:s10] =	ssyncset.done $0x0;
	(pc) =	sbr.rel @p0 .LBB2_2-.Ltmp0, $4  }
0x1b: {  	[sflag:s10] =	ssyncadd.s32 $0xFFFFD800  }
0x1c: {  	[hbm4b:s12+s2] =	stream.linear.scatter [tilespmem:s9], [sflag:$0x2], $0x2800, $0x38;
	[tilespmem:$0x3C00] =	vst v63  }
0x1d: {  	_ =	swait.ge [sflag:s7], $0x2800  }
0x1e: {  	s14 =	smov.u32 s16;
	s12 =	sadd.s32 $0x500, s12;
	[sflag:s7] =	ssyncset.done $0x0  }
0x1f: {  	s13 =	sshra.s32 s13, $0x2;
	[sflag:s7] =	ssyncadd.s32 $0xFFFFD800  }
0x20: {  	[tilespmem:s9], [sflag:$0x1] =	stream.indirect.gather [hbm4b:s3+s8], $0x80, s13, s8, $0xb8;
	[tilespmem:$0x3C00] =	vst v63  }
0x21: {  	s11 =	sadd.s32 $0x1, s11;
	_ =	swait.ge [sflag:s10], $0x2800  }
0x22: {  	p0 =	sne.s32 s11, s5;
	[sflag:s10] =	ssyncset.done $0x0  }
.Ltmp1:
0x23: {  	[sflag:s10] =	ssyncadd.s32 $0xFFFFD800;
	(pc) =	sbr.rel @p0 .LBB2_1-.Ltmp1, $4  }
0x24: {  	[hbm4b:s12+s2] =	stream.linear.scatter [tilespmem:s9], [sflag:$0x2], $0x2800, $0x38;
	[tilespmem:$0x3C00] =	vst v63  }
0x25: {  	_ =	swait.ge [sflag:s7], $0x2800  }
0x26: {  	[sflag:s7] =	ssyncset.done $0x0  }
0x27: {  	[sflag:s7] =	ssyncadd.s32 $0xFFFFD800  }
0x28: {  	_ =	sfence.sel $0x180000  }
0x29: {  	[bflag:$0x0] =	sbarrier.arrive $0xFFFF  }
0x2a: {  	p0 =	sne.s32 s0, $0x0;
	_ =	strace $0x9000004D  }
0x2b: {  	s0 =	sadd.s32 @!p0 $0x100000, s1;
	[bflag:$0x2] =	sbarrier.arrive $0xFFFF  }
0x2c: {  	[sflag:s0] =	ssyncadd.tile.s32 @!p0 $0x1;
	_ =	shalt  }
.Lfunc_end2:
_tile_overlayer_lowered:
.L_overlay_start_2:
0x2d: {  	(tag) =	ssettag $0x2  }
0x2e: {  	s0 =	rddreg [dreg:$0x0];
	s2 =	stileid.u32  }
0x2f: {  	s1 =	rddreg [dreg:$0x1];
	p0 =	sne.s32 s2, $0x0  }
0x30: {  	s3 =	rddreg [dreg:$0x2];
	[bflag:$0x3] =	sbarrier.arrive $0xFFFF;
	s2 =	simm.s32 @!p0 $0x1C02  }
0x31: {  	[timem:s3], [sflag:s2] =	dma.local @!p0 [hbm:s0], s1  }
0x32: {  	s0 =	simm.s32 @!p0 $0x2  }
0x33: {  	_ =	swait.ge @!p0 [sflag:s0], s1  }
0x34: {  	s1 =	ssub.s32 @!p0 $0x0, s1;
	[sflag:s0] =	ssyncset.done @!p0 $0x0  }
0x35: {  	[sflag:s0] =	ssyncadd.s32 @!p0 s1  }
0x36: {  	[bflag:$0x3] =	sbarrier.arrive $0xFFFF  }
0x37: {  	_ =	shalt  }

// kernel: kernel.24.cloned.1.call-start
scs
__scs_entry_jumppad:
0x0: {  	(pc) =	sbr.rel $0x88, $3  }
0x1: {  	(tag) =	ssettag $0x0;
	lr =	simm.s32 $0x1  }
0x2: {  	[smem:$0x3F96] =	sst lr;
	_ =	strace $0xD0000000  }
0x3: {  	_ = 	snop  }
0x4: {  	_ = 	snop  }
0x5: {  	_ = 	snop  }
0x6: {  	_ = 	snop  }
0x7: {  	_ = 	snop  }
__scs_overlays_trampoline_lowered:
0x8: {  	[smem:$0x3FA5] =	sst s0  }
0x9: {  	[smem:$0x3FA6] =	sst s1  }
0xa: {  	[smem:$0x3FA7] =	sst s2  }
0xb: {  	[smem:$0x3FA8] =	sst s3  }
0xc: {  	[smem:$0x3FA9] =	sst s4  }
0xd: {  	[smem:$0x3FAA] =	sst s5  }
0xe: {  	[smem:$0x3FAB] =	sst s6  }
0xf: {  	[smem:$0x3FAC] =	sst s7  }
0x10: {  	[smem:$0x3FAD] =	sst s8  }
0x11: {  	[smem:$0x3FAE] =	sst s9;
	s0 =	simm.s32 @!p0 $0x0  }
0x12: {  	s1 =	sld [smem:$0x3F94];
	s0 =	simm.s32 @p0 $0x1  }
0x13: {  	[smem:$0x3FAF] =	sst s0;
	s0 =	simm.s32 @!p1 $0x0  }
0x14: {  	s2 =	sld [smem:$0x3F93];
	s0 =	simm.s32 @p1 $0x1  }
0x15: {  	[smem:$0x3FB0] =	sst s0;
	s0 =	simm.s32 @!p2 $0x0  }
0x16: {  	s3 =	sld [smem:$0x3FDB];
	s0 =	simm.s32 @p2 $0x1  }
0x17: {  	s4 =	simm.s32 $0x1BF5;
	[smem:$0x3FB2] =	sst s0  }
0x18: {  	s0 =	sld [smem:$0x3F95];
	_ =	swait.ge [sflag:s4], $0x0  }
0x19: {  	s7 =	sld [smem:$0x3F96]  }
0x1a: {  	s8 =	sadd.s32 $0xFFFFE003, lr  }
0x1b: {  	s9 =	sadd.s32 $0xFFFFFEF7, lr;
	s5 =	simm.s32 $0xFFFFFFFF;
	p2 =	slt.u32 s8, $0xFFFFF086  }
0x1c: {  	p1 =	slt.u32 s9, $0xF7A;
	s5 =	simm.s32 @!p2 $0x0  }
0x1d: {  	s5 =	simm.s32 @p1 $0x1;
	p0 =	seq.s32 s7, s2  }
0x1e: {  	s7 =	smul.u32 @!p0 $0xF7A, s2;
	p2 =	seq.s32 @!p0 s5, $0x0  }
0x1f: {  	s9 =	smul.u32 $0xF7A, s1;
	s8 =	simm.s32 @!p0 $0x1BF5;
	p2 =	por !p2, p0  }
0x20: {  	[sflag:s8] =	ssyncset.s32 @!p0 $0xFFFFF086;
	s6 =	sadd.s32 @!p0 s3, s7;
	s7 =	simm.s32 @!p0 $0x108  }
0x21: {  	s3 =	sadd.s32 s3, s9;
	s6 =	sadd.s32 @!p0 $0x88, s6;
	s7 =	simm.s32 @p2 $0x1082  }
0x22: {  	[simem:s7], [sflag:s8] =	dma.local @!p0 [hbm:s6], $0xF7A  }
0x23: {  	s9 =	sor.u32 $0xD0000000, s2;
	s6 =	simm.s32 $0x108;
	_ =	swait.ge @!p0 [sflag:s8], $0x0  }
0x24: {  	s3 =	sadd.s32 $0x88, s3;
	s6 =	simm.s32 @!p1 $0x1082;
	[sflag:s4] =	ssyncset.s32 $0xFFFFF086  }
0x25: {  	[simem:s6], [sflag:s4] =	dma.local [hbm:s3], $0xF7A  }
0x26: {  	[smem:$0x3F96] =	sst s1;
	(tag) =	ssettag s2;
	_ =	strace s9  }
0x27: {  	s1 =	sld [smem:$0x3FA6]  }
0x28: {  	s2 =	sld [smem:$0x3FA7]  }
0x29: {  	s4 =	sld [smem:$0x3FA9]  }
0x2a: {  	p0 =	seq.s32 s5, $0x0;
	s5 =	sld [smem:$0x3FAA]  }
0x2b: {  	s6 =	sld [smem:$0x3FAB]  }
0x2c: {  	s7 =	sld [smem:$0x3FAC]  }
0x2d: {  	s3 =	simm.s32 $0x108;
	s8 =	sld [smem:$0x3FAD]  }
0x2e: {  	s3 =	simm.s32 @!p0 $0x1082;
	s9 =	sld [smem:$0x3FAE]  }
0x2f: {  	lr =	sadd.s32 s0, s3;
	s0 =	sld [smem:$0x3FA5]  }
0x30: {  	s3 =	sld [smem:$0x3FA8]  }
0x31: {  	[smem:$0x3FB1] =	sst s10  }
0x32: {  	s10 =	sld [smem:$0x3FAF];
	_ =	sdelay $0x3  }
0x33: {  	p0 =	seq.s32 s10, $0x1;
	s10 =	sld [smem:$0x3FB1];
	_ =	sdelay $0x3  }
0x34: {  	[smem:$0x3FB1] =	sst s10  }
0x35: {  	s10 =	sld [smem:$0x3FB0];
	_ =	sdelay $0x3  }
0x36: {  	p1 =	seq.s32 s10, $0x1;
	s10 =	sld [smem:$0x3FB1];
	_ =	sdelay $0x3  }
0x37: {  	[smem:$0x3FB1] =	sst s10  }
0x38: {  	s10 =	sld [smem:$0x3FB2]  }
0x39: {  	_ = 	snop;
	(pc) =	sbr.ind lr, $3  }
0x3a: {  	_ = 	snop  }
0x3b: {  	_ = 	snop  }
0x3c: {  	p2 =	seq.s32 s10, $0x1;
	s10 =	sld [smem:$0x3FB1]  }
0x3d: {  	_ =	shalt  }
0x3e: {  	_ =	shalt  }
0x3f: {  	_ =	shalt  }
0x40: {  	_ =	shalt  }
0x41: {  	_ =	shalt  }
0x42: {  	_ =	shalt  }
0x43: {  	_ =	shalt  }
0x44: {  	_ =	shalt  }
0x45: {  	_ =	shalt  }
0x46: {  	_ =	shalt  }
0x47: {  	_ =	shalt  }
0x48: {  	_ =	shalt  }
0x49: {  	_ =	shalt  }
0x4a: {  	_ =	shalt  }
0x4b: {  	_ =	shalt  }
0x4c: {  	_ =	shalt  }
0x4d: {  	_ =	shalt  }
0x4e: {  	_ =	shalt  }
0x4f: {  	_ =	shalt  }
0x50: {  	_ =	shalt  }
0x51: {  	_ =	shalt  }
0x52: {  	_ =	shalt  }
0x53: {  	_ =	shalt  }
0x54: {  	_ =	shalt  }
0x55: {  	_ =	shalt  }
0x56: {  	_ =	shalt  }
0x57: {  	_ =	shalt  }
0x58: {  	_ =	shalt  }
0x59: {  	_ =	shalt  }
0x5a: {  	_ =	shalt  }
0x5b: {  	_ =	shalt  }
0x5c: {  	_ =	shalt  }
0x5d: {  	_ =	shalt  }
0x5e: {  	_ =	shalt  }
0x5f: {  	_ =	shalt  }
0x60: {  	_ =	shalt  }
0x61: {  	_ =	shalt  }
0x62: {  	_ =	shalt  }
0x63: {  	_ =	shalt  }
0x64: {  	_ =	shalt  }
0x65: {  	_ =	shalt  }
0x66: {  	_ =	shalt  }
0x67: {  	_ =	shalt  }
0x68: {  	_ =	shalt  }
0x69: {  	_ =	shalt  }
0x6a: {  	_ =	shalt  }
0x6b: {  	_ =	shalt  }
0x6c: {  	_ =	shalt  }
0x6d: {  	_ =	shalt  }
0x6e: {  	_ =	shalt  }
0x6f: {  	_ =	shalt  }
0x70: {  	_ =	shalt  }
0x71: {  	_ =	shalt  }
0x72: {  	_ =	shalt  }
0x73: {  	_ =	shalt  }
0x74: {  	_ =	shalt  }
0x75: {  	_ =	shalt  }
0x76: {  	_ =	shalt  }
0x77: {  	_ =	shalt  }
0x78: {  	_ =	shalt  }
0x79: {  	_ =	shalt  }
0x7a: {  	_ =	shalt  }
0x7b: {  	_ =	shalt  }
0x7c: {  	_ =	shalt  }
0x7d: {  	_ =	shalt  }
0x7e: {  	_ =	shalt  }
0x7f: {  	_ =	shalt  }
0x80: {  	_ =	shalt  }
0x81: {  	_ =	shalt  }
0x82: {  	_ =	shalt  }
0x83: {  	_ =	shalt  }
0x84: {  	_ =	shalt  }
0x85: {  	_ =	shalt  }
0x86: {  	_ =	shalt  }
0x87: {  	_ =	shalt  }
.Lfunc_end0:
.L_simem_size_0:
called_computation.3_lowered:
.L_overlay_start_0:
0x88: {  	s2 =	sld [smem:$0x3FD9]  }
0x89: {  	s3 =	sld [smem:$0x3FFE];
	_ =	sdelay $0x1  }
0x8a: {  	s1 =	srdreg.scid  }
0x8b: {  	s0 =	sand.u32 $0x1, s1  }
0x8c: {  	s16 =	sshll.u32 s0, $0xA;
	s2 =	sadd.s32 s3, s2  }
0x8d: {  	s2 =	sadd.s32 s2, s16  }
0x8e: {  	[smem:$0x3FBD] =	sst s2  }
0x8f: {  	_ = 	snop  }
0x90: {  	(tm) =	ssettm $0x1  }
0x91: {  	s17 =	sld [smem:$0x3FFB];
	_ =	sdelay $0x3  }
0x92: {  	_ =	strace s17  }
0x93: {  	s2 =	sld [smem:$0x3FFC];
	_ =	sdelay $0x3  }
0x94: {  	_ =	strace s2  }
0x95: {  	s2 =	sld [smem:$0x3FFD];
	_ =	sdelay $0x3  }
0x96: {  	_ =	strace s2  }
0x97: {  	_ =	strace $0x8FFFFFFF  }
0x98: {  	s18 =	sld [smem:$0x3FDB];
	_ =	sdelay $0x1  }
0x99: {  	s19 =	simm.s32 $_scs_section_size  }
0x9a: {  	s4 =	simm.s32 $_size__tile_overlayer_lowered;
	s5 =	simm.s32 $_tile_overlayer_lowered  }
0x9b: {  	s22 =	simm.s32 $0x1BFF;
	s21 =	sshll.u32 s5, $0x1;
	s2 =	sadd.s32 s19, s18  }
0x9c: {  	s6 =	simm.s32 $0x0;
	s20 =	sshll.u32 s4, $0x1;
	s4 =	sadd.s32 s21, s2  }
0x9d: {  	[timem:s6], [sflag:s22] =	dma.local [hbm:s4], s20  }
0x9e: {  	_ =	swait.ge [sflag:s22], s20  }
0x9f: {  	s3 =	ssub.s32 $0x0, s20;
	[sflag:s22] =	ssyncset.done $0x0  }
0xa0: {  	[sflag:s22] =	ssyncadd.s32 s3;
	_ =	sdelay $0x1  }
0xa1: {  	s23 =	simm.s32 $0x1B8B  }
0xa2: {  	_ =	swait.ge [sflag:s23], $0x1  }
0xa3: {  	[sflag:s23] =	ssyncset.done $0x0  }
0xa4: {  	s25 =	simm.s32 $0x1B8E;
	s24 =	sld [smem:$0x3FFE];
	[sflag:s23] =	ssyncadd.s32 $0xFFFFFFFF  }
0xa5: {  	s26 =	simm.s32 $execute0_lowered;
	[smem:$0x3FD2] =	sst s25  }
0xa6: {  	s4 =	sshll.u32 s26, $0x1;
	_ =	strace $0x8000004F;
	[dreg:$0x1] =	wrdreg $0xFFFFFFFF  }
0xa7: {  	s28 =	simm.s32 $_size_execute0_lowered;
	s2 =	sadd.s32 s2, s4;
	[dreg:$0x0] =	wrdreg $0x0  }
0xa8: {  	s4 =	sshll.u32 s28, $0x1;
	[dreg:$0x2] =	wrdreg s2  }
0xa9: {  	[dreg:$0x3] =	wrdreg s4  }
0xaa: {  	[dreg:$0x4] =	wrdreg $0xC0  }
0xab: {  	_ =	task [dreg:s6], $0x5FFFF  }
0xac: {  	[dreg:$0x1] =	wrdreg $0xFFFFFFFF  }
0xad: {  	[dreg:$0x0] =	wrdreg $0x60  }
0xae: {  	[dreg:$0x2] =	wrdreg s24  }
0xaf: {  	[dreg:$0x3] =	wrdreg $0x9  }
0xb0: {  	_ =	task.clear_ibuf [dreg:s6], $0x4FFFF;
	_ =	strace $0x9000004F  }
0xb1: {  	s29 =	simm.s32 $0x9;
	_ =	strace $0x80000051  }
0xb2: {  	_ =	swait.ge [sflag:s29], $0x1  }
0xb3: {  	[sflag:s29] =	ssyncadd.s32 $0xFFFFFFFF  }
0xb4: {  	_ =	strace $0x90000051  }
0xb5: {  	_ =	sfence  }
0xb6: {  	s30 =	sld [smem:$0x0];
	_ =	sdelay $0x2  }
0xb7: {  	s31 =	sshll.u32 s1, $0xD;
	s1 =	sshrl.u32 s1, $0x2  }
0xb8: {  	s3 =	sand.u32 $0x4000, s31;
	s1 =	sadd.s32 s1, s30  }
0xb9: {  	s0 =	sor.u32 s3, s0;
	s1 =	sshll.u32 s1, $0x11  }
0xba: {  	s0 =	sor.u32 s1, s0  }
0xbb: {  	s0 =	sadd.s32 $0x8F2B, s0  }
0xbc: {  	[sflag:s0] =	ssyncadd.remote.s32 $0x1  }
0xbd: {  	_ =	sfence.sel $0xFFFF  }
0xbe: {  	[dreg:$0x0] =	wrdreg $0xFFFFFFFF;
	(pc) =	sbr.abs _section_cstart, $3  }
0xbf: {  	[dreg:$0x1] =	wrdreg $0xFFFFFFFF  }
0xc0: {  	_ =	task.clear_ibuf [dreg:s6], $0x2FFFF;
	_ =	strace $0x9FFFFFFF  }
0xc1: {  	(tm) =	ssettm $0x7FFFFFFF  }
tec
execute0_lowered:
.L_overlay_start_1:
0x0: {  	(tag) =	ssettag $0x1  }
0x1: {  	s1 =	srdreg.scid  }
0x2: {  	s0 =	stileid.u32;
	s4 =	rddreg [dreg:$0x0];
	s2 =	simm.s32 $0x0  }
0x3: {  	s11 =	simm.s32 $0x0;
	s5 =	sand.u32 $0x1, s1;
	s1 =	rddreg [dreg:$0x1]  }
0x4: {  	s3 =	sshll.u32 s0, $0x1;
	[smem:$0x7FF] =	sst s2;
	s7 =	smul.u32 $0x28000, s0  }
0x5: {  	s3 =	sor.u32 s5, s3;
	_ =	strace $0x80000050;
	s10 =	smul.u32 $0x14000, s5  }
0x6: {  	s8 =	ssub.s32 $0x2, s5;
	s6 =	smul.u32 $0x280, s3;
	s3 =	sadd.s32 $0x41800, s4  }
0x7: {  	s9 =	sshrl.u32 s8, $0x1;
	s30 =	sadd.s32 s7, s4;
	s7 =	simm.s32 $0x2  }
0x8: {  	s31 =	ssub.s32 s8, s9;
	s8 =	simm.s32 $0x50;
	s9 =	simm.s32 $0x1400  }
0x9: {  	s29 =	sadd.s32 s6, s4;
	s5 =	smax.u32 s31, $0x1;
	s6 =	sadd.s32 s10, s30  }
0xa: {  	s10 =	simm.s32 $0x1;
	s4 =	sadd.s32 $0x61800, s29;
	s6 =	sadd.s32 $0x66800, s6  }
.LBB2_1:
0xb: {  	[tilespmem:s2], [sflag:$0x2] =	stream.linear.gather [hbm4b:s4+s2], $0x1400, $0x38;
	[tilespmem:$0x3C00] =	vst v63  }
0xc: {  	_ =	swait.ge [sflag:s7], $0x1400  }
0xd: {  	[sflag:s7] =	ssyncset.done $0x0  }
0xe: {  	s12 =	simm.s32 $0x0;
	[sflag:s7] =	ssyncadd.s32 $0xFFFFEC00  }
0xf: {  	[tilespmem:s9], [sflag:$0x1] =	stream.indirect.gather [hbm4b:s3+s8], $0x80, s12, s8, $0xb8;
	[tilespmem:$0x3C00] =	vst v63  }
0x10: {  	_ =	swait.ge [sflag:s10], $0x2800  }
0x11: {  	[sflag:s10] =	ssyncset.done $0x0  }
0x12: {  	[sflag:s10] =	ssyncadd.s32 $0xFFFFD800  }
0x13: {  	[hbm4b:s6+s2] =	stream.linear.scatter [tilespmem:s9], [sflag:$0x2], $0x2800, $0x38;
	[tilespmem:$0x3C00] =	vst v63  }
0x14: {  	s13 =	simm.s32 $0x140;
	_ =	swait.ge [sflag:s7], $0x2800  }
0x15: {  	s14 =	simm.s32 $0x280;
	s12 =	sadd.s32 $0x500, s6;
	[sflag:s7] =	ssyncset.done $0x0  }
.LBB2_2:
0x16: {  	s15 =	sshra.s32 s13, $0x2  }
0x17: {  	[sflag:s7] =	ssyncadd.s32 $0xFFFFD800;
	s13 =	smov.u32 s14;
	s16 =	sadd.s32 $0x140, s14  }
0x18: {  	[tilespmem:s9], [sflag:$0x1] =	stream.indirect.gather [hbm4b:s3+s8], $0x80, s15, s8, $0xb8;
	[tilespmem:$0x3C00] =	vst v63  }
0x19: {  	p0 =	sne.s32 s14, $0x4EC0;
	_ =	swait.ge [sflag:s10], $0x2800  }
.Ltmp0:
0x1a: {  	[sflag:s10] =	ssyncset.done $0x0;
	(pc) =	sbr.rel @p0 .LBB2_2-.Ltmp0, $4  }
0x1b: {  	[sflag:s10] =	ssyncadd.s32 $0xFFFFD800  }
0x1c: {  	[hbm4b:s12+s2] =	stream.linear.scatter [tilespmem:s9], [sflag:$0x2], $0x2800, $0x38;
	[tilespmem:$0x3C00] =	vst v63  }
0x1d: {  	_ =	swait.ge [sflag:s7], $0x2800  }
0x1e: {  	s14 =	smov.u32 s16;
	s12 =	sadd.s32 $0x500, s12;
	[sflag:s7] =	ssyncset.done $0x0  }
0x1f: {  	s13 =	sshra.s32 s13, $0x2;
	[sflag:s7] =	ssyncadd.s32 $0xFFFFD800  }
0x20: {  	[tilespmem:s9], [sflag:$0x1] =	stream.indirect.gather [hbm4b:s3+s8], $0x80, s13, s8, $0xb8;
	[tilespmem:$0x3C00] =	vst v63  }
0x21: {  	s11 =	sadd.s32 $0x1, s11;
	_ =	swait.ge [sflag:s10], $0x2800  }
0x22: {  	p0 =	sne.s32 s11, s5;
	[sflag:s10] =	ssyncset.done $0x0  }
.Ltmp1:
0x23: {  	[sflag:s10] =	ssyncadd.s32 $0xFFFFD800;
	(pc) =	sbr.rel @p0 .LBB2_1-.Ltmp1, $4  }
0x24: {  	[hbm4b:s12+s2] =	stream.linear.scatter [tilespmem:s9], [sflag:$0x2], $0x2800, $0x38;
	[tilespmem:$0x3C00] =	vst v63  }
0x25: {  	_ =	swait.ge [sflag:s7], $0x2800  }
0x26: {  	[sflag:s7] =	ssyncset.done $0x0  }
0x27: {  	[sflag:s7] =	ssyncadd.s32 $0xFFFFD800  }
0x28: {  	_ =	sfence.sel $0x180000  }
0x29: {  	[bflag:$0x0] =	sbarrier.arrive $0xFFFF  }
0x2a: {  	p0 =	sne.s32 s0, $0x0;
	_ =	strace $0x90000050  }
0x2b: {  	s0 =	sadd.s32 @!p0 $0x100000, s1;
	[bflag:$0x2] =	sbarrier.arrive $0xFFFF  }
0x2c: {  	[sflag:s0] =	ssyncadd.tile.s32 @!p0 $0x1;
	_ =	shalt  }
.Lfunc_end2:
_tile_overlayer_lowered:
.L_overlay_start_2:
0x2d: {  	(tag) =	ssettag $0x2  }
0x2e: {  	s0 =	rddreg [dreg:$0x0];
	s2 =	stileid.u32  }
0x2f: {  	s1 =	rddreg [dreg:$0x1];
	p0 =	sne.s32 s2, $0x0  }
0x30: {  	s3 =	rddreg [dreg:$0x2];
	[bflag:$0x3] =	sbarrier.arrive $0xFFFF;
	s2 =	simm.s32 @!p0 $0x1C02  }
0x31: {  	[timem:s3], [sflag:s2] =	dma.local @!p0 [hbm:s0], s1  }
0x32: {  	s0 =	simm.s32 @!p0 $0x2  }
0x33: {  	_ =	swait.ge @!p0 [sflag:s0], s1  }
0x34: {  	s1 =	ssub.s32 @!p0 $0x0, s1;
	[sflag:s0] =	ssyncset.done @!p0 $0x0  }
0x35: {  	[sflag:s0] =	ssyncadd.s32 @!p0 s1  }
0x36: {  	[bflag:$0x3] =	sbarrier.arrive $0xFFFF  }
0x37: {  	_ =	shalt  }

</sc_bundles>
